<compile_context>
chip_gen: v7x
topology: tpu7x:2x2x1
jax: 0.10.2.dev20260603
libtpu: 0.0.44.dev20260713+nightly
codegen_flags: <defaults>
</compile_context>

<pallas_src>
import jax
import jax.numpy as jnp
from jax import lax
from jax.experimental import pallas as pl
from jax.experimental.pallas import tpu as pltpu
from jax.experimental.pallas import tpu_sc as plsc

N = 10000
D = 128
E = 320000
EPS = 1e-5

NC = 2
NS = 16
NW = NC * NS

NP = 10112
EP = 327680
C = 128
EDGES_PER_TILE = EP // NW
CHUNKS = EDGES_PER_TILE // C
ROWS_PER_TILE = NP // NS
WB_CHUNKS = ((0, 128), (128, 128), (256, 128), (384, 128), (512, 120))


def _sc_body(do_deg, x_hbm, src_hbm, dst_hbm, zrows_hbm, ones_hbm,
             out_hbm, deg_out_hbm, src_idx, dst_idx, rows, ones_v,
             acc_sh, sem):
    c = lax.axis_index("c")
    s = lax.axis_index("s")
    wid = s * NC + c
    r0 = s * ROWS_PER_TILE
    ebase = wid * EDGES_PER_TILE

    def zero_acc():
        pltpu.sync_copy(zrows_hbm, rows)
        for off, nrows in WB_CHUNKS:
            pltpu.sync_copy(rows.at[pl.ds(0, nrows)],
                            acc_sh.at[pl.ds(r0 + off, nrows)])

    def writeback(dst_ref):
        for off, nrows in WB_CHUNKS:
            pltpu.sync_copy(acc_sh.at[pl.ds(r0 + off, nrows)],
                            rows.at[pl.ds(0, nrows)])
            pltpu.sync_copy(rows.at[pl.ds(0, nrows)],
                            dst_ref.at[c, pl.ds(r0 + off, nrows)])

    zero_acc()
    plsc.subcore_barrier()

    def chunk(i, carry):
        base = ebase + i * C
        pltpu.sync_copy(src_hbm.at[pl.ds(base, C)], src_idx)
        pltpu.sync_copy(dst_hbm.at[pl.ds(base, C)], dst_idx)
        pltpu.async_copy(x_hbm.at[src_idx], rows, sem).wait()
        pltpu.sync_copy(rows, acc_sh.at[dst_idx], add=True)
        return carry

    lax.fori_loop(0, CHUNKS, chunk, 0)
    plsc.subcore_barrier()
    writeback(out_hbm)

    if do_deg:
        plsc.subcore_barrier()
        zero_acc()
        pltpu.sync_copy(ones_hbm, ones_v)
        plsc.subcore_barrier()

        def dchunk(i, carry):
            base = ebase + i * C
            pltpu.sync_copy(dst_hbm.at[pl.ds(base, C)], dst_idx)
            pltpu.sync_copy(ones_v, acc_sh.at[dst_idx], add=True)
            return carry

        lax.fori_loop(0, CHUNKS, dchunk, 0)
        plsc.subcore_barrier()
        writeback(deg_out_hbm)


def _make_sc_agg(do_deg):
    mesh = plsc.VectorSubcoreMesh(core_axis_name="c", subcore_axis_name="s",
                                  num_cores=NC, num_subcores=NS)
    out_type = [jax.ShapeDtypeStruct((NC, NP, D), jnp.float32)]
    if do_deg:
        out_type.append(jax.ShapeDtypeStruct((NC, NP, D), jnp.float32))
    scratch = [
        pltpu.VMEM((C,), jnp.int32),
        pltpu.VMEM((C,), jnp.int32),
        pltpu.VMEM((C, D), jnp.float32),
        pltpu.VMEM((C, D), jnp.float32),
        pltpu.VMEM_SHARED((NP, D), jnp.float32),
        pltpu.SemaphoreType.DMA,
    ]
    if do_deg:
        def body(x, src, dst, zr, on, out, deg_out, *rest):
            return _sc_body(True, x, src, dst, zr, on, out, deg_out, *rest)
    else:
        def body(x, src, dst, zr, on, out, *rest):
            return _sc_body(False, x, src, dst, zr, on, out, None, *rest)
    return pl.kernel(body, out_type=tuple(out_type), mesh=mesh,
                     scratch_types=scratch)


def _tc_layer1(x_ref, parts_ref, degp_ref, wl_ref, bl_ref, wr_ref,
               gamma_ref, beta_ref, h_ref):
    agg = parts_ref[0, :N, :] + parts_ref[1, :N, :]
    deg16 = degp_ref[0, :N, :16] + degp_ref[1, :N, :16]
    deg = jnp.max(deg16, axis=1, keepdims=True)
    rdeg = 1.0 / jnp.maximum(deg, 1.0)
    dn = (((1,), (1,)), ((), ()))
    h = lax.dot_general(agg * rdeg, wl_ref[...], dn,
                        preferred_element_type=jnp.float32)
    h = h + bl_ref[...] + lax.dot_general(x_ref[...], wr_ref[...], dn,
                                          preferred_element_type=jnp.float32)
    mean = jnp.mean(h, axis=0, keepdims=True)
    var = jnp.mean((h - mean) ** 2, axis=0, keepdims=True)
    h_hat = (h - mean) * lax.rsqrt(var + EPS)
    h = gamma_ref[...] * h_hat + beta_ref[...]
    h_ref[...] = jnp.maximum(h, 0.0)


def _tc_layer2(h_ref, parts_ref, degp_ref, wl_ref, bl_ref, wr_ref, out_ref):
    agg = parts_ref[0, :N, :] + parts_ref[1, :N, :]
    deg16 = degp_ref[0, :N, :16] + degp_ref[1, :N, :16]
    deg = jnp.max(deg16, axis=1, keepdims=True)
    rdeg = 1.0 / jnp.maximum(deg, 1.0)
    dn = (((1,), (1,)), ((), ()))
    out = lax.dot_general(agg * rdeg, wl_ref[...], dn,
                          preferred_element_type=jnp.float32)
    out_ref[...] = out + bl_ref[...] + lax.dot_general(
        h_ref[...], wr_ref[...], dn, preferred_element_type=jnp.float32)


_sc_agg_deg = _make_sc_agg(True)
_sc_agg = _make_sc_agg(False)


def kernel(x, edge_index, W_l1, b_l1, W_r1, gamma, beta, W_l2, b_l2, W_r2):
    src = edge_index[0]
    dst = edge_index[1]
    npad = EP - E
    src_p = jnp.concatenate([src, jnp.zeros((npad,), jnp.int32)])
    dst_p = jnp.concatenate(
        [dst, N + (jnp.arange(npad, dtype=jnp.int32) % (NP - N))])
    zrows = jnp.zeros((C, D), jnp.float32)
    ones128 = jnp.ones((C, D), jnp.float32)

    parts1, degp = _sc_agg_deg(x, src_p, dst_p, zrows, ones128)

    bl1 = b_l1.reshape(1, D)
    g = gamma.reshape(1, D)
    b = beta.reshape(1, D)
    h = pl.pallas_call(
        _tc_layer1,
        out_shape=jax.ShapeDtypeStruct((N, D), jnp.float32),
    )(x, parts1, degp, W_l1, bl1, W_r1, g, b)

    (parts2,) = _sc_agg(h, src_p, dst_p, zrows, ones128)

    bl2 = b_l2.reshape(1, D)
    out = pl.pallas_call(
        _tc_layer2,
        out_shape=jax.ShapeDtypeStruct((N, D), jnp.float32),
    )(h, parts2, degp, W_l2, bl2, W_r2)
    return out

# --- scband reference (transcript-rebuilt; emitter-appended) ---
"""Pipeline reference for scband-graph-sage-5385888989319 (READ-ONLY COPY).

The authoritative reference and input builder live on the scoring server;
editing this copy changes nothing except your own understanding.
"""

import jax, jax.numpy as jnp
import numpy as np

N = 10000
E = 320000
D = 128
H = 128
O = 128
EPS = 1e-5


def sage_conv(x, edge_index, W_l, b_l, W_r, num_nodes):
    # PyG SAGEConv with mean aggregation:
    # out = lin_l(mean_{j in N(i)} x_j) + lin_r(x_i)
    src = edge_index[0]
    dst = edge_index[1]
    msgs = jnp.take(x, src, axis=0)
    agg_sum = jax.ops.segment_sum(msgs, dst, num_segments=num_nodes)
    deg = jax.ops.segment_sum(jnp.ones((msgs.shape[0],), dtype=x.dtype), dst, num_segments=num_nodes)
    deg = jnp.clip(deg, 1.0, None)
    agg = agg_sum / deg[:, None]
    return agg @ W_l.T + b_l + x @ W_r.T


def batch_norm(h, gamma, beta):
    mean = jnp.mean(h, axis=0)
    var = jnp.var(h, axis=0)
    h_hat = (h - mean) / jnp.sqrt(var + EPS)
    return gamma * h_hat + beta


def setup_inputs(seed: int = 0) -> dict:
    key = jax.random.key(seed)
    ks = jax.random.split(key, 10)
    x = jax.random.normal(ks[0], (N, D), dtype=jnp.float32)
    edge_index = jax.random.randint(ks[1], (2, E), 0, N, dtype=jnp.int32)
    s1 = 1.0 / np.sqrt(D)
    s2 = 1.0 / np.sqrt(H)
    W_l1 = jax.random.uniform(ks[2], (H, D), jnp.float32, -s1, s1)
    b_l1 = jax.random.uniform(ks[3], (H,), jnp.float32, -s1, s1)
    W_r1 = jax.random.uniform(ks[4], (H, D), jnp.float32, -s1, s1)
    gamma = jnp.ones((H,), dtype=jnp.float32)
    beta = jnp.zeros((H,), dtype=jnp.float32)
    W_l2 = jax.random.uniform(ks[5], (O, H), jnp.float32, -s2, s2)
    b_l2 = jax.random.uniform(ks[6], (O,), jnp.float32, -s2, s2)
    W_r2 = jax.random.uniform(ks[7], (O, H), jnp.float32, -s2, s2)
    return {
        "x": x,
        "edge_index": edge_index,
        "W_l1": W_l1,
        "b_l1": b_l1,
        "W_r1": W_r1,
        "gamma": gamma,
        "beta": beta,
        "W_l2": W_l2,
        "b_l2": b_l2,
        "W_r2": W_r2,
    }


def reference(x, edge_index, W_l1, b_l1, W_r1, gamma, beta, W_l2, b_l2, W_r2):
    # dropout(p=0.0) is identity
    h = sage_conv(x, edge_index, W_l1, b_l1, W_r1, N)
    h = batch_norm(h, gamma, beta)
    h = jax.nn.relu(h)
    out = sage_conv(h, edge_index, W_l2, b_l2, W_r2, N)
    return out

if __name__ == "__main__":
    import jax
    _d = setup_inputs()
    print(jax.jit(kernel)(*tuple(_d.values())))

</pallas_src>

<mosaic_0001>
#map = affine_map<(d0, d1) -> (0, 0)>
#map1 = affine_map<(d0, d1) -> (0)>
#map2 = affine_map<(d0, d1) -> (0, 0, 0)>
module attributes {stable_mosaic.version = 14 : i64} {
  func.func @body(%arg0: i32, %arg1: i32, %arg2: memref<10000x128xf32, #tpu.memory_space<hbm>>, %arg3: memref<327680xi32, #tpu.memory_space<hbm>>, %arg4: memref<327680xi32, #tpu.memory_space<hbm>>, %arg5: memref<128x128xf32, #tpu.memory_space<hbm>>, %arg6: memref<128x128xf32, #tpu.memory_space<hbm>>, %arg7: memref<2x10112x128xf32, #tpu.memory_space<hbm>>, %arg8: memref<128xi32, #tpu.memory_space<vmem>>, %arg9: memref<128xi32, #tpu.memory_space<vmem>>, %arg10: memref<128x128xf32, #tpu.memory_space<vmem>>, %arg11: memref<128x128xf32, #tpu.memory_space<vmem>>, %arg12: memref<10112x128xf32, #tpu.memory_space<vmem_shared>>, %arg13: memref<!tpu.dma_semaphore, #tpu.memory_space<semaphore_mem>>) attributes {dimension_semantics = [#tpu.dimension_semantics<core_parallel>, #tpu.dimension_semantics<subcore_parallel>], iteration_bounds = array<i64: 2, 16>, scalar_prefetch = 0 : i64, scratch_operands = 6 : i64, tpu.core_type = #tpu.core_type<sc_vector_subcore>, window_params = [{transform_indices = #map}, {transform_indices = #map1}, {transform_indices = #map1}, {transform_indices = #map}, {transform_indices = #map}, {transform_indices = #map2}]} {
    %mul3A = arith.constant 2 : i32
    %mul3A_0 = arith.muli %arg1, %mul3A : i32
    %add3A = arith.addi %mul3A_0, %arg0 : i32
    %mul3A_1 = arith.constant 632 : i32
    %mul3A_2 = arith.muli %arg1, %mul3A_1 : i32
    %mul3A_3 = arith.constant 10240 : i32
    %mul3A_4 = arith.muli %add3A, %mul3A_3 : i32
    "tpu.region"() ({
      %run_scoped3A = tpu.sem_alloc : memref<!tpu.dma_semaphore, #tpu.memory_space<semaphore_mem>>
      tpu.enqueue_dma source(%arg5 : memref<128x128xf32, #tpu.memory_space<hbm>>) target(%arg10 : memref<128x128xf32, #tpu.memory_space<vmem>>) target_semaphore(%run_scoped3A : memref<!tpu.dma_semaphore, #tpu.memory_space<semaphore_mem>>)
      tpu.wait_dma2 semaphore(%run_scoped3A : memref<!tpu.dma_semaphore, #tpu.memory_space<semaphore_mem>>) src(%arg5 : memref<128x128xf32, #tpu.memory_space<hbm>>) dst(%arg10 : memref<128x128xf32, #tpu.memory_space<vmem>>)
      tpu.yield
    }) : () -> ()
    %add3A_5 = arith.constant 0 : i32
    %add3A_6 = arith.addi %mul3A_2, %add3A_5 : i32
    "tpu.region"() ({
      %run_scoped3A = tpu.sem_alloc : memref<!tpu.dma_semaphore, #tpu.memory_space<semaphore_mem>>
      %dma_start3A = arith.constant 0 : i32
      %dma_start3A_41 = arith.constant 0 : i32
      %dma_start3A_42 = tpu.memref_slice %arg10[%dma_start3A, %dma_start3A_41] : memref<128x128xf32, #tpu.memory_space<vmem>> -> memref<128x128xf32, #tpu.memory_space<vmem>>
      %dma_start3A_43 = arith.constant 0 : i32
      %dma_start3A_44 = tpu.memref_slice %arg12[%add3A_6, %dma_start3A_43] : memref<10112x128xf32, #tpu.memory_space<vmem_shared>> -> memref<128x128xf32, #tpu.memory_space<vmem_shared>>
      %dma_start3A_45 = arith.constant 0 : i32
      %dma_start3A_46 = tpu.memref_slice %arg12[%add3A_6, %dma_start3A_45] : memref<10112x128xf32, #tpu.memory_space<vmem_shared>> -> memref<128x128xf32, #tpu.memory_space<vmem_shared>>
      %dma_start3A_47 = arith.constant 0 : i32
      %dma_start3A_48 = arith.constant 0 : i32
      %dma_start3A_49 = tpu.memref_slice %arg10[%dma_start3A_47, %dma_start3A_48] : memref<128x128xf32, #tpu.memory_space<vmem>> -> memref<128x128xf32, #tpu.memory_space<vmem>>
      tpu.enqueue_dma source(%dma_start3A_49 : memref<128x128xf32, #tpu.memory_space<vmem>>) target(%dma_start3A_46 : memref<128x128xf32, #tpu.memory_space<vmem_shared>>) target_semaphore(%run_scoped3A : memref<!tpu.dma_semaphore, #tpu.memory_space<semaphore_mem>>)
      %dma_wait3A = arith.constant 0 : i32
      %dma_wait3A_50 = arith.constant 0 : i32
      %dma_wait3A_51 = tpu.memref_slice %arg10[%dma_wait3A, %dma_wait3A_50] : memref<128x128xf32, #tpu.memory_space<vmem>> -> memref<128x128xf32, #tpu.memory_space<vmem>>
      %dma_wait3A_52 = arith.constant 0 : i32
      %dma_wait3A_53 = tpu.memref_slice %arg12[%add3A_6, %dma_wait3A_52] : memref<10112x128xf32, #tpu.memory_space<vmem_shared>> -> memref<128x128xf32, #tpu.memory_space<vmem_shared>>
      %dma_wait3A_54 = arith.constant 0 : i32
      %dma_wait3A_55 = tpu.memref_slice %arg12[%add3A_6, %dma_wait3A_54] : memref<10112x128xf32, #tpu.memory_space<vmem_shared>> -> memref<128x128xf32, #tpu.memory_space<vmem_shared>>
      %dma_wait3A_56 = arith.constant 0 : i32
      %dma_wait3A_57 = arith.constant 0 : i32
      %dma_wait3A_58 = tpu.memref_slice %arg10[%dma_wait3A_56, %dma_wait3A_57] : memref<128x128xf32, #tpu.memory_space<vmem>> -> memref<128x128xf32, #tpu.memory_space<vmem>>
      tpu.wait_dma2 semaphore(%run_scoped3A : memref<!tpu.dma_semaphore, #tpu.memory_space<semaphore_mem>>) src(%dma_wait3A_58 : memref<128x128xf32, #tpu.memory_space<vmem>>) dst(%dma_wait3A_55 : memref<128x128xf32, #tpu.memory_space<vmem_shared>>)
      tpu.yield
    }) : () -> ()
    %add3A_7 = arith.constant 128 : i32
    %add3A_8 = arith.addi %mul3A_2, %add3A_7 : i32
    "tpu.region"() ({
      %run_scoped3A = tpu.sem_alloc : memref<!tpu.dma_semaphore, #tpu.memory_space<semaphore_mem>>
      %dma_start3A = arith.constant 0 : i32
      %dma_start3A_41 = arith.constant 0 : i32
      %dma_start3A_42 = tpu.memref_slice %arg10[%dma_start3A, %dma_start3A_41] : memref<128x128xf32, #tpu.memory_space<vmem>> -> memref<128x128xf32, #tpu.memory_space<vmem>>
      %dma_start3A_43 = arith.constant 0 : i32
      %dma_start3A_44 = tpu.memref_slice %arg12[%add3A_8, %dma_start3A_43] : memref<10112x128xf32, #tpu.memory_space<vmem_shared>> -> memref<128x128xf32, #tpu.memory_space<vmem_shared>>
      %dma_start3A_45 = arith.constant 0 : i32
      %dma_start3A_46 = tpu.memref_slice %arg12[%add3A_8, %dma_start3A_45] : memref<10112x128xf32, #tpu.memory_space<vmem_shared>> -> memref<128x128xf32, #tpu.memory_space<vmem_shared>>
      %dma_start3A_47 = arith.constant 0 : i32
      %dma_start3A_48 = arith.constant 0 : i32
      %dma_start3A_49 = tpu.memref_slice %arg10[%dma_start3A_47, %dma_start3A_48] : memref<128x128xf32, #tpu.memory_space<vmem>> -> memref<128x128xf32, #tpu.memory_space<vmem>>
      tpu.enqueue_dma source(%dma_start3A_49 : memref<128x128xf32, #tpu.memory_space<vmem>>) target(%dma_start3A_46 : memref<128x128xf32, #tpu.memory_space<vmem_shared>>) target_semaphore(%run_scoped3A : memref<!tpu.dma_semaphore, #tpu.memory_space<semaphore_mem>>)
      %dma_wait3A = arith.constant 0 : i32
      %dma_wait3A_50 = arith.constant 0 : i32
      %dma_wait3A_51 = tpu.memref_slice %arg10[%dma_wait3A, %dma_wait3A_50] : memref<128x128xf32, #tpu.memory_space<vmem>> -> memref<128x128xf32, #tpu.memory_space<vmem>>
      %dma_wait3A_52 = arith.constant 0 : i32
      %dma_wait3A_53 = tpu.memref_slice %arg12[%add3A_8, %dma_wait3A_52] : memref<10112x128xf32, #tpu.memory_space<vmem_shared>> -> memref<128x128xf32, #tpu.memory_space<vmem_shared>>
      %dma_wait3A_54 = arith.constant 0 : i32
      %dma_wait3A_55 = tpu.memref_slice %arg12[%add3A_8, %dma_wait3A_54] : memref<10112x128xf32, #tpu.memory_space<vmem_shared>> -> memref<128x128xf32, #tpu.memory_space<vmem_shared>>
      %dma_wait3A_56 = arith.constant 0 : i32
      %dma_wait3A_57 = arith.constant 0 : i32
      %dma_wait3A_58 = tpu.memref_slice %arg10[%dma_wait3A_56, %dma_wait3A_57] : memref<128x128xf32, #tpu.memory_space<vmem>> -> memref<128x128xf32, #tpu.memory_space<vmem>>
      tpu.wait_dma2 semaphore(%run_scoped3A : memref<!tpu.dma_semaphore, #tpu.memory_space<semaphore_mem>>) src(%dma_wait3A_58 : memref<128x128xf32, #tpu.memory_space<vmem>>) dst(%dma_wait3A_55 : memref<128x128xf32, #tpu.memory_space<vmem_shared>>)
      tpu.yield
    }) : () -> ()
    %add3A_9 = arith.constant 256 : i32
    %add3A_10 = arith.addi %mul3A_2, %add3A_9 : i32
    "tpu.region"() ({
      %run_scoped3A = tpu.sem_alloc : memref<!tpu.dma_semaphore, #tpu.memory_space<semaphore_mem>>
      %dma_start3A = arith.constant 0 : i32
      %dma_start3A_41 = arith.constant 0 : i32
      %dma_start3A_42 = tpu.memref_slice %arg10[%dma_start3A, %dma_start3A_41] : memref<128x128xf32, #tpu.memory_space<vmem>> -> memref<128x128xf32, #tpu.memory_space<vmem>>
      %dma_start3A_43 = arith.constant 0 : i32
      %dma_start3A_44 = tpu.memref_slice %arg12[%add3A_10, %dma_start3A_43] : memref<10112x128xf32, #tpu.memory_space<vmem_shared>> -> memref<128x128xf32, #tpu.memory_space<vmem_shared>>
      %dma_start3A_45 = arith.constant 0 : i32
      %dma_start3A_46 = tpu.memref_slice %arg12[%add3A_10, %dma_start3A_45] : memref<10112x128xf32, #tpu.memory_space<vmem_shared>> -> memref<128x128xf32, #tpu.memory_space<vmem_shared>>
      %dma_start3A_47 = arith.constant 0 : i32
      %dma_start3A_48 = arith.constant 0 : i32
      %dma_start3A_49 = tpu.memref_slice %arg10[%dma_start3A_47, %dma_start3A_48] : memref<128x128xf32, #tpu.memory_space<vmem>> -> memref<128x128xf32, #tpu.memory_space<vmem>>
      tpu.enqueue_dma source(%dma_start3A_49 : memref<128x128xf32, #tpu.memory_space<vmem>>) target(%dma_start3A_46 : memref<128x128xf32, #tpu.memory_space<vmem_shared>>) target_semaphore(%run_scoped3A : memref<!tpu.dma_semaphore, #tpu.memory_space<semaphore_mem>>)
      %dma_wait3A = arith.constant 0 : i32
      %dma_wait3A_50 = arith.constant 0 : i32
      %dma_wait3A_51 = tpu.memref_slice %arg10[%dma_wait3A, %dma_wait3A_50] : memref<128x128xf32, #tpu.memory_space<vmem>> -> memref<128x128xf32, #tpu.memory_space<vmem>>
      %dma_wait3A_52 = arith.constant 0 : i32
      %dma_wait3A_53 = tpu.memref_slice %arg12[%add3A_10, %dma_wait3A_52] : memref<10112x128xf32, #tpu.memory_space<vmem_shared>> -> memref<128x128xf32, #tpu.memory_space<vmem_shared>>
      %dma_wait3A_54 = arith.constant 0 : i32
      %dma_wait3A_55 = tpu.memref_slice %arg12[%add3A_10, %dma_wait3A_54] : memref<10112x128xf32, #tpu.memory_space<vmem_shared>> -> memref<128x128xf32, #tpu.memory_space<vmem_shared>>
      %dma_wait3A_56 = arith.constant 0 : i32
      %dma_wait3A_57 = arith.constant 0 : i32
      %dma_wait3A_58 = tpu.memref_slice %arg10[%dma_wait3A_56, %dma_wait3A_57] : memref<128x128xf32, #tpu.memory_space<vmem>> -> memref<128x128xf32, #tpu.memory_space<vmem>>
      tpu.wait_dma2 semaphore(%run_scoped3A : memref<!tpu.dma_semaphore, #tpu.memory_space<semaphore_mem>>) src(%dma_wait3A_58 : memref<128x128xf32, #tpu.memory_space<vmem>>) dst(%dma_wait3A_55 : memref<128x128xf32, #tpu.memory_space<vmem_shared>>)
      tpu.yield
    }) : () -> ()
    %add3A_11 = arith.constant 384 : i32
    %add3A_12 = arith.addi %mul3A_2, %add3A_11 : i32
    "tpu.region"() ({
      %run_scoped3A = tpu.sem_alloc : memref<!tpu.dma_semaphore, #tpu.memory_space<semaphore_mem>>
      %dma_start3A = arith.constant 0 : i32
      %dma_start3A_41 = arith.constant 0 : i32
      %dma_start3A_42 = tpu.memref_slice %arg10[%dma_start3A, %dma_start3A_41] : memref<128x128xf32, #tpu.memory_space<vmem>> -> memref<128x128xf32, #tpu.memory_space<vmem>>
      %dma_start3A_43 = arith.constant 0 : i32
      %dma_start3A_44 = tpu.memref_slice %arg12[%add3A_12, %dma_start3A_43] : memref<10112x128xf32, #tpu.memory_space<vmem_shared>> -> memref<128x128xf32, #tpu.memory_space<vmem_shared>>
      %dma_start3A_45 = arith.constant 0 : i32
      %dma_start3A_46 = tpu.memref_slice %arg12[%add3A_12, %dma_start3A_45] : memref<10112x128xf32, #tpu.memory_space<vmem_shared>> -> memref<128x128xf32, #tpu.memory_space<vmem_shared>>
      %dma_start3A_47 = arith.constant 0 : i32
      %dma_start3A_48 = arith.constant 0 : i32
      %dma_start3A_49 = tpu.memref_slice %arg10[%dma_start3A_47, %dma_start3A_48] : memref<128x128xf32, #tpu.memory_space<vmem>> -> memref<128x128xf32, #tpu.memory_space<vmem>>
      tpu.enqueue_dma source(%dma_start3A_49 : memref<128x128xf32, #tpu.memory_space<vmem>>) target(%dma_start3A_46 : memref<128x128xf32, #tpu.memory_space<vmem_shared>>) target_semaphore(%run_scoped3A : memref<!tpu.dma_semaphore, #tpu.memory_space<semaphore_mem>>)
      %dma_wait3A = arith.constant 0 : i32
      %dma_wait3A_50 = arith.constant 0 : i32
      %dma_wait3A_51 = tpu.memref_slice %arg10[%dma_wait3A, %dma_wait3A_50] : memref<128x128xf32, #tpu.memory_space<vmem>> -> memref<128x128xf32, #tpu.memory_space<vmem>>
      %dma_wait3A_52 = arith.constant 0 : i32
      %dma_wait3A_53 = tpu.memref_slice %arg12[%add3A_12, %dma_wait3A_52] : memref<10112x128xf32, #tpu.memory_space<vmem_shared>> -> memref<128x128xf32, #tpu.memory_space<vmem_shared>>
      %dma_wait3A_54 = arith.constant 0 : i32
      %dma_wait3A_55 = tpu.memref_slice %arg12[%add3A_12, %dma_wait3A_54] : memref<10112x128xf32, #tpu.memory_space<vmem_shared>> -> memref<128x128xf32, #tpu.memory_space<vmem_shared>>
      %dma_wait3A_56 = arith.constant 0 : i32
      %dma_wait3A_57 = arith.constant 0 : i32
      %dma_wait3A_58 = tpu.memref_slice %arg10[%dma_wait3A_56, %dma_wait3A_57] : memref<128x128xf32, #tpu.memory_space<vmem>> -> memref<128x128xf32, #tpu.memory_space<vmem>>
      tpu.wait_dma2 semaphore(%run_scoped3A : memref<!tpu.dma_semaphore, #tpu.memory_space<semaphore_mem>>) src(%dma_wait3A_58 : memref<128x128xf32, #tpu.memory_space<vmem>>) dst(%dma_wait3A_55 : memref<128x128xf32, #tpu.memory_space<vmem_shared>>)
      tpu.yield
    }) : () -> ()
    %add3A_13 = arith.constant 512 : i32
    %add3A_14 = arith.addi %mul3A_2, %add3A_13 : i32
    "tpu.region"() ({
      %run_scoped3A = tpu.sem_alloc : memref<!tpu.dma_semaphore, #tpu.memory_space<semaphore_mem>>
      %dma_start3A = arith.constant 0 : i32
      %dma_start3A_41 = arith.constant 0 : i32
      %dma_start3A_42 = tpu.memref_slice %arg10[%dma_start3A, %dma_start3A_41] : memref<128x128xf32, #tpu.memory_space<vmem>> -> memref<120x128xf32, #tpu.memory_space<vmem>>
      %dma_start3A_43 = arith.constant 0 : i32
      %dma_start3A_44 = tpu.memref_slice %arg12[%add3A_14, %dma_start3A_43] : memref<10112x128xf32, #tpu.memory_space<vmem_shared>> -> memref<120x128xf32, #tpu.memory_space<vmem_shared>>
      %dma_start3A_45 = arith.constant 0 : i32
      %dma_start3A_46 = tpu.memref_slice %arg12[%add3A_14, %dma_start3A_45] : memref<10112x128xf32, #tpu.memory_space<vmem_shared>> -> memref<120x128xf32, #tpu.memory_space<vmem_shared>>
      %dma_start3A_47 = arith.constant 0 : i32
      %dma_start3A_48 = arith.constant 0 : i32
      %dma_start3A_49 = tpu.memref_slice %arg10[%dma_start3A_47, %dma_start3A_48] : memref<128x128xf32, #tpu.memory_space<vmem>> -> memref<120x128xf32, #tpu.memory_space<vmem>>
      tpu.enqueue_dma source(%dma_start3A_49 : memref<120x128xf32, #tpu.memory_space<vmem>>) target(%dma_start3A_46 : memref<120x128xf32, #tpu.memory_space<vmem_shared>>) target_semaphore(%run_scoped3A : memref<!tpu.dma_semaphore, #tpu.memory_space<semaphore_mem>>)
      %dma_wait3A = arith.constant 0 : i32
      %dma_wait3A_50 = arith.constant 0 : i32
      %dma_wait3A_51 = tpu.memref_slice %arg10[%dma_wait3A, %dma_wait3A_50] : memref<128x128xf32, #tpu.memory_space<vmem>> -> memref<120x128xf32, #tpu.memory_space<vmem>>
      %dma_wait3A_52 = arith.constant 0 : i32
      %dma_wait3A_53 = tpu.memref_slice %arg12[%add3A_14, %dma_wait3A_52] : memref<10112x128xf32, #tpu.memory_space<vmem_shared>> -> memref<120x128xf32, #tpu.memory_space<vmem_shared>>
      %dma_wait3A_54 = arith.constant 0 : i32
      %dma_wait3A_55 = tpu.memref_slice %arg12[%add3A_14, %dma_wait3A_54] : memref<10112x128xf32, #tpu.memory_space<vmem_shared>> -> memref<120x128xf32, #tpu.memory_space<vmem_shared>>
      %dma_wait3A_56 = arith.constant 0 : i32
      %dma_wait3A_57 = arith.constant 0 : i32
      %dma_wait3A_58 = tpu.memref_slice %arg10[%dma_wait3A_56, %dma_wait3A_57] : memref<128x128xf32, #tpu.memory_space<vmem>> -> memref<120x128xf32, #tpu.memory_space<vmem>>
      tpu.wait_dma2 semaphore(%run_scoped3A : memref<!tpu.dma_semaphore, #tpu.memory_space<semaphore_mem>>) src(%dma_wait3A_58 : memref<120x128xf32, #tpu.memory_space<vmem>>) dst(%dma_wait3A_55 : memref<120x128xf32, #tpu.memory_space<vmem_shared>>)
      tpu.yield
    }) : () -> ()
    %barrier3A = arith.constant 0 : index
    tpu.barrier barrier_id(%barrier3A)
    %scan3A = arith.constant 0 : i32
    %scan3A_15 = arith.constant 0 : i32
    %scan3A_16 = arith.constant 80 : i32
    %scan3A_17 = arith.addi %scan3A_15, %scan3A_16 : i32
    %scan3A_18 = arith.constant 1 : i32
    scf.for %scan3A_41 = %scan3A_15 to %scan3A_17 step %scan3A_18  : i32 {
      %mul3A_42 = arith.constant 128 : i32
      %mul3A_43 = arith.muli %scan3A_41, %mul3A_42 : i32
      %add3A_44 = arith.addi %mul3A_4, %mul3A_43 : i32
      "tpu.region"() ({
        %run_scoped3A = tpu.sem_alloc : memref<!tpu.dma_semaphore, #tpu.memory_space<semaphore_mem>>
        %dma_start3A_49 = tpu.memref_slice %arg3[%add3A_44] : memref<327680xi32, #tpu.memory_space<hbm>> -> memref<128xi32, #tpu.memory_space<hbm>>
        %dma_start3A_50 = tpu.memref_slice %arg3[%add3A_44] : memref<327680xi32, #tpu.memory_space<hbm>> -> memref<128xi32, #tpu.memory_space<hbm>>
        tpu.enqueue_dma source(%dma_start3A_50 : memref<128xi32, #tpu.memory_space<hbm>>) target(%arg8 : memref<128xi32, #tpu.memory_space<vmem>>) target_semaphore(%run_scoped3A : memref<!tpu.dma_semaphore, #tpu.memory_space<semaphore_mem>>)
        %dma_wait3A_51 = tpu.memref_slice %arg3[%add3A_44] : memref<327680xi32, #tpu.memory_space<hbm>> -> memref<128xi32, #tpu.memory_space<hbm>>
        %dma_wait3A_52 = tpu.memref_slice %arg3[%add3A_44] : memref<327680xi32, #tpu.memory_space<hbm>> -> memref<128xi32, #tpu.memory_space<hbm>>
        tpu.wait_dma2 semaphore(%run_scoped3A : memref<!tpu.dma_semaphore, #tpu.memory_space<semaphore_mem>>) src(%dma_wait3A_52 : memref<128xi32, #tpu.memory_space<hbm>>) dst(%arg8 : memref<128xi32, #tpu.memory_space<vmem>>)
        tpu.yield
      }) : () -> ()
      "tpu.region"() ({
        %run_scoped3A = tpu.sem_alloc : memref<!tpu.dma_semaphore, #tpu.memory_space<semaphore_mem>>
        %dma_start3A_49 = tpu.memref_slice %arg4[%add3A_44] : memref<327680xi32, #tpu.memory_space<hbm>> -> memref<128xi32, #tpu.memory_space<hbm>>
        %dma_start3A_50 = tpu.memref_slice %arg4[%add3A_44] : memref<327680xi32, #tpu.memory_space<hbm>> -> memref<128xi32, #tpu.memory_space<hbm>>
        tpu.enqueue_dma source(%dma_start3A_50 : memref<128xi32, #tpu.memory_space<hbm>>) target(%arg9 : memref<128xi32, #tpu.memory_space<vmem>>) target_semaphore(%run_scoped3A : memref<!tpu.dma_semaphore, #tpu.memory_space<semaphore_mem>>)
        %dma_wait3A_51 = tpu.memref_slice %arg4[%add3A_44] : memref<327680xi32, #tpu.memory_space<hbm>> -> memref<128xi32, #tpu.memory_space<hbm>>
        %dma_wait3A_52 = tpu.memref_slice %arg4[%add3A_44] : memref<327680xi32, #tpu.memory_space<hbm>> -> memref<128xi32, #tpu.memory_space<hbm>>
        tpu.wait_dma2 semaphore(%run_scoped3A : memref<!tpu.dma_semaphore, #tpu.memory_space<semaphore_mem>>) src(%dma_wait3A_52 : memref<128xi32, #tpu.memory_space<hbm>>) dst(%arg9 : memref<128xi32, #tpu.memory_space<vmem>>)
        tpu.yield
      }) : () -> ()
      %dma_start3A = arith.constant 0 : i32
      %dma_start3A_45 = arith.constant 0 : i32
      %dma_start3A_46 = tpu.memref_slice %arg2[%dma_start3A, %dma_start3A_45] : memref<10000x128xf32, #tpu.memory_space<hbm>> -> memref<10000x128xf32, #tpu.memory_space<hbm>>
      tpu.enqueue_indirect_dma source(%dma_start3A_46 : memref<10000x128xf32, #tpu.memory_space<hbm>>) target(%arg10 : memref<128x128xf32, #tpu.memory_space<vmem>>) offsets(%arg8 : memref<128xi32, #tpu.memory_space<vmem>>) semaphore(%arg13 : memref<!tpu.dma_semaphore, #tpu.memory_space<semaphore_mem>>)
      %dma_wait3A = arith.constant 0 : i32
      %dma_wait3A_47 = arith.constant 0 : i32
      %dma_wait3A_48 = tpu.memref_slice %arg2[%dma_wait3A, %dma_wait3A_47] : memref<10000x128xf32, #tpu.memory_space<hbm>> -> memref<10000x128xf32, #tpu.memory_space<hbm>>
      tpu.wait_indirect_dma semaphore(%arg13 : memref<!tpu.dma_semaphore, #tpu.memory_space<semaphore_mem>>) src(%dma_wait3A_48 : memref<10000x128xf32, #tpu.memory_space<hbm>>) dst(%arg10 : memref<128x128xf32, #tpu.memory_space<vmem>>)
      "tpu.region"() ({
        %run_scoped3A = tpu.sem_alloc : memref<!tpu.dma_semaphore, #tpu.memory_space<semaphore_mem>>
        %dma_start3A_49 = arith.constant 0 : i32
        %dma_start3A_50 = arith.constant 0 : i32
        %dma_start3A_51 = tpu.memref_slice %arg12[%dma_start3A_49, %dma_start3A_50] : memref<10112x128xf32, #tpu.memory_space<vmem_shared>> -> memref<10112x128xf32, #tpu.memory_space<vmem_shared>>
        tpu.enqueue_indirect_dma source(%arg10 : memref<128x128xf32, #tpu.memory_space<vmem>>) target(%dma_start3A_51 : memref<10112x128xf32, #tpu.memory_space<vmem_shared>>) offsets(%arg9 : memref<128xi32, #tpu.memory_space<vmem>>) semaphore(%run_scoped3A : memref<!tpu.dma_semaphore, #tpu.memory_space<semaphore_mem>>) {add = true}
        %dma_wait3A_52 = arith.constant 0 : i32
        %dma_wait3A_53 = arith.constant 0 : i32
        %dma_wait3A_54 = tpu.memref_slice %arg12[%dma_wait3A_52, %dma_wait3A_53] : memref<10112x128xf32, #tpu.memory_space<vmem_shared>> -> memref<10112x128xf32, #tpu.memory_space<vmem_shared>>
        tpu.wait_indirect_dma semaphore(%run_scoped3A : memref<!tpu.dma_semaphore, #tpu.memory_space<semaphore_mem>>) src(%arg10 : memref<128x128xf32, #tpu.memory_space<vmem>>) dst(%dma_wait3A_54 : memref<10112x128xf32, #tpu.memory_space<vmem_shared>>)
        tpu.yield
      }) : () -> ()
    }
    %scan3A_19 = arith.constant 80 : i32
    %barrier3A_20 = arith.constant 0 : index
    tpu.barrier barrier_id(%barrier3A_20)
    %add3A_21 = arith.constant 0 : i32
    %add3A_22 = arith.addi %mul3A_2, %add3A_21 : i32
    "tpu.region"() ({
      %run_scoped3A = tpu.sem_alloc : memref<!tpu.dma_semaphore, #tpu.memory_space<semaphore_mem>>
      %dma_start3A = arith.constant 0 : i32
      %dma_start3A_41 = arith.constant 0 : i32
      %dma_start3A_42 = tpu.memref_slice %arg10[%dma_start3A, %dma_start3A_41] : memref<128x128xf32, #tpu.memory_space<vmem>> -> memref<128x128xf32, #tpu.memory_space<vmem>>
      %dma_start3A_43 = arith.constant 0 : i32
      %dma_start3A_44 = tpu.memref_slice %arg12[%add3A_22, %dma_start3A_43] : memref<10112x128xf32, #tpu.memory_space<vmem_shared>> -> memref<128x128xf32, #tpu.memory_space<vmem_shared>>
      %dma_start3A_45 = arith.constant 0 : i32
      %dma_start3A_46 = arith.constant 0 : i32
      %dma_start3A_47 = tpu.memref_slice %arg10[%dma_start3A_45, %dma_start3A_46] : memref<128x128xf32, #tpu.memory_space<vmem>> -> memref<128x128xf32, #tpu.memory_space<vmem>>
      %dma_start3A_48 = arith.constant 0 : i32
      %dma_start3A_49 = tpu.memref_slice %arg12[%add3A_22, %dma_start3A_48] : memref<10112x128xf32, #tpu.memory_space<vmem_shared>> -> memref<128x128xf32, #tpu.memory_space<vmem_shared>>
      tpu.enqueue_dma source(%dma_start3A_49 : memref<128x128xf32, #tpu.memory_space<vmem_shared>>) target(%dma_start3A_47 : memref<128x128xf32, #tpu.memory_space<vmem>>) target_semaphore(%run_scoped3A : memref<!tpu.dma_semaphore, #tpu.memory_space<semaphore_mem>>)
      %dma_wait3A = arith.constant 0 : i32
      %dma_wait3A_50 = arith.constant 0 : i32
      %dma_wait3A_51 = tpu.memref_slice %arg10[%dma_wait3A, %dma_wait3A_50] : memref<128x128xf32, #tpu.memory_space<vmem>> -> memref<128x128xf32, #tpu.memory_space<vmem>>
      %dma_wait3A_52 = arith.constant 0 : i32
      %dma_wait3A_53 = tpu.memref_slice %arg12[%add3A_22, %dma_wait3A_52] : memref<10112x128xf32, #tpu.memory_space<vmem_shared>> -> memref<128x128xf32, #tpu.memory_space<vmem_shared>>
      %dma_wait3A_54 = arith.constant 0 : i32
      %dma_wait3A_55 = arith.constant 0 : i32
      %dma_wait3A_56 = tpu.memref_slice %arg10[%dma_wait3A_54, %dma_wait3A_55] : memref<128x128xf32, #tpu.memory_space<vmem>> -> memref<128x128xf32, #tpu.memory_space<vmem>>
      %dma_wait3A_57 = arith.constant 0 : i32
      %dma_wait3A_58 = tpu.memref_slice %arg12[%add3A_22, %dma_wait3A_57] : memref<10112x128xf32, #tpu.memory_space<vmem_shared>> -> memref<128x128xf32, #tpu.memory_space<vmem_shared>>
      tpu.wait_dma2 semaphore(%run_scoped3A : memref<!tpu.dma_semaphore, #tpu.memory_space<semaphore_mem>>) src(%dma_wait3A_58 : memref<128x128xf32, #tpu.memory_space<vmem_shared>>) dst(%dma_wait3A_56 : memref<128x128xf32, #tpu.memory_space<vmem>>)
      tpu.yield
    }) : () -> ()
    %add3A_23 = arith.constant 0 : i32
    %add3A_24 = arith.addi %mul3A_2, %add3A_23 : i32
    "tpu.region"() ({
      %run_scoped3A = tpu.sem_alloc : memref<!tpu.dma_semaphore, #tpu.memory_space<semaphore_mem>>
      %dma_start3A = arith.constant 0 : i32
      %dma_start3A_41 = arith.constant 0 : i32
      %dma_start3A_42 = tpu.memref_slice %arg10[%dma_start3A, %dma_start3A_41] : memref<128x128xf32, #tpu.memory_space<vmem>> -> memref<128x128xf32, #tpu.memory_space<vmem>>
      %dma_start3A_43 = arith.constant 0 : i32
      %dma_start3A_44 = tpu.memref_slice %arg7[%arg0, %add3A_24, %dma_start3A_43] : memref<2x10112x128xf32, #tpu.memory_space<hbm>> -> memref<1x128x128xf32, #tpu.memory_space<hbm>>
      %dma_start3A_45 = tpu.memref_squeeze %dma_start3A_44 : memref<1x128x128xf32, #tpu.memory_space<hbm>> -> memref<128x128xf32, #tpu.memory_space<hbm>>
      %dma_start3A_46 = arith.constant 0 : i32
      %dma_start3A_47 = tpu.memref_slice %arg7[%arg0, %add3A_24, %dma_start3A_46] : memref<2x10112x128xf32, #tpu.memory_space<hbm>> -> memref<1x128x128xf32, #tpu.memory_space<hbm>>
      %dma_start3A_48 = tpu.memref_squeeze %dma_start3A_47 : memref<1x128x128xf32, #tpu.memory_space<hbm>> -> memref<128x128xf32, #tpu.memory_space<hbm>>
      %dma_start3A_49 = arith.constant 0 : i32
      %dma_start3A_50 = arith.constant 0 : i32
      %dma_start3A_51 = tpu.memref_slice %arg10[%dma_start3A_49, %dma_start3A_50] : memref<128x128xf32, #tpu.memory_space<vmem>> -> memref<128x128xf32, #tpu.memory_space<vmem>>
      tpu.enqueue_dma source(%dma_start3A_51 : memref<128x128xf32, #tpu.memory_space<vmem>>) target(%dma_start3A_48 : memref<128x128xf32, #tpu.memory_space<hbm>>) target_semaphore(%run_scoped3A : memref<!tpu.dma_semaphore, #tpu.memory_space<semaphore_mem>>)
      %dma_wait3A = arith.constant 0 : i32
      %dma_wait3A_52 = arith.constant 0 : i32
      %dma_wait3A_53 = tpu.memref_slice %arg10[%dma_wait3A, %dma_wait3A_52] : memref<128x128xf32, #tpu.memory_space<vmem>> -> memref<128x128xf32, #tpu.memory_space<vmem>>
      %dma_wait3A_54 = arith.constant 0 : i32
      %dma_wait3A_55 = tpu.memref_slice %arg7[%arg0, %add3A_24, %dma_wait3A_54] : memref<2x10112x128xf32, #tpu.memory_space<hbm>> -> memref<1x128x128xf32, #tpu.memory_space<hbm>>
      %dma_wait3A_56 = tpu.memref_squeeze %dma_wait3A_55 : memref<1x128x128xf32, #tpu.memory_space<hbm>> -> memref<128x128xf32, #tpu.memory_space<hbm>>
      %dma_wait3A_57 = arith.constant 0 : i32
      %dma_wait3A_58 = tpu.memref_slice %arg7[%arg0, %add3A_24, %dma_wait3A_57] : memref<2x10112x128xf32, #tpu.memory_space<hbm>> -> memref<1x128x128xf32, #tpu.memory_space<hbm>>
      %dma_wait3A_59 = tpu.memref_squeeze %dma_wait3A_58 : memref<1x128x128xf32, #tpu.memory_space<hbm>> -> memref<128x128xf32, #tpu.memory_space<hbm>>
      %dma_wait3A_60 = arith.constant 0 : i32
      %dma_wait3A_61 = arith.constant 0 : i32
      %dma_wait3A_62 = tpu.memref_slice %arg10[%dma_wait3A_60, %dma_wait3A_61] : memref<128x128xf32, #tpu.memory_space<vmem>> -> memref<128x128xf32, #tpu.memory_space<vmem>>
      tpu.wait_dma2 semaphore(%run_scoped3A : memref<!tpu.dma_semaphore, #tpu.memory_space<semaphore_mem>>) src(%dma_wait3A_62 : memref<128x128xf32, #tpu.memory_space<vmem>>) dst(%dma_wait3A_59 : memref<128x128xf32, #tpu.memory_space<hbm>>)
      tpu.yield
    }) : () -> ()
    %add3A_25 = arith.constant 128 : i32
    %add3A_26 = arith.addi %mul3A_2, %add3A_25 : i32
    "tpu.region"() ({
      %run_scoped3A = tpu.sem_alloc : memref<!tpu.dma_semaphore, #tpu.memory_space<semaphore_mem>>
      %dma_start3A = arith.constant 0 : i32
      %dma_start3A_41 = arith.constant 0 : i32
      %dma_start3A_42 = tpu.memref_slice %arg10[%dma_start3A, %dma_start3A_41] : memref<128x128xf32, #tpu.memory_space<vmem>> -> memref<128x128xf32, #tpu.memory_space<vmem>>
      %dma_start3A_43 = arith.constant 0 : i32
      %dma_start3A_44 = tpu.memref_slice %arg12[%add3A_26, %dma_start3A_43] : memref<10112x128xf32, #tpu.memory_space<vmem_shared>> -> memref<128x128xf32, #tpu.memory_space<vmem_shared>>
      %dma_start3A_45 = arith.constant 0 : i32
      %dma_start3A_46 = arith.constant 0 : i32
      %dma_start3A_47 = tpu.memref_slice %arg10[%dma_start3A_45, %dma_start3A_46] : memref<128x128xf32, #tpu.memory_space<vmem>> -> memref<128x128xf32, #tpu.memory_space<vmem>>
      %dma_start3A_48 = arith.constant 0 : i32
      %dma_start3A_49 = tpu.memref_slice %arg12[%add3A_26, %dma_start3A_48] : memref<10112x128xf32, #tpu.memory_space<vmem_shared>> -> memref<128x128xf32, #tpu.memory_space<vmem_shared>>
      tpu.enqueue_dma source(%dma_start3A_49 : memref<128x128xf32, #tpu.memory_space<vmem_shared>>) target(%dma_start3A_47 : memref<128x128xf32, #tpu.memory_space<vmem>>) target_semaphore(%run_scoped3A : memref<!tpu.dma_semaphore, #tpu.memory_space<semaphore_mem>>)
      %dma_wait3A = arith.constant 0 : i32
      %dma_wait3A_50 = arith.constant 0 : i32
      %dma_wait3A_51 = tpu.memref_slice %arg10[%dma_wait3A, %dma_wait3A_50] : memref<128x128xf32, #tpu.memory_space<vmem>> -> memref<128x128xf32, #tpu.memory_space<vmem>>
      %dma_wait3A_52 = arith.constant 0 : i32
      %dma_wait3A_53 = tpu.memref_slice %arg12[%add3A_26, %dma_wait3A_52] : memref<10112x128xf32, #tpu.memory_space<vmem_shared>> -> memref<128x128xf32, #tpu.memory_space<vmem_shared>>
      %dma_wait3A_54 = arith.constant 0 : i32
      %dma_wait3A_55 = arith.constant 0 : i32
      %dma_wait3A_56 = tpu.memref_slice %arg10[%dma_wait3A_54, %dma_wait3A_55] : memref<128x128xf32, #tpu.memory_space<vmem>> -> memref<128x128xf32, #tpu.memory_space<vmem>>
      %dma_wait3A_57 = arith.constant 0 : i32
      %dma_wait3A_58 = tpu.memref_slice %arg12[%add3A_26, %dma_wait3A_57] : memref<10112x128xf32, #tpu.memory_space<vmem_shared>> -> memref<128x128xf32, #tpu.memory_space<vmem_shared>>
      tpu.wait_dma2 semaphore(%run_scoped3A : memref<!tpu.dma_semaphore, #tpu.memory_space<semaphore_mem>>) src(%dma_wait3A_58 : memref<128x128xf32, #tpu.memory_space<vmem_shared>>) dst(%dma_wait3A_56 : memref<128x128xf32, #tpu.memory_space<vmem>>)
      tpu.yield
    }) : () -> ()
    %add3A_27 = arith.constant 128 : i32
    %add3A_28 = arith.addi %mul3A_2, %add3A_27 : i32
    "tpu.region"() ({
      %run_scoped3A = tpu.sem_alloc : memref<!tpu.dma_semaphore, #tpu.memory_space<semaphore_mem>>
      %dma_start3A = arith.constant 0 : i32
      %dma_start3A_41 = arith.constant 0 : i32
      %dma_start3A_42 = tpu.memref_slice %arg10[%dma_start3A, %dma_start3A_41] : memref<128x128xf32, #tpu.memory_space<vmem>> -> memref<128x128xf32, #tpu.memory_space<vmem>>
      %dma_start3A_43 = arith.constant 0 : i32
      %dma_start3A_44 = tpu.memref_slice %arg7[%arg0, %add3A_28, %dma_start3A_43] : memref<2x10112x128xf32, #tpu.memory_space<hbm>> -> memref<1x128x128xf32, #tpu.memory_space<hbm>>
      %dma_start3A_45 = tpu.memref_squeeze %dma_start3A_44 : memref<1x128x128xf32, #tpu.memory_space<hbm>> -> memref<128x128xf32, #tpu.memory_space<hbm>>
      %dma_start3A_46 = arith.constant 0 : i32
      %dma_start3A_47 = tpu.memref_slice %arg7[%arg0, %add3A_28, %dma_start3A_46] : memref<2x10112x128xf32, #tpu.memory_space<hbm>> -> memref<1x128x128xf32, #tpu.memory_space<hbm>>
      %dma_start3A_48 = tpu.memref_squeeze %dma_start3A_47 : memref<1x128x128xf32, #tpu.memory_space<hbm>> -> memref<128x128xf32, #tpu.memory_space<hbm>>
      %dma_start3A_49 = arith.constant 0 : i32
      %dma_start3A_50 = arith.constant 0 : i32
      %dma_start3A_51 = tpu.memref_slice %arg10[%dma_start3A_49, %dma_start3A_50] : memref<128x128xf32, #tpu.memory_space<vmem>> -> memref<128x128xf32, #tpu.memory_space<vmem>>
      tpu.enqueue_dma source(%dma_start3A_51 : memref<128x128xf32, #tpu.memory_space<vmem>>) target(%dma_start3A_48 : memref<128x128xf32, #tpu.memory_space<hbm>>) target_semaphore(%run_scoped3A : memref<!tpu.dma_semaphore, #tpu.memory_space<semaphore_mem>>)
      %dma_wait3A = arith.constant 0 : i32
      %dma_wait3A_52 = arith.constant 0 : i32
      %dma_wait3A_53 = tpu.memref_slice %arg10[%dma_wait3A, %dma_wait3A_52] : memref<128x128xf32, #tpu.memory_space<vmem>> -> memref<128x128xf32, #tpu.memory_space<vmem>>
      %dma_wait3A_54 = arith.constant 0 : i32
      %dma_wait3A_55 = tpu.memref_slice %arg7[%arg0, %add3A_28, %dma_wait3A_54] : memref<2x10112x128xf32, #tpu.memory_space<hbm>> -> memref<1x128x128xf32, #tpu.memory_space<hbm>>
      %dma_wait3A_56 = tpu.memref_squeeze %dma_wait3A_55 : memref<1x128x128xf32, #tpu.memory_space<hbm>> -> memref<128x128xf32, #tpu.memory_space<hbm>>
      %dma_wait3A_57 = arith.constant 0 : i32
      %dma_wait3A_58 = tpu.memref_slice %arg7[%arg0, %add3A_28, %dma_wait3A_57] : memref<2x10112x128xf32, #tpu.memory_space<hbm>> -> memref<1x128x128xf32, #tpu.memory_space<hbm>>
      %dma_wait3A_59 = tpu.memref_squeeze %dma_wait3A_58 : memref<1x128x128xf32, #tpu.memory_space<hbm>> -> memref<128x128xf32, #tpu.memory_space<hbm>>
      %dma_wait3A_60 = arith.constant 0 : i32
      %dma_wait3A_61 = arith.constant 0 : i32
      %dma_wait3A_62 = tpu.memref_slice %arg10[%dma_wait3A_60, %dma_wait3A_61] : memref<128x128xf32, #tpu.memory_space<vmem>> -> memref<128x128xf32, #tpu.memory_space<vmem>>
      tpu.wait_dma2 semaphore(%run_scoped3A : memref<!tpu.dma_semaphore, #tpu.memory_space<semaphore_mem>>) src(%dma_wait3A_62 : memref<128x128xf32, #tpu.memory_space<vmem>>) dst(%dma_wait3A_59 : memref<128x128xf32, #tpu.memory_space<hbm>>)
      tpu.yield
    }) : () -> ()
    %add3A_29 = arith.constant 256 : i32
    %add3A_30 = arith.addi %mul3A_2, %add3A_29 : i32
    "tpu.region"() ({
      %run_scoped3A = tpu.sem_alloc : memref<!tpu.dma_semaphore, #tpu.memory_space<semaphore_mem>>
      %dma_start3A = arith.constant 0 : i32
      %dma_start3A_41 = arith.constant 0 : i32
      %dma_start3A_42 = tpu.memref_slice %arg10[%dma_start3A, %dma_start3A_41] : memref<128x128xf32, #tpu.memory_space<vmem>> -> memref<128x128xf32, #tpu.memory_space<vmem>>
      %dma_start3A_43 = arith.constant 0 : i32
      %dma_start3A_44 = tpu.memref_slice %arg12[%add3A_30, %dma_start3A_43] : memref<10112x128xf32, #tpu.memory_space<vmem_shared>> -> memref<128x128xf32, #tpu.memory_space<vmem_shared>>
      %dma_start3A_45 = arith.constant 0 : i32
      %dma_start3A_46 = arith.constant 0 : i32
      %dma_start3A_47 = tpu.memref_slice %arg10[%dma_start3A_45, %dma_start3A_46] : memref<128x128xf32, #tpu.memory_space<vmem>> -> memref<128x128xf32, #tpu.memory_space<vmem>>
      %dma_start3A_48 = arith.constant 0 : i32
      %dma_start3A_49 = tpu.memref_slice %arg12[%add3A_30, %dma_start3A_48] : memref<10112x128xf32, #tpu.memory_space<vmem_shared>> -> memref<128x128xf32, #tpu.memory_space<vmem_shared>>
      tpu.enqueue_dma source(%dma_start3A_49 : memref<128x128xf32, #tpu.memory_space<vmem_shared>>) target(%dma_start3A_47 : memref<128x128xf32, #tpu.memory_space<vmem>>) target_semaphore(%run_scoped3A : memref<!tpu.dma_semaphore, #tpu.memory_space<semaphore_mem>>)
      %dma_wait3A = arith.constant 0 : i32
      %dma_wait3A_50 = arith.constant 0 : i32
      %dma_wait3A_51 = tpu.memref_slice %arg10[%dma_wait3A, %dma_wait3A_50] : memref<128x128xf32, #tpu.memory_space<vmem>> -> memref<128x128xf32, #tpu.memory_space<vmem>>
      %dma_wait3A_52 = arith.constant 0 : i32
      %dma_wait3A_53 = tpu.memref_slice %arg12[%add3A_30, %dma_wait3A_52] : memref<10112x128xf32, #tpu.memory_space<vmem_shared>> -> memref<128x128xf32, #tpu.memory_space<vmem_shared>>
      %dma_wait3A_54 = arith.constant 0 : i32
      %dma_wait3A_55 = arith.constant 0 : i32
      %dma_wait3A_56 = tpu.memref_slice %arg10[%dma_wait3A_54, %dma_wait3A_55] : memref<128x128xf32, #tpu.memory_space<vmem>> -> memref<128x128xf32, #tpu.memory_space<vmem>>
      %dma_wait3A_57 = arith.constant 0 : i32
      %dma_wait3A_58 = tpu.memref_slice %arg12[%add3A_30, %dma_wait3A_57] : memref<10112x128xf32, #tpu.memory_space<vmem_shared>> -> memref<128x128xf32, #tpu.memory_space<vmem_shared>>
      tpu.wait_dma2 semaphore(%run_scoped3A : memref<!tpu.dma_semaphore, #tpu.memory_space<semaphore_mem>>) src(%dma_wait3A_58 : memref<128x128xf32, #tpu.memory_space<vmem_shared>>) dst(%dma_wait3A_56 : memref<128x128xf32, #tpu.memory_space<vmem>>)
      tpu.yield
    }) : () -> ()
    %add3A_31 = arith.constant 256 : i32
    %add3A_32 = arith.addi %mul3A_2, %add3A_31 : i32
    "tpu.region"() ({
      %run_scoped3A = tpu.sem_alloc : memref<!tpu.dma_semaphore, #tpu.memory_space<semaphore_mem>>
      %dma_start3A = arith.constant 0 : i32
      %dma_start3A_41 = arith.constant 0 : i32
      %dma_start3A_42 = tpu.memref_slice %arg10[%dma_start3A, %dma_start3A_41] : memref<128x128xf32, #tpu.memory_space<vmem>> -> memref<128x128xf32, #tpu.memory_space<vmem>>
      %dma_start3A_43 = arith.constant 0 : i32
      %dma_start3A_44 = tpu.memref_slice %arg7[%arg0, %add3A_32, %dma_start3A_43] : memref<2x10112x128xf32, #tpu.memory_space<hbm>> -> memref<1x128x128xf32, #tpu.memory_space<hbm>>
      %dma_start3A_45 = tpu.memref_squeeze %dma_start3A_44 : memref<1x128x128xf32, #tpu.memory_space<hbm>> -> memref<128x128xf32, #tpu.memory_space<hbm>>
      %dma_start3A_46 = arith.constant 0 : i32
      %dma_start3A_47 = tpu.memref_slice %arg7[%arg0, %add3A_32, %dma_start3A_46] : memref<2x10112x128xf32, #tpu.memory_space<hbm>> -> memref<1x128x128xf32, #tpu.memory_space<hbm>>
      %dma_start3A_48 = tpu.memref_squeeze %dma_start3A_47 : memref<1x128x128xf32, #tpu.memory_space<hbm>> -> memref<128x128xf32, #tpu.memory_space<hbm>>
      %dma_start3A_49 = arith.constant 0 : i32
      %dma_start3A_50 = arith.constant 0 : i32
      %dma_start3A_51 = tpu.memref_slice %arg10[%dma_start3A_49, %dma_start3A_50] : memref<128x128xf32, #tpu.memory_space<vmem>> -> memref<128x128xf32, #tpu.memory_space<vmem>>
      tpu.enqueue_dma source(%dma_start3A_51 : memref<128x128xf32, #tpu.memory_space<vmem>>) target(%dma_start3A_48 : memref<128x128xf32, #tpu.memory_space<hbm>>) target_semaphore(%run_scoped3A : memref<!tpu.dma_semaphore, #tpu.memory_space<semaphore_mem>>)
      %dma_wait3A = arith.constant 0 : i32
      %dma_wait3A_52 = arith.constant 0 : i32
      %dma_wait3A_53 = tpu.memref_slice %arg10[%dma_wait3A, %dma_wait3A_52] : memref<128x128xf32, #tpu.memory_space<vmem>> -> memref<128x128xf32, #tpu.memory_space<vmem>>
      %dma_wait3A_54 = arith.constant 0 : i32
      %dma_wait3A_55 = tpu.memref_slice %arg7[%arg0, %add3A_32, %dma_wait3A_54] : memref<2x10112x128xf32, #tpu.memory_space<hbm>> -> memref<1x128x128xf32, #tpu.memory_space<hbm>>
      %dma_wait3A_56 = tpu.memref_squeeze %dma_wait3A_55 : memref<1x128x128xf32, #tpu.memory_space<hbm>> -> memref<128x128xf32, #tpu.memory_space<hbm>>
      %dma_wait3A_57 = arith.constant 0 : i32
      %dma_wait3A_58 = tpu.memref_slice %arg7[%arg0, %add3A_32, %dma_wait3A_57] : memref<2x10112x128xf32, #tpu.memory_space<hbm>> -> memref<1x128x128xf32, #tpu.memory_space<hbm>>
      %dma_wait3A_59 = tpu.memref_squeeze %dma_wait3A_58 : memref<1x128x128xf32, #tpu.memory_space<hbm>> -> memref<128x128xf32, #tpu.memory_space<hbm>>
      %dma_wait3A_60 = arith.constant 0 : i32
      %dma_wait3A_61 = arith.constant 0 : i32
      %dma_wait3A_62 = tpu.memref_slice %arg10[%dma_wait3A_60, %dma_wait3A_61] : memref<128x128xf32, #tpu.memory_space<vmem>> -> memref<128x128xf32, #tpu.memory_space<vmem>>
      tpu.wait_dma2 semaphore(%run_scoped3A : memref<!tpu.dma_semaphore, #tpu.memory_space<semaphore_mem>>) src(%dma_wait3A_62 : memref<128x128xf32, #tpu.memory_space<vmem>>) dst(%dma_wait3A_59 : memref<128x128xf32, #tpu.memory_space<hbm>>)
      tpu.yield
    }) : () -> ()
    %add3A_33 = arith.constant 384 : i32
    %add3A_34 = arith.addi %mul3A_2, %add3A_33 : i32
    "tpu.region"() ({
      %run_scoped3A = tpu.sem_alloc : memref<!tpu.dma_semaphore, #tpu.memory_space<semaphore_mem>>
      %dma_start3A = arith.constant 0 : i32
      %dma_start3A_41 = arith.constant 0 : i32
      %dma_start3A_42 = tpu.memref_slice %arg10[%dma_start3A, %dma_start3A_41] : memref<128x128xf32, #tpu.memory_space<vmem>> -> memref<128x128xf32, #tpu.memory_space<vmem>>
      %dma_start3A_43 = arith.constant 0 : i32
      %dma_start3A_44 = tpu.memref_slice %arg12[%add3A_34, %dma_start3A_43] : memref<10112x128xf32, #tpu.memory_space<vmem_shared>> -> memref<128x128xf32, #tpu.memory_space<vmem_shared>>
      %dma_start3A_45 = arith.constant 0 : i32
      %dma_start3A_46 = arith.constant 0 : i32
      %dma_start3A_47 = tpu.memref_slice %arg10[%dma_start3A_45, %dma_start3A_46] : memref<128x128xf32, #tpu.memory_space<vmem>> -> memref<128x128xf32, #tpu.memory_space<vmem>>
      %dma_start3A_48 = arith.constant 0 : i32
      %dma_start3A_49 = tpu.memref_slice %arg12[%add3A_34, %dma_start3A_48] : memref<10112x128xf32, #tpu.memory_space<vmem_shared>> -> memref<128x128xf32, #tpu.memory_space<vmem_shared>>
      tpu.enqueue_dma source(%dma_start3A_49 : memref<128x128xf32, #tpu.memory_space<vmem_shared>>) target(%dma_start3A_47 : memref<128x128xf32, #tpu.memory_space<vmem>>) target_semaphore(%run_scoped3A : memref<!tpu.dma_semaphore, #tpu.memory_space<semaphore_mem>>)
      %dma_wait3A = arith.constant 0 : i32
      %dma_wait3A_50 = arith.constant 0 : i32
      %dma_wait3A_51 = tpu.memref_slice %arg10[%dma_wait3A, %dma_wait3A_50] : memref<128x128xf32, #tpu.memory_space<vmem>> -> memref<128x128xf32, #tpu.memory_space<vmem>>
      %dma_wait3A_52 = arith.constant 0 : i32
      %dma_wait3A_53 = tpu.memref_slice %arg12[%add3A_34, %dma_wait3A_52] : memref<10112x128xf32, #tpu.memory_space<vmem_shared>> -> memref<128x128xf32, #tpu.memory_space<vmem_shared>>
      %dma_wait3A_54 = arith.constant 0 : i32
      %dma_wait3A_55 = arith.constant 0 : i32
      %dma_wait3A_56 = tpu.memref_slice %arg10[%dma_wait3A_54, %dma_wait3A_55] : memref<128x128xf32, #tpu.memory_space<vmem>> -> memref<128x128xf32, #tpu.memory_space<vmem>>
      %dma_wait3A_57 = arith.constant 0 : i32
      %dma_wait3A_58 = tpu.memref_slice %arg12[%add3A_34, %dma_wait3A_57] : memref<10112x128xf32, #tpu.memory_space<vmem_shared>> -> memref<128x128xf32, #tpu.memory_space<vmem_shared>>
      tpu.wait_dma2 semaphore(%run_scoped3A : memref<!tpu.dma_semaphore, #tpu.memory_space<semaphore_mem>>) src(%dma_wait3A_58 : memref<128x128xf32, #tpu.memory_space<vmem_shared>>) dst(%dma_wait3A_56 : memref<128x128xf32, #tpu.memory_space<vmem>>)
      tpu.yield
    }) : () -> ()
    %add3A_35 = arith.constant 384 : i32
    %add3A_36 = arith.addi %mul3A_2, %add3A_35 : i32
    "tpu.region"() ({
      %run_scoped3A = tpu.sem_alloc : memref<!tpu.dma_semaphore, #tpu.memory_space<semaphore_mem>>
      %dma_start3A = arith.constant 0 : i32
      %dma_start3A_41 = arith.constant 0 : i32
      %dma_start3A_42 = tpu.memref_slice %arg10[%dma_start3A, %dma_start3A_41] : memref<128x128xf32, #tpu.memory_space<vmem>> -> memref<128x128xf32, #tpu.memory_space<vmem>>
      %dma_start3A_43 = arith.constant 0 : i32
      %dma_start3A_44 = tpu.memref_slice %arg7[%arg0, %add3A_36, %dma_start3A_43] : memref<2x10112x128xf32, #tpu.memory_space<hbm>> -> memref<1x128x128xf32, #tpu.memory_space<hbm>>
      %dma_start3A_45 = tpu.memref_squeeze %dma_start3A_44 : memref<1x128x128xf32, #tpu.memory_space<hbm>> -> memref<128x128xf32, #tpu.memory_space<hbm>>
      %dma_start3A_46 = arith.constant 0 : i32
      %dma_start3A_47 = tpu.memref_slice %arg7[%arg0, %add3A_36, %dma_start3A_46] : memref<2x10112x128xf32, #tpu.memory_space<hbm>> -> memref<1x128x128xf32, #tpu.memory_space<hbm>>
      %dma_start3A_48 = tpu.memref_squeeze %dma_start3A_47 : memref<1x128x128xf32, #tpu.memory_space<hbm>> -> memref<128x128xf32, #tpu.memory_space<hbm>>
      %dma_start3A_49 = arith.constant 0 : i32
      %dma_start3A_50 = arith.constant 0 : i32
      %dma_start3A_51 = tpu.memref_slice %arg10[%dma_start3A_49, %dma_start3A_50] : memref<128x128xf32, #tpu.memory_space<vmem>> -> memref<128x128xf32, #tpu.memory_space<vmem>>
      tpu.enqueue_dma source(%dma_start3A_51 : memref<128x128xf32, #tpu.memory_space<vmem>>) target(%dma_start3A_48 : memref<128x128xf32, #tpu.memory_space<hbm>>) target_semaphore(%run_scoped3A : memref<!tpu.dma_semaphore, #tpu.memory_space<semaphore_mem>>)
      %dma_wait3A = arith.constant 0 : i32
      %dma_wait3A_52 = arith.constant 0 : i32
      %dma_wait3A_53 = tpu.memref_slice %arg10[%dma_wait3A, %dma_wait3A_52] : memref<128x128xf32, #tpu.memory_space<vmem>> -> memref<128x128xf32, #tpu.memory_space<vmem>>
      %dma_wait3A_54 = arith.constant 0 : i32
      %dma_wait3A_55 = tpu.memref_slice %arg7[%arg0, %add3A_36, %dma_wait3A_54] : memref<2x10112x128xf32, #tpu.memory_space<hbm>> -> memref<1x128x128xf32, #tpu.memory_space<hbm>>
      %dma_wait3A_56 = tpu.memref_squeeze %dma_wait3A_55 : memref<1x128x128xf32, #tpu.memory_space<hbm>> -> memref<128x128xf32, #tpu.memory_space<hbm>>
      %dma_wait3A_57 = arith.constant 0 : i32
      %dma_wait3A_58 = tpu.memref_slice %arg7[%arg0, %add3A_36, %dma_wait3A_57] : memref<2x10112x128xf32, #tpu.memory_space<hbm>> -> memref<1x128x128xf32, #tpu.memory_space<hbm>>
      %dma_wait3A_59 = tpu.memref_squeeze %dma_wait3A_58 : memref<1x128x128xf32, #tpu.memory_space<hbm>> -> memref<128x128xf32, #tpu.memory_space<hbm>>
      %dma_wait3A_60 = arith.constant 0 : i32
      %dma_wait3A_61 = arith.constant 0 : i32
      %dma_wait3A_62 = tpu.memref_slice %arg10[%dma_wait3A_60, %dma_wait3A_61] : memref<128x128xf32, #tpu.memory_space<vmem>> -> memref<128x128xf32, #tpu.memory_space<vmem>>
      tpu.wait_dma2 semaphore(%run_scoped3A : memref<!tpu.dma_semaphore, #tpu.memory_space<semaphore_mem>>) src(%dma_wait3A_62 : memref<128x128xf32, #tpu.memory_space<vmem>>) dst(%dma_wait3A_59 : memref<128x128xf32, #tpu.memory_space<hbm>>)
      tpu.yield
    }) : () -> ()
    %add3A_37 = arith.constant 512 : i32
    %add3A_38 = arith.addi %mul3A_2, %add3A_37 : i32
    "tpu.region"() ({
      %run_scoped3A = tpu.sem_alloc : memref<!tpu.dma_semaphore, #tpu.memory_space<semaphore_mem>>
      %dma_start3A = arith.constant 0 : i32
      %dma_start3A_41 = arith.constant 0 : i32
      %dma_start3A_42 = tpu.memref_slice %arg10[%dma_start3A, %dma_start3A_41] : memref<128x128xf32, #tpu.memory_space<vmem>> -> memref<120x128xf32, #tpu.memory_space<vmem>>
      %dma_start3A_43 = arith.constant 0 : i32
      %dma_start3A_44 = tpu.memref_slice %arg12[%add3A_38, %dma_start3A_43] : memref<10112x128xf32, #tpu.memory_space<vmem_shared>> -> memref<120x128xf32, #tpu.memory_space<vmem_shared>>
      %dma_start3A_45 = arith.constant 0 : i32
      %dma_start3A_46 = arith.constant 0 : i32
      %dma_start3A_47 = tpu.memref_slice %arg10[%dma_start3A_45, %dma_start3A_46] : memref<128x128xf32, #tpu.memory_space<vmem>> -> memref<120x128xf32, #tpu.memory_space<vmem>>
      %dma_start3A_48 = arith.constant 0 : i32
      %dma_start3A_49 = tpu.memref_slice %arg12[%add3A_38, %dma_start3A_48] : memref<10112x128xf32, #tpu.memory_space<vmem_shared>> -> memref<120x128xf32, #tpu.memory_space<vmem_shared>>
      tpu.enqueue_dma source(%dma_start3A_49 : memref<120x128xf32, #tpu.memory_space<vmem_shared>>) target(%dma_start3A_47 : memref<120x128xf32, #tpu.memory_space<vmem>>) target_semaphore(%run_scoped3A : memref<!tpu.dma_semaphore, #tpu.memory_space<semaphore_mem>>)
      %dma_wait3A = arith.constant 0 : i32
      %dma_wait3A_50 = arith.constant 0 : i32
      %dma_wait3A_51 = tpu.memref_slice %arg10[%dma_wait3A, %dma_wait3A_50] : memref<128x128xf32, #tpu.memory_space<vmem>> -> memref<120x128xf32, #tpu.memory_space<vmem>>
      %dma_wait3A_52 = arith.constant 0 : i32
      %dma_wait3A_53 = tpu.memref_slice %arg12[%add3A_38, %dma_wait3A_52] : memref<10112x128xf32, #tpu.memory_space<vmem_shared>> -> memref<120x128xf32, #tpu.memory_space<vmem_shared>>
      %dma_wait3A_54 = arith.constant 0 : i32
      %dma_wait3A_55 = arith.constant 0 : i32
      %dma_wait3A_56 = tpu.memref_slice %arg10[%dma_wait3A_54, %dma_wait3A_55] : memref<128x128xf32, #tpu.memory_space<vmem>> -> memref<120x128xf32, #tpu.memory_space<vmem>>
      %dma_wait3A_57 = arith.constant 0 : i32
      %dma_wait3A_58 = tpu.memref_slice %arg12[%add3A_38, %dma_wait3A_57] : memref<10112x128xf32, #tpu.memory_space<vmem_shared>> -> memref<120x128xf32, #tpu.memory_space<vmem_shared>>
      tpu.wait_dma2 semaphore(%run_scoped3A : memref<!tpu.dma_semaphore, #tpu.memory_space<semaphore_mem>>) src(%dma_wait3A_58 : memref<120x128xf32, #tpu.memory_space<vmem_shared>>) dst(%dma_wait3A_56 : memref<120x128xf32, #tpu.memory_space<vmem>>)
      tpu.yield
    }) : () -> ()
    %add3A_39 = arith.constant 512 : i32
    %add3A_40 = arith.addi %mul3A_2, %add3A_39 : i32
    "tpu.region"() ({
      %run_scoped3A = tpu.sem_alloc : memref<!tpu.dma_semaphore, #tpu.memory_space<semaphore_mem>>
      %dma_start3A = arith.constant 0 : i32
      %dma_start3A_41 = arith.constant 0 : i32
      %dma_start3A_42 = tpu.memref_slice %arg10[%dma_start3A, %dma_start3A_41] : memref<128x128xf32, #tpu.memory_space<vmem>> -> memref<120x128xf32, #tpu.memory_space<vmem>>
      %dma_start3A_43 = arith.constant 0 : i32
      %dma_start3A_44 = tpu.memref_slice %arg7[%arg0, %add3A_40, %dma_start3A_43] : memref<2x10112x128xf32, #tpu.memory_space<hbm>> -> memref<1x120x128xf32, #tpu.memory_space<hbm>>
      %dma_start3A_45 = tpu.memref_squeeze %dma_start3A_44 : memref<1x120x128xf32, #tpu.memory_space<hbm>> -> memref<120x128xf32, #tpu.memory_space<hbm>>
      %dma_start3A_46 = arith.constant 0 : i32
      %dma_start3A_47 = tpu.memref_slice %arg7[%arg0, %add3A_40, %dma_start3A_46] : memref<2x10112x128xf32, #tpu.memory_space<hbm>> -> memref<1x120x128xf32, #tpu.memory_space<hbm>>
      %dma_start3A_48 = tpu.memref_squeeze %dma_start3A_47 : memref<1x120x128xf32, #tpu.memory_space<hbm>> -> memref<120x128xf32, #tpu.memory_space<hbm>>
      %dma_start3A_49 = arith.constant 0 : i32
      %dma_start3A_50 = arith.constant 0 : i32
      %dma_start3A_51 = tpu.memref_slice %arg10[%dma_start3A_49, %dma_start3A_50] : memref<128x128xf32, #tpu.memory_space<vmem>> -> memref<120x128xf32, #tpu.memory_space<vmem>>
      tpu.enqueue_dma source(%dma_start3A_51 : memref<120x128xf32, #tpu.memory_space<vmem>>) target(%dma_start3A_48 : memref<120x128xf32, #tpu.memory_space<hbm>>) target_semaphore(%run_scoped3A : memref<!tpu.dma_semaphore, #tpu.memory_space<semaphore_mem>>)
      %dma_wait3A = arith.constant 0 : i32
      %dma_wait3A_52 = arith.constant 0 : i32
      %dma_wait3A_53 = tpu.memref_slice %arg10[%dma_wait3A, %dma_wait3A_52] : memref<128x128xf32, #tpu.memory_space<vmem>> -> memref<120x128xf32, #tpu.memory_space<vmem>>
      %dma_wait3A_54 = arith.constant 0 : i32
      %dma_wait3A_55 = tpu.memref_slice %arg7[%arg0, %add3A_40, %dma_wait3A_54] : memref<2x10112x128xf32, #tpu.memory_space<hbm>> -> memref<1x120x128xf32, #tpu.memory_space<hbm>>
      %dma_wait3A_56 = tpu.memref_squeeze %dma_wait3A_55 : memref<1x120x128xf32, #tpu.memory_space<hbm>> -> memref<120x128xf32, #tpu.memory_space<hbm>>
      %dma_wait3A_57 = arith.constant 0 : i32
      %dma_wait3A_58 = tpu.memref_slice %arg7[%arg0, %add3A_40, %dma_wait3A_57] : memref<2x10112x128xf32, #tpu.memory_space<hbm>> -> memref<1x120x128xf32, #tpu.memory_space<hbm>>
      %dma_wait3A_59 = tpu.memref_squeeze %dma_wait3A_58 : memref<1x120x128xf32, #tpu.memory_space<hbm>> -> memref<120x128xf32, #tpu.memory_space<hbm>>
      %dma_wait3A_60 = arith.constant 0 : i32
      %dma_wait3A_61 = arith.constant 0 : i32
      %dma_wait3A_62 = tpu.memref_slice %arg10[%dma_wait3A_60, %dma_wait3A_61] : memref<128x128xf32, #tpu.memory_space<vmem>> -> memref<120x128xf32, #tpu.memory_space<vmem>>
      tpu.wait_dma2 semaphore(%run_scoped3A : memref<!tpu.dma_semaphore, #tpu.memory_space<semaphore_mem>>) src(%dma_wait3A_62 : memref<120x128xf32, #tpu.memory_space<vmem>>) dst(%dma_wait3A_59 : memref<120x128xf32, #tpu.memory_space<hbm>>)
      tpu.yield
    }) : () -> ()
    return
  }
}

#map = affine_map<(d0, d1) -> (0, 0)>
#map1 = affine_map<(d0, d1) -> (0)>
#map2 = affine_map<(d0, d1) -> (0, 0, 0)>
module attributes {stable_mosaic.version = 14 : i64} {
  func.func @body(%arg0: i32, %arg1: i32, %arg2: memref<10000x128xf32, #tpu.memory_space<hbm>>, %arg3: memref<327680xi32, #tpu.memory_space<hbm>>, %arg4: memref<327680xi32, #tpu.memory_space<hbm>>, %arg5: memref<128x128xf32, #tpu.memory_space<hbm>>, %arg6: memref<128x128xf32, #tpu.memory_space<hbm>>, %arg7: memref<2x10112x128xf32, #tpu.memory_space<hbm>>, %arg8: memref<2x10112x128xf32, #tpu.memory_space<hbm>>, %arg9: memref<128xi32, #tpu.memory_space<vmem>>, %arg10: memref<128xi32, #tpu.memory_space<vmem>>, %arg11: memref<128x128xf32, #tpu.memory_space<vmem>>, %arg12: memref<128x128xf32, #tpu.memory_space<vmem>>, %arg13: memref<10112x128xf32, #tpu.memory_space<vmem_shared>>, %arg14: memref<!tpu.dma_semaphore, #tpu.memory_space<semaphore_mem>>) attributes {dimension_semantics = [#tpu.dimension_semantics<core_parallel>, #tpu.dimension_semantics<subcore_parallel>], iteration_bounds = array<i64: 2, 16>, scalar_prefetch = 0 : i64, scratch_operands = 6 : i64, tpu.core_type = #tpu.core_type<sc_vector_subcore>, window_params = [{transform_indices = #map}, {transform_indices = #map1}, {transform_indices = #map1}, {transform_indices = #map}, {transform_indices = #map}, {transform_indices = #map2}, {transform_indices = #map2}]} {
    %mul3A = arith.constant 2 : i32
    %mul3A_0 = arith.muli %arg1, %mul3A : i32
    %add3A = arith.addi %mul3A_0, %arg0 : i32
    %mul3A_1 = arith.constant 632 : i32
    %mul3A_2 = arith.muli %arg1, %mul3A_1 : i32
    %mul3A_3 = arith.constant 10240 : i32
    %mul3A_4 = arith.muli %add3A, %mul3A_3 : i32
    "tpu.region"() ({
      %run_scoped3A = tpu.sem_alloc : memref<!tpu.dma_semaphore, #tpu.memory_space<semaphore_mem>>
      tpu.enqueue_dma source(%arg5 : memref<128x128xf32, #tpu.memory_space<hbm>>) target(%arg11 : memref<128x128xf32, #tpu.memory_space<vmem>>) target_semaphore(%run_scoped3A : memref<!tpu.dma_semaphore, #tpu.memory_space<semaphore_mem>>)
      tpu.wait_dma2 semaphore(%run_scoped3A : memref<!tpu.dma_semaphore, #tpu.memory_space<semaphore_mem>>) src(%arg5 : memref<128x128xf32, #tpu.memory_space<hbm>>) dst(%arg11 : memref<128x128xf32, #tpu.memory_space<vmem>>)
      tpu.yield
    }) : () -> ()
    %add3A_5 = arith.constant 0 : i32
    %add3A_6 = arith.addi %mul3A_2, %add3A_5 : i32
    "tpu.region"() ({
      %run_scoped3A = tpu.sem_alloc : memref<!tpu.dma_semaphore, #tpu.memory_space<semaphore_mem>>
      %dma_start3A = arith.constant 0 : i32
      %dma_start3A_80 = arith.constant 0 : i32
      %dma_start3A_81 = tpu.memref_slice %arg11[%dma_start3A, %dma_start3A_80] : memref<128x128xf32, #tpu.memory_space<vmem>> -> memref<128x128xf32, #tpu.memory_space<vmem>>
      %dma_start3A_82 = arith.constant 0 : i32
      %dma_start3A_83 = tpu.memref_slice %arg13[%add3A_6, %dma_start3A_82] : memref<10112x128xf32, #tpu.memory_space<vmem_shared>> -> memref<128x128xf32, #tpu.memory_space<vmem_shared>>
      %dma_start3A_84 = arith.constant 0 : i32
      %dma_start3A_85 = tpu.memref_slice %arg13[%add3A_6, %dma_start3A_84] : memref<10112x128xf32, #tpu.memory_space<vmem_shared>> -> memref<128x128xf32, #tpu.memory_space<vmem_shared>>
      %dma_start3A_86 = arith.constant 0 : i32
      %dma_start3A_87 = arith.constant 0 : i32
      %dma_start3A_88 = tpu.memref_slice %arg11[%dma_start3A_86, %dma_start3A_87] : memref<128x128xf32, #tpu.memory_space<vmem>> -> memref<128x128xf32, #tpu.memory_space<vmem>>
      tpu.enqueue_dma source(%dma_start3A_88 : memref<128x128xf32, #tpu.memory_space<vmem>>) target(%dma_start3A_85 : memref<128x128xf32, #tpu.memory_space<vmem_shared>>) target_semaphore(%run_scoped3A : memref<!tpu.dma_semaphore, #tpu.memory_space<semaphore_mem>>)
      %dma_wait3A = arith.constant 0 : i32
      %dma_wait3A_89 = arith.constant 0 : i32
      %dma_wait3A_90 = tpu.memref_slice %arg11[%dma_wait3A, %dma_wait3A_89] : memref<128x128xf32, #tpu.memory_space<vmem>> -> memref<128x128xf32, #tpu.memory_space<vmem>>
      %dma_wait3A_91 = arith.constant 0 : i32
      %dma_wait3A_92 = tpu.memref_slice %arg13[%add3A_6, %dma_wait3A_91] : memref<10112x128xf32, #tpu.memory_space<vmem_shared>> -> memref<128x128xf32, #tpu.memory_space<vmem_shared>>
      %dma_wait3A_93 = arith.constant 0 : i32
      %dma_wait3A_94 = tpu.memref_slice %arg13[%add3A_6, %dma_wait3A_93] : memref<10112x128xf32, #tpu.memory_space<vmem_shared>> -> memref<128x128xf32, #tpu.memory_space<vmem_shared>>
      %dma_wait3A_95 = arith.constant 0 : i32
      %dma_wait3A_96 = arith.constant 0 : i32
      %dma_wait3A_97 = tpu.memref_slice %arg11[%dma_wait3A_95, %dma_wait3A_96] : memref<128x128xf32, #tpu.memory_space<vmem>> -> memref<128x128xf32, #tpu.memory_space<vmem>>
      tpu.wait_dma2 semaphore(%run_scoped3A : memref<!tpu.dma_semaphore, #tpu.memory_space<semaphore_mem>>) src(%dma_wait3A_97 : memref<128x128xf32, #tpu.memory_space<vmem>>) dst(%dma_wait3A_94 : memref<128x128xf32, #tpu.memory_space<vmem_shared>>)
      tpu.yield
    }) : () -> ()
    %add3A_7 = arith.constant 128 : i32
    %add3A_8 = arith.addi %mul3A_2, %add3A_7 : i32
    "tpu.region"() ({
      %run_scoped3A = tpu.sem_alloc : memref<!tpu.dma_semaphore, #tpu.memory_space<semaphore_mem>>
      %dma_start3A = arith.constant 0 : i32
      %dma_start3A_80 = arith.constant 0 : i32
      %dma_start3A_81 = tpu.memref_slice %arg11[%dma_start3A, %dma_start3A_80] : memref<128x128xf32, #tpu.memory_space<vmem>> -> memref<128x128xf32, #tpu.memory_space<vmem>>
      %dma_start3A_82 = arith.constant 0 : i32
      %dma_start3A_83 = tpu.memref_slice %arg13[%add3A_8, %dma_start3A_82] : memref<10112x128xf32, #tpu.memory_space<vmem_shared>> -> memref<128x128xf32, #tpu.memory_space<vmem_shared>>
      %dma_start3A_84 = arith.constant 0 : i32
      %dma_start3A_85 = tpu.memref_slice %arg13[%add3A_8, %dma_start3A_84] : memref<10112x128xf32, #tpu.memory_space<vmem_shared>> -> memref<128x128xf32, #tpu.memory_space<vmem_shared>>
      %dma_start3A_86 = arith.constant 0 : i32
      %dma_start3A_87 = arith.constant 0 : i32
      %dma_start3A_88 = tpu.memref_slice %arg11[%dma_start3A_86, %dma_start3A_87] : memref<128x128xf32, #tpu.memory_space<vmem>> -> memref<128x128xf32, #tpu.memory_space<vmem>>
      tpu.enqueue_dma source(%dma_start3A_88 : memref<128x128xf32, #tpu.memory_space<vmem>>) target(%dma_start3A_85 : memref<128x128xf32, #tpu.memory_space<vmem_shared>>) target_semaphore(%run_scoped3A : memref<!tpu.dma_semaphore, #tpu.memory_space<semaphore_mem>>)
      %dma_wait3A = arith.constant 0 : i32
      %dma_wait3A_89 = arith.constant 0 : i32
      %dma_wait3A_90 = tpu.memref_slice %arg11[%dma_wait3A, %dma_wait3A_89] : memref<128x128xf32, #tpu.memory_space<vmem>> -> memref<128x128xf32, #tpu.memory_space<vmem>>
      %dma_wait3A_91 = arith.constant 0 : i32
      %dma_wait3A_92 = tpu.memref_slice %arg13[%add3A_8, %dma_wait3A_91] : memref<10112x128xf32, #tpu.memory_space<vmem_shared>> -> memref<128x128xf32, #tpu.memory_space<vmem_shared>>
      %dma_wait3A_93 = arith.constant 0 : i32
      %dma_wait3A_94 = tpu.memref_slice %arg13[%add3A_8, %dma_wait3A_93] : memref<10112x128xf32, #tpu.memory_space<vmem_shared>> -> memref<128x128xf32, #tpu.memory_space<vmem_shared>>
      %dma_wait3A_95 = arith.constant 0 : i32
      %dma_wait3A_96 = arith.constant 0 : i32
      %dma_wait3A_97 = tpu.memref_slice %arg11[%dma_wait3A_95, %dma_wait3A_96] : memref<128x128xf32, #tpu.memory_space<vmem>> -> memref<128x128xf32, #tpu.memory_space<vmem>>
      tpu.wait_dma2 semaphore(%run_scoped3A : memref<!tpu.dma_semaphore, #tpu.memory_space<semaphore_mem>>) src(%dma_wait3A_97 : memref<128x128xf32, #tpu.memory_space<vmem>>) dst(%dma_wait3A_94 : memref<128x128xf32, #tpu.memory_space<vmem_shared>>)
      tpu.yield
    }) : () -> ()
    %add3A_9 = arith.constant 256 : i32
    %add3A_10 = arith.addi %mul3A_2, %add3A_9 : i32
    "tpu.region"() ({
      %run_scoped3A = tpu.sem_alloc : memref<!tpu.dma_semaphore, #tpu.memory_space<semaphore_mem>>
      %dma_start3A = arith.constant 0 : i32
      %dma_start3A_80 = arith.constant 0 : i32
      %dma_start3A_81 = tpu.memref_slice %arg11[%dma_start3A, %dma_start3A_80] : memref<128x128xf32, #tpu.memory_space<vmem>> -> memref<128x128xf32, #tpu.memory_space<vmem>>
      %dma_start3A_82 = arith.constant 0 : i32
      %dma_start3A_83 = tpu.memref_slice %arg13[%add3A_10, %dma_start3A_82] : memref<10112x128xf32, #tpu.memory_space<vmem_shared>> -> memref<128x128xf32, #tpu.memory_space<vmem_shared>>
      %dma_start3A_84 = arith.constant 0 : i32
      %dma_start3A_85 = tpu.memref_slice %arg13[%add3A_10, %dma_start3A_84] : memref<10112x128xf32, #tpu.memory_space<vmem_shared>> -> memref<128x128xf32, #tpu.memory_space<vmem_shared>>
      %dma_start3A_86 = arith.constant 0 : i32
      %dma_start3A_87 = arith.constant 0 : i32
      %dma_start3A_88 = tpu.memref_slice %arg11[%dma_start3A_86, %dma_start3A_87] : memref<128x128xf32, #tpu.memory_space<vmem>> -> memref<128x128xf32, #tpu.memory_space<vmem>>
      tpu.enqueue_dma source(%dma_start3A_88 : memref<128x128xf32, #tpu.memory_space<vmem>>) target(%dma_start3A_85 : memref<128x128xf32, #tpu.memory_space<vmem_shared>>) target_semaphore(%run_scoped3A : memref<!tpu.dma_semaphore, #tpu.memory_space<semaphore_mem>>)
      %dma_wait3A = arith.constant 0 : i32
      %dma_wait3A_89 = arith.constant 0 : i32
      %dma_wait3A_90 = tpu.memref_slice %arg11[%dma_wait3A, %dma_wait3A_89] : memref<128x128xf32, #tpu.memory_space<vmem>> -> memref<128x128xf32, #tpu.memory_space<vmem>>
      %dma_wait3A_91 = arith.constant 0 : i32
      %dma_wait3A_92 = tpu.memref_slice %arg13[%add3A_10, %dma_wait3A_91] : memref<10112x128xf32, #tpu.memory_space<vmem_shared>> -> memref<128x128xf32, #tpu.memory_space<vmem_shared>>
      %dma_wait3A_93 = arith.constant 0 : i32
      %dma_wait3A_94 = tpu.memref_slice %arg13[%add3A_10, %dma_wait3A_93] : memref<10112x128xf32, #tpu.memory_space<vmem_shared>> -> memref<128x128xf32, #tpu.memory_space<vmem_shared>>
      %dma_wait3A_95 = arith.constant 0 : i32
      %dma_wait3A_96 = arith.constant 0 : i32
      %dma_wait3A_97 = tpu.memref_slice %arg11[%dma_wait3A_95, %dma_wait3A_96] : memref<128x128xf32, #tpu.memory_space<vmem>> -> memref<128x128xf32, #tpu.memory_space<vmem>>
      tpu.wait_dma2 semaphore(%run_scoped3A : memref<!tpu.dma_semaphore, #tpu.memory_space<semaphore_mem>>) src(%dma_wait3A_97 : memref<128x128xf32, #tpu.memory_space<vmem>>) dst(%dma_wait3A_94 : memref<128x128xf32, #tpu.memory_space<vmem_shared>>)
      tpu.yield
    }) : () -> ()
    %add3A_11 = arith.constant 384 : i32
    %add3A_12 = arith.addi %mul3A_2, %add3A_11 : i32
    "tpu.region"() ({
      %run_scoped3A = tpu.sem_alloc : memref<!tpu.dma_semaphore, #tpu.memory_space<semaphore_mem>>
      %dma_start3A = arith.constant 0 : i32
      %dma_start3A_80 = arith.constant 0 : i32
      %dma_start3A_81 = tpu.memref_slice %arg11[%dma_start3A, %dma_start3A_80] : memref<128x128xf32, #tpu.memory_space<vmem>> -> memref<128x128xf32, #tpu.memory_space<vmem>>
      %dma_start3A_82 = arith.constant 0 : i32
      %dma_start3A_83 = tpu.memref_slice %arg13[%add3A_12, %dma_start3A_82] : memref<10112x128xf32, #tpu.memory_space<vmem_shared>> -> memref<128x128xf32, #tpu.memory_space<vmem_shared>>
      %dma_start3A_84 = arith.constant 0 : i32
      %dma_start3A_85 = tpu.memref_slice %arg13[%add3A_12, %dma_start3A_84] : memref<10112x128xf32, #tpu.memory_space<vmem_shared>> -> memref<128x128xf32, #tpu.memory_space<vmem_shared>>
      %dma_start3A_86 = arith.constant 0 : i32
      %dma_start3A_87 = arith.constant 0 : i32
      %dma_start3A_88 = tpu.memref_slice %arg11[%dma_start3A_86, %dma_start3A_87] : memref<128x128xf32, #tpu.memory_space<vmem>> -> memref<128x128xf32, #tpu.memory_space<vmem>>
      tpu.enqueue_dma source(%dma_start3A_88 : memref<128x128xf32, #tpu.memory_space<vmem>>) target(%dma_start3A_85 : memref<128x128xf32, #tpu.memory_space<vmem_shared>>) target_semaphore(%run_scoped3A : memref<!tpu.dma_semaphore, #tpu.memory_space<semaphore_mem>>)
      %dma_wait3A = arith.constant 0 : i32
      %dma_wait3A_89 = arith.constant 0 : i32
      %dma_wait3A_90 = tpu.memref_slice %arg11[%dma_wait3A, %dma_wait3A_89] : memref<128x128xf32, #tpu.memory_space<vmem>> -> memref<128x128xf32, #tpu.memory_space<vmem>>
      %dma_wait3A_91 = arith.constant 0 : i32
      %dma_wait3A_92 = tpu.memref_slice %arg13[%add3A_12, %dma_wait3A_91] : memref<10112x128xf32, #tpu.memory_space<vmem_shared>> -> memref<128x128xf32, #tpu.memory_space<vmem_shared>>
      %dma_wait3A_93 = arith.constant 0 : i32
      %dma_wait3A_94 = tpu.memref_slice %arg13[%add3A_12, %dma_wait3A_93] : memref<10112x128xf32, #tpu.memory_space<vmem_shared>> -> memref<128x128xf32, #tpu.memory_space<vmem_shared>>
      %dma_wait3A_95 = arith.constant 0 : i32
      %dma_wait3A_96 = arith.constant 0 : i32
      %dma_wait3A_97 = tpu.memref_slice %arg11[%dma_wait3A_95, %dma_wait3A_96] : memref<128x128xf32, #tpu.memory_space<vmem>> -> memref<128x128xf32, #tpu.memory_space<vmem>>
      tpu.wait_dma2 semaphore(%run_scoped3A : memref<!tpu.dma_semaphore, #tpu.memory_space<semaphore_mem>>) src(%dma_wait3A_97 : memref<128x128xf32, #tpu.memory_space<vmem>>) dst(%dma_wait3A_94 : memref<128x128xf32, #tpu.memory_space<vmem_shared>>)
      tpu.yield
    }) : () -> ()
    %add3A_13 = arith.constant 512 : i32
    %add3A_14 = arith.addi %mul3A_2, %add3A_13 : i32
    "tpu.region"() ({
      %run_scoped3A = tpu.sem_alloc : memref<!tpu.dma_semaphore, #tpu.memory_space<semaphore_mem>>
      %dma_start3A = arith.constant 0 : i32
      %dma_start3A_80 = arith.constant 0 : i32
      %dma_start3A_81 = tpu.memref_slice %arg11[%dma_start3A, %dma_start3A_80] : memref<128x128xf32, #tpu.memory_space<vmem>> -> memref<120x128xf32, #tpu.memory_space<vmem>>
      %dma_start3A_82 = arith.constant 0 : i32
      %dma_start3A_83 = tpu.memref_slice %arg13[%add3A_14, %dma_start3A_82] : memref<10112x128xf32, #tpu.memory_space<vmem_shared>> -> memref<120x128xf32, #tpu.memory_space<vmem_shared>>
      %dma_start3A_84 = arith.constant 0 : i32
      %dma_start3A_85 = tpu.memref_slice %arg13[%add3A_14, %dma_start3A_84] : memref<10112x128xf32, #tpu.memory_space<vmem_shared>> -> memref<120x128xf32, #tpu.memory_space<vmem_shared>>
      %dma_start3A_86 = arith.constant 0 : i32
      %dma_start3A_87 = arith.constant 0 : i32
      %dma_start3A_88 = tpu.memref_slice %arg11[%dma_start3A_86, %dma_start3A_87] : memref<128x128xf32, #tpu.memory_space<vmem>> -> memref<120x128xf32, #tpu.memory_space<vmem>>
      tpu.enqueue_dma source(%dma_start3A_88 : memref<120x128xf32, #tpu.memory_space<vmem>>) target(%dma_start3A_85 : memref<120x128xf32, #tpu.memory_space<vmem_shared>>) target_semaphore(%run_scoped3A : memref<!tpu.dma_semaphore, #tpu.memory_space<semaphore_mem>>)
      %dma_wait3A = arith.constant 0 : i32
      %dma_wait3A_89 = arith.constant 0 : i32
      %dma_wait3A_90 = tpu.memref_slice %arg11[%dma_wait3A, %dma_wait3A_89] : memref<128x128xf32, #tpu.memory_space<vmem>> -> memref<120x128xf32, #tpu.memory_space<vmem>>
      %dma_wait3A_91 = arith.constant 0 : i32
      %dma_wait3A_92 = tpu.memref_slice %arg13[%add3A_14, %dma_wait3A_91] : memref<10112x128xf32, #tpu.memory_space<vmem_shared>> -> memref<120x128xf32, #tpu.memory_space<vmem_shared>>
      %dma_wait3A_93 = arith.constant 0 : i32
      %dma_wait3A_94 = tpu.memref_slice %arg13[%add3A_14, %dma_wait3A_93] : memref<10112x128xf32, #tpu.memory_space<vmem_shared>> -> memref<120x128xf32, #tpu.memory_space<vmem_shared>>
      %dma_wait3A_95 = arith.constant 0 : i32
      %dma_wait3A_96 = arith.constant 0 : i32
      %dma_wait3A_97 = tpu.memref_slice %arg11[%dma_wait3A_95, %dma_wait3A_96] : memref<128x128xf32, #tpu.memory_space<vmem>> -> memref<120x128xf32, #tpu.memory_space<vmem>>
      tpu.wait_dma2 semaphore(%run_scoped3A : memref<!tpu.dma_semaphore, #tpu.memory_space<semaphore_mem>>) src(%dma_wait3A_97 : memref<120x128xf32, #tpu.memory_space<vmem>>) dst(%dma_wait3A_94 : memref<120x128xf32, #tpu.memory_space<vmem_shared>>)
      tpu.yield
    }) : () -> ()
    %barrier3A = arith.constant 0 : index
    tpu.barrier barrier_id(%barrier3A)
    %scan3A = arith.constant 0 : i32
    %scan3A_15 = arith.constant 0 : i32
    %scan3A_16 = arith.constant 80 : i32
    %scan3A_17 = arith.addi %scan3A_15, %scan3A_16 : i32
    %scan3A_18 = arith.constant 1 : i32
    scf.for %scan3A_80 = %scan3A_15 to %scan3A_17 step %scan3A_18  : i32 {
      %mul3A_81 = arith.constant 128 : i32
      %mul3A_82 = arith.muli %scan3A_80, %mul3A_81 : i32
      %add3A_83 = arith.addi %mul3A_4, %mul3A_82 : i32
      "tpu.region"() ({
        %run_scoped3A = tpu.sem_alloc : memref<!tpu.dma_semaphore, #tpu.memory_space<semaphore_mem>>
        %dma_start3A_88 = tpu.memref_slice %arg3[%add3A_83] : memref<327680xi32, #tpu.memory_space<hbm>> -> memref<128xi32, #tpu.memory_space<hbm>>
        %dma_start3A_89 = tpu.memref_slice %arg3[%add3A_83] : memref<327680xi32, #tpu.memory_space<hbm>> -> memref<128xi32, #tpu.memory_space<hbm>>
        tpu.enqueue_dma source(%dma_start3A_89 : memref<128xi32, #tpu.memory_space<hbm>>) target(%arg9 : memref<128xi32, #tpu.memory_space<vmem>>) target_semaphore(%run_scoped3A : memref<!tpu.dma_semaphore, #tpu.memory_space<semaphore_mem>>)
        %dma_wait3A_90 = tpu.memref_slice %arg3[%add3A_83] : memref<327680xi32, #tpu.memory_space<hbm>> -> memref<128xi32, #tpu.memory_space<hbm>>
        %dma_wait3A_91 = tpu.memref_slice %arg3[%add3A_83] : memref<327680xi32, #tpu.memory_space<hbm>> -> memref<128xi32, #tpu.memory_space<hbm>>
        tpu.wait_dma2 semaphore(%run_scoped3A : memref<!tpu.dma_semaphore, #tpu.memory_space<semaphore_mem>>) src(%dma_wait3A_91 : memref<128xi32, #tpu.memory_space<hbm>>) dst(%arg9 : memref<128xi32, #tpu.memory_space<vmem>>)
        tpu.yield
      }) : () -> ()
      "tpu.region"() ({
        %run_scoped3A = tpu.sem_alloc : memref<!tpu.dma_semaphore, #tpu.memory_space<semaphore_mem>>
        %dma_start3A_88 = tpu.memref_slice %arg4[%add3A_83] : memref<327680xi32, #tpu.memory_space<hbm>> -> memref<128xi32, #tpu.memory_space<hbm>>
        %dma_start3A_89 = tpu.memref_slice %arg4[%add3A_83] : memref<327680xi32, #tpu.memory_space<hbm>> -> memref<128xi32, #tpu.memory_space<hbm>>
        tpu.enqueue_dma source(%dma_start3A_89 : memref<128xi32, #tpu.memory_space<hbm>>) target(%arg10 : memref<128xi32, #tpu.memory_space<vmem>>) target_semaphore(%run_scoped3A : memref<!tpu.dma_semaphore, #tpu.memory_space<semaphore_mem>>)
        %dma_wait3A_90 = tpu.memref_slice %arg4[%add3A_83] : memref<327680xi32, #tpu.memory_space<hbm>> -> memref<128xi32, #tpu.memory_space<hbm>>
        %dma_wait3A_91 = tpu.memref_slice %arg4[%add3A_83] : memref<327680xi32, #tpu.memory_space<hbm>> -> memref<128xi32, #tpu.memory_space<hbm>>
        tpu.wait_dma2 semaphore(%run_scoped3A : memref<!tpu.dma_semaphore, #tpu.memory_space<semaphore_mem>>) src(%dma_wait3A_91 : memref<128xi32, #tpu.memory_space<hbm>>) dst(%arg10 : memref<128xi32, #tpu.memory_space<vmem>>)
        tpu.yield
      }) : () -> ()
      %dma_start3A = arith.constant 0 : i32
      %dma_start3A_84 = arith.constant 0 : i32
      %dma_start3A_85 = tpu.memref_slice %arg2[%dma_start3A, %dma_start3A_84] : memref<10000x128xf32, #tpu.memory_space<hbm>> -> memref<10000x128xf32, #tpu.memory_space<hbm>>
      tpu.enqueue_indirect_dma source(%dma_start3A_85 : memref<10000x128xf32, #tpu.memory_space<hbm>>) target(%arg11 : memref<128x128xf32, #tpu.memory_space<vmem>>) offsets(%arg9 : memref<128xi32, #tpu.memory_space<vmem>>) semaphore(%arg14 : memref<!tpu.dma_semaphore, #tpu.memory_space<semaphore_mem>>)
      %dma_wait3A = arith.constant 0 : i32
      %dma_wait3A_86 = arith.constant 0 : i32
      %dma_wait3A_87 = tpu.memref_slice %arg2[%dma_wait3A, %dma_wait3A_86] : memref<10000x128xf32, #tpu.memory_space<hbm>> -> memref<10000x128xf32, #tpu.memory_space<hbm>>
      tpu.wait_indirect_dma semaphore(%arg14 : memref<!tpu.dma_semaphore, #tpu.memory_space<semaphore_mem>>) src(%dma_wait3A_87 : memref<10000x128xf32, #tpu.memory_space<hbm>>) dst(%arg11 : memref<128x128xf32, #tpu.memory_space<vmem>>)
      "tpu.region"() ({
        %run_scoped3A = tpu.sem_alloc : memref<!tpu.dma_semaphore, #tpu.memory_space<semaphore_mem>>
        %dma_start3A_88 = arith.constant 0 : i32
        %dma_start3A_89 = arith.constant 0 : i32
        %dma_start3A_90 = tpu.memref_slice %arg13[%dma_start3A_88, %dma_start3A_89] : memref<10112x128xf32, #tpu.memory_space<vmem_shared>> -> memref<10112x128xf32, #tpu.memory_space<vmem_shared>>
        tpu.enqueue_indirect_dma source(%arg11 : memref<128x128xf32, #tpu.memory_space<vmem>>) target(%dma_start3A_90 : memref<10112x128xf32, #tpu.memory_space<vmem_shared>>) offsets(%arg10 : memref<128xi32, #tpu.memory_space<vmem>>) semaphore(%run_scoped3A : memref<!tpu.dma_semaphore, #tpu.memory_space<semaphore_mem>>) {add = true}
        %dma_wait3A_91 = arith.constant 0 : i32
        %dma_wait3A_92 = arith.constant 0 : i32
        %dma_wait3A_93 = tpu.memref_slice %arg13[%dma_wait3A_91, %dma_wait3A_92] : memref<10112x128xf32, #tpu.memory_space<vmem_shared>> -> memref<10112x128xf32, #tpu.memory_space<vmem_shared>>
        tpu.wait_indirect_dma semaphore(%run_scoped3A : memref<!tpu.dma_semaphore, #tpu.memory_space<semaphore_mem>>) src(%arg11 : memref<128x128xf32, #tpu.memory_space<vmem>>) dst(%dma_wait3A_93 : memref<10112x128xf32, #tpu.memory_space<vmem_shared>>)
        tpu.yield
      }) : () -> ()
    }
    %scan3A_19 = arith.constant 80 : i32
    %barrier3A_20 = arith.constant 0 : index
    tpu.barrier barrier_id(%barrier3A_20)
    %add3A_21 = arith.constant 0 : i32
    %add3A_22 = arith.addi %mul3A_2, %add3A_21 : i32
    "tpu.region"() ({
      %run_scoped3A = tpu.sem_alloc : memref<!tpu.dma_semaphore, #tpu.memory_space<semaphore_mem>>
      %dma_start3A = arith.constant 0 : i32
      %dma_start3A_80 = arith.constant 0 : i32
      %dma_start3A_81 = tpu.memref_slice %arg11[%dma_start3A, %dma_start3A_80] : memref<128x128xf32, #tpu.memory_space<vmem>> -> memref<128x128xf32, #tpu.memory_space<vmem>>
      %dma_start3A_82 = arith.constant 0 : i32
      %dma_start3A_83 = tpu.memref_slice %arg13[%add3A_22, %dma_start3A_82] : memref<10112x128xf32, #tpu.memory_space<vmem_shared>> -> memref<128x128xf32, #tpu.memory_space<vmem_shared>>
      %dma_start3A_84 = arith.constant 0 : i32
      %dma_start3A_85 = arith.constant 0 : i32
      %dma_start3A_86 = tpu.memref_slice %arg11[%dma_start3A_84, %dma_start3A_85] : memref<128x128xf32, #tpu.memory_space<vmem>> -> memref<128x128xf32, #tpu.memory_space<vmem>>
      %dma_start3A_87 = arith.constant 0 : i32
      %dma_start3A_88 = tpu.memref_slice %arg13[%add3A_22, %dma_start3A_87] : memref<10112x128xf32, #tpu.memory_space<vmem_shared>> -> memref<128x128xf32, #tpu.memory_space<vmem_shared>>
      tpu.enqueue_dma source(%dma_start3A_88 : memref<128x128xf32, #tpu.memory_space<vmem_shared>>) target(%dma_start3A_86 : memref<128x128xf32, #tpu.memory_space<vmem>>) target_semaphore(%run_scoped3A : memref<!tpu.dma_semaphore, #tpu.memory_space<semaphore_mem>>)
      %dma_wait3A = arith.constant 0 : i32
      %dma_wait3A_89 = arith.constant 0 : i32
      %dma_wait3A_90 = tpu.memref_slice %arg11[%dma_wait3A, %dma_wait3A_89] : memref<128x128xf32, #tpu.memory_space<vmem>> -> memref<128x128xf32, #tpu.memory_space<vmem>>
      %dma_wait3A_91 = arith.constant 0 : i32
      %dma_wait3A_92 = tpu.memref_slice %arg13[%add3A_22, %dma_wait3A_91] : memref<10112x128xf32, #tpu.memory_space<vmem_shared>> -> memref<128x128xf32, #tpu.memory_space<vmem_shared>>
      %dma_wait3A_93 = arith.constant 0 : i32
      %dma_wait3A_94 = arith.constant 0 : i32
      %dma_wait3A_95 = tpu.memref_slice %arg11[%dma_wait3A_93, %dma_wait3A_94] : memref<128x128xf32, #tpu.memory_space<vmem>> -> memref<128x128xf32, #tpu.memory_space<vmem>>
      %dma_wait3A_96 = arith.constant 0 : i32
      %dma_wait3A_97 = tpu.memref_slice %arg13[%add3A_22, %dma_wait3A_96] : memref<10112x128xf32, #tpu.memory_space<vmem_shared>> -> memref<128x128xf32, #tpu.memory_space<vmem_shared>>
      tpu.wait_dma2 semaphore(%run_scoped3A : memref<!tpu.dma_semaphore, #tpu.memory_space<semaphore_mem>>) src(%dma_wait3A_97 : memref<128x128xf32, #tpu.memory_space<vmem_shared>>) dst(%dma_wait3A_95 : memref<128x128xf32, #tpu.memory_space<vmem>>)
      tpu.yield
    }) : () -> ()
    %add3A_23 = arith.constant 0 : i32
    %add3A_24 = arith.addi %mul3A_2, %add3A_23 : i32
    "tpu.region"() ({
      %run_scoped3A = tpu.sem_alloc : memref<!tpu.dma_semaphore, #tpu.memory_space<semaphore_mem>>
      %dma_start3A = arith.constant 0 : i32
      %dma_start3A_80 = arith.constant 0 : i32
      %dma_start3A_81 = tpu.memref_slice %arg11[%dma_start3A, %dma_start3A_80] : memref<128x128xf32, #tpu.memory_space<vmem>> -> memref<128x128xf32, #tpu.memory_space<vmem>>
      %dma_start3A_82 = arith.constant 0 : i32
      %dma_start3A_83 = tpu.memref_slice %arg7[%arg0, %add3A_24, %dma_start3A_82] : memref<2x10112x128xf32, #tpu.memory_space<hbm>> -> memref<1x128x128xf32, #tpu.memory_space<hbm>>
      %dma_start3A_84 = tpu.memref_squeeze %dma_start3A_83 : memref<1x128x128xf32, #tpu.memory_space<hbm>> -> memref<128x128xf32, #tpu.memory_space<hbm>>
      %dma_start3A_85 = arith.constant 0 : i32
      %dma_start3A_86 = tpu.memref_slice %arg7[%arg0, %add3A_24, %dma_start3A_85] : memref<2x10112x128xf32, #tpu.memory_space<hbm>> -> memref<1x128x128xf32, #tpu.memory_space<hbm>>
      %dma_start3A_87 = tpu.memref_squeeze %dma_start3A_86 : memref<1x128x128xf32, #tpu.memory_space<hbm>> -> memref<128x128xf32, #tpu.memory_space<hbm>>
      %dma_start3A_88 = arith.constant 0 : i32
      %dma_start3A_89 = arith.constant 0 : i32
      %dma_start3A_90 = tpu.memref_slice %arg11[%dma_start3A_88, %dma_start3A_89] : memref<128x128xf32, #tpu.memory_space<vmem>> -> memref<128x128xf32, #tpu.memory_space<vmem>>
      tpu.enqueue_dma source(%dma_start3A_90 : memref<128x128xf32, #tpu.memory_space<vmem>>) target(%dma_start3A_87 : memref<128x128xf32, #tpu.memory_space<hbm>>) target_semaphore(%run_scoped3A : memref<!tpu.dma_semaphore, #tpu.memory_space<semaphore_mem>>)
      %dma_wait3A = arith.constant 0 : i32
      %dma_wait3A_91 = arith.constant 0 : i32
      %dma_wait3A_92 = tpu.memref_slice %arg11[%dma_wait3A, %dma_wait3A_91] : memref<128x128xf32, #tpu.memory_space<vmem>> -> memref<128x128xf32, #tpu.memory_space<vmem>>
      %dma_wait3A_93 = arith.constant 0 : i32
      %dma_wait3A_94 = tpu.memref_slice %arg7[%arg0, %add3A_24, %dma_wait3A_93] : memref<2x10112x128xf32, #tpu.memory_space<hbm>> -> memref<1x128x128xf32, #tpu.memory_space<hbm>>
      %dma_wait3A_95 = tpu.memref_squeeze %dma_wait3A_94 : memref<1x128x128xf32, #tpu.memory_space<hbm>> -> memref<128x128xf32, #tpu.memory_space<hbm>>
      %dma_wait3A_96 = arith.constant 0 : i32
      %dma_wait3A_97 = tpu.memref_slice %arg7[%arg0, %add3A_24, %dma_wait3A_96] : memref<2x10112x128xf32, #tpu.memory_space<hbm>> -> memref<1x128x128xf32, #tpu.memory_space<hbm>>
      %dma_wait3A_98 = tpu.memref_squeeze %dma_wait3A_97 : memref<1x128x128xf32, #tpu.memory_space<hbm>> -> memref<128x128xf32, #tpu.memory_space<hbm>>
      %dma_wait3A_99 = arith.constant 0 : i32
      %dma_wait3A_100 = arith.constant 0 : i32
      %dma_wait3A_101 = tpu.memref_slice %arg11[%dma_wait3A_99, %dma_wait3A_100] : memref<128x128xf32, #tpu.memory_space<vmem>> -> memref<128x128xf32, #tpu.memory_space<vmem>>
      tpu.wait_dma2 semaphore(%run_scoped3A : memref<!tpu.dma_semaphore, #tpu.memory_space<semaphore_mem>>) src(%dma_wait3A_101 : memref<128x128xf32, #tpu.memory_space<vmem>>) dst(%dma_wait3A_98 : memref<128x128xf32, #tpu.memory_space<hbm>>)
      tpu.yield
    }) : () -> ()
    %add3A_25 = arith.constant 128 : i32
    %add3A_26 = arith.addi %mul3A_2, %add3A_25 : i32
    "tpu.region"() ({
      %run_scoped3A = tpu.sem_alloc : memref<!tpu.dma_semaphore, #tpu.memory_space<semaphore_mem>>
      %dma_start3A = arith.constant 0 : i32
      %dma_start3A_80 = arith.constant 0 : i32
      %dma_start3A_81 = tpu.memref_slice %arg11[%dma_start3A, %dma_start3A_80] : memref<128x128xf32, #tpu.memory_space<vmem>> -> memref<128x128xf32, #tpu.memory_space<vmem>>
      %dma_start3A_82 = arith.constant 0 : i32
      %dma_start3A_83 = tpu.memref_slice %arg13[%add3A_26, %dma_start3A_82] : memref<10112x128xf32, #tpu.memory_space<vmem_shared>> -> memref<128x128xf32, #tpu.memory_space<vmem_shared>>
      %dma_start3A_84 = arith.constant 0 : i32
      %dma_start3A_85 = arith.constant 0 : i32
      %dma_start3A_86 = tpu.memref_slice %arg11[%dma_start3A_84, %dma_start3A_85] : memref<128x128xf32, #tpu.memory_space<vmem>> -> memref<128x128xf32, #tpu.memory_space<vmem>>
      %dma_start3A_87 = arith.constant 0 : i32
      %dma_start3A_88 = tpu.memref_slice %arg13[%add3A_26, %dma_start3A_87] : memref<10112x128xf32, #tpu.memory_space<vmem_shared>> -> memref<128x128xf32, #tpu.memory_space<vmem_shared>>
      tpu.enqueue_dma source(%dma_start3A_88 : memref<128x128xf32, #tpu.memory_space<vmem_shared>>) target(%dma_start3A_86 : memref<128x128xf32, #tpu.memory_space<vmem>>) target_semaphore(%run_scoped3A : memref<!tpu.dma_semaphore, #tpu.memory_space<semaphore_mem>>)
      %dma_wait3A = arith.constant 0 : i32
      %dma_wait3A_89 = arith.constant 0 : i32
      %dma_wait3A_90 = tpu.memref_slice %arg11[%dma_wait3A, %dma_wait3A_89] : memref<128x128xf32, #tpu.memory_space<vmem>> -> memref<128x128xf32, #tpu.memory_space<vmem>>
      %dma_wait3A_91 = arith.constant 0 : i32
      %dma_wait3A_92 = tpu.memref_slice %arg13[%add3A_26, %dma_wait3A_91] : memref<10112x128xf32, #tpu.memory_space<vmem_shared>> -> memref<128x128xf32, #tpu.memory_space<vmem_shared>>
      %dma_wait3A_93 = arith.constant 0 : i32
      %dma_wait3A_94 = arith.constant 0 : i32
      %dma_wait3A_95 = tpu.memref_slice %arg11[%dma_wait3A_93, %dma_wait3A_94] : memref<128x128xf32, #tpu.memory_space<vmem>> -> memref<128x128xf32, #tpu.memory_space<vmem>>
      %dma_wait3A_96 = arith.constant 0 : i32
      %dma_wait3A_97 = tpu.memref_slice %arg13[%add3A_26, %dma_wait3A_96] : memref<10112x128xf32, #tpu.memory_space<vmem_shared>> -> memref<128x128xf32, #tpu.memory_space<vmem_shared>>
      tpu.wait_dma2 semaphore(%run_scoped3A : memref<!tpu.dma_semaphore, #tpu.memory_space<semaphore_mem>>) src(%dma_wait3A_97 : memref<128x128xf32, #tpu.memory_space<vmem_shared>>) dst(%dma_wait3A_95 : memref<128x128xf32, #tpu.memory_space<vmem>>)
      tpu.yield
    }) : () -> ()
    %add3A_27 = arith.constant 128 : i32
    %add3A_28 = arith.addi %mul3A_2, %add3A_27 : i32
    "tpu.region"() ({
      %run_scoped3A = tpu.sem_alloc : memref<!tpu.dma_semaphore, #tpu.memory_space<semaphore_mem>>
      %dma_start3A = arith.constant 0 : i32
      %dma_start3A_80 = arith.constant 0 : i32
      %dma_start3A_81 = tpu.memref_slice %arg11[%dma_start3A, %dma_start3A_80] : memref<128x128xf32, #tpu.memory_space<vmem>> -> memref<128x128xf32, #tpu.memory_space<vmem>>
      %dma_start3A_82 = arith.constant 0 : i32
      %dma_start3A_83 = tpu.memref_slice %arg7[%arg0, %add3A_28, %dma_start3A_82] : memref<2x10112x128xf32, #tpu.memory_space<hbm>> -> memref<1x128x128xf32, #tpu.memory_space<hbm>>
      %dma_start3A_84 = tpu.memref_squeeze %dma_start3A_83 : memref<1x128x128xf32, #tpu.memory_space<hbm>> -> memref<128x128xf32, #tpu.memory_space<hbm>>
      %dma_start3A_85 = arith.constant 0 : i32
      %dma_start3A_86 = tpu.memref_slice %arg7[%arg0, %add3A_28, %dma_start3A_85] : memref<2x10112x128xf32, #tpu.memory_space<hbm>> -> memref<1x128x128xf32, #tpu.memory_space<hbm>>
      %dma_start3A_87 = tpu.memref_squeeze %dma_start3A_86 : memref<1x128x128xf32, #tpu.memory_space<hbm>> -> memref<128x128xf32, #tpu.memory_space<hbm>>
      %dma_start3A_88 = arith.constant 0 : i32
      %dma_start3A_89 = arith.constant 0 : i32
      %dma_start3A_90 = tpu.memref_slice %arg11[%dma_start3A_88, %dma_start3A_89] : memref<128x128xf32, #tpu.memory_space<vmem>> -> memref<128x128xf32, #tpu.memory_space<vmem>>
      tpu.enqueue_dma source(%dma_start3A_90 : memref<128x128xf32, #tpu.memory_space<vmem>>) target(%dma_start3A_87 : memref<128x128xf32, #tpu.memory_space<hbm>>) target_semaphore(%run_scoped3A : memref<!tpu.dma_semaphore, #tpu.memory_space<semaphore_mem>>)
      %dma_wait3A = arith.constant 0 : i32
      %dma_wait3A_91 = arith.constant 0 : i32
      %dma_wait3A_92 = tpu.memref_slice %arg11[%dma_wait3A, %dma_wait3A_91] : memref<128x128xf32, #tpu.memory_space<vmem>> -> memref<128x128xf32, #tpu.memory_space<vmem>>
      %dma_wait3A_93 = arith.constant 0 : i32
      %dma_wait3A_94 = tpu.memref_slice %arg7[%arg0, %add3A_28, %dma_wait3A_93] : memref<2x10112x128xf32, #tpu.memory_space<hbm>> -> memref<1x128x128xf32, #tpu.memory_space<hbm>>
      %dma_wait3A_95 = tpu.memref_squeeze %dma_wait3A_94 : memref<1x128x128xf32, #tpu.memory_space<hbm>> -> memref<128x128xf32, #tpu.memory_space<hbm>>
      %dma_wait3A_96 = arith.constant 0 : i32
      %dma_wait3A_97 = tpu.memref_slice %arg7[%arg0, %add3A_28, %dma_wait3A_96] : memref<2x10112x128xf32, #tpu.memory_space<hbm>> -> memref<1x128x128xf32, #tpu.memory_space<hbm>>
      %dma_wait3A_98 = tpu.memref_squeeze %dma_wait3A_97 : memref<1x128x128xf32, #tpu.memory_space<hbm>> -> memref<128x128xf32, #tpu.memory_space<hbm>>
      %dma_wait3A_99 = arith.constant 0 : i32
      %dma_wait3A_100 = arith.constant 0 : i32
      %dma_wait3A_101 = tpu.memref_slice %arg11[%dma_wait3A_99, %dma_wait3A_100] : memref<128x128xf32, #tpu.memory_space<vmem>> -> memref<128x128xf32, #tpu.memory_space<vmem>>
      tpu.wait_dma2 semaphore(%run_scoped3A : memref<!tpu.dma_semaphore, #tpu.memory_space<semaphore_mem>>) src(%dma_wait3A_101 : memref<128x128xf32, #tpu.memory_space<vmem>>) dst(%dma_wait3A_98 : memref<128x128xf32, #tpu.memory_space<hbm>>)
      tpu.yield
    }) : () -> ()
    %add3A_29 = arith.constant 256 : i32
    %add3A_30 = arith.addi %mul3A_2, %add3A_29 : i32
    "tpu.region"() ({
      %run_scoped3A = tpu.sem_alloc : memref<!tpu.dma_semaphore, #tpu.memory_space<semaphore_mem>>
      %dma_start3A = arith.constant 0 : i32
      %dma_start3A_80 = arith.constant 0 : i32
      %dma_start3A_81 = tpu.memref_slice %arg11[%dma_start3A, %dma_start3A_80] : memref<128x128xf32, #tpu.memory_space<vmem>> -> memref<128x128xf32, #tpu.memory_space<vmem>>
      %dma_start3A_82 = arith.constant 0 : i32
      %dma_start3A_83 = tpu.memref_slice %arg13[%add3A_30, %dma_start3A_82] : memref<10112x128xf32, #tpu.memory_space<vmem_shared>> -> memref<128x128xf32, #tpu.memory_space<vmem_shared>>
      %dma_start3A_84 = arith.constant 0 : i32
      %dma_start3A_85 = arith.constant 0 : i32
      %dma_start3A_86 = tpu.memref_slice %arg11[%dma_start3A_84, %dma_start3A_85] : memref<128x128xf32, #tpu.memory_space<vmem>> -> memref<128x128xf32, #tpu.memory_space<vmem>>
      %dma_start3A_87 = arith.constant 0 : i32
      %dma_start3A_88 = tpu.memref_slice %arg13[%add3A_30, %dma_start3A_87] : memref<10112x128xf32, #tpu.memory_space<vmem_shared>> -> memref<128x128xf32, #tpu.memory_space<vmem_shared>>
      tpu.enqueue_dma source(%dma_start3A_88 : memref<128x128xf32, #tpu.memory_space<vmem_shared>>) target(%dma_start3A_86 : memref<128x128xf32, #tpu.memory_space<vmem>>) target_semaphore(%run_scoped3A : memref<!tpu.dma_semaphore, #tpu.memory_space<semaphore_mem>>)
      %dma_wait3A = arith.constant 0 : i32
      %dma_wait3A_89 = arith.constant 0 : i32
      %dma_wait3A_90 = tpu.memref_slice %arg11[%dma_wait3A, %dma_wait3A_89] : memref<128x128xf32, #tpu.memory_space<vmem>> -> memref<128x128xf32, #tpu.memory_space<vmem>>
      %dma_wait3A_91 = arith.constant 0 : i32
      %dma_wait3A_92 = tpu.memref_slice %arg13[%add3A_30, %dma_wait3A_91] : memref<10112x128xf32, #tpu.memory_space<vmem_shared>> -> memref<128x128xf32, #tpu.memory_space<vmem_shared>>
      %dma_wait3A_93 = arith.constant 0 : i32
      %dma_wait3A_94 = arith.constant 0 : i32
      %dma_wait3A_95 = tpu.memref_slice %arg11[%dma_wait3A_93, %dma_wait3A_94] : memref<128x128xf32, #tpu.memory_space<vmem>> -> memref<128x128xf32, #tpu.memory_space<vmem>>
      %dma_wait3A_96 = arith.constant 0 : i32
      %dma_wait3A_97 = tpu.memref_slice %arg13[%add3A_30, %dma_wait3A_96] : memref<10112x128xf32, #tpu.memory_space<vmem_shared>> -> memref<128x128xf32, #tpu.memory_space<vmem_shared>>
      tpu.wait_dma2 semaphore(%run_scoped3A : memref<!tpu.dma_semaphore, #tpu.memory_space<semaphore_mem>>) src(%dma_wait3A_97 : memref<128x128xf32, #tpu.memory_space<vmem_shared>>) dst(%dma_wait3A_95 : memref<128x128xf32, #tpu.memory_space<vmem>>)
      tpu.yield
    }) : () -> ()
    %add3A_31 = arith.constant 256 : i32
    %add3A_32 = arith.addi %mul3A_2, %add3A_31 : i32
    "tpu.region"() ({
      %run_scoped3A = tpu.sem_alloc : memref<!tpu.dma_semaphore, #tpu.memory_space<semaphore_mem>>
      %dma_start3A = arith.constant 0 : i32
      %dma_start3A_80 = arith.constant 0 : i32
      %dma_start3A_81 = tpu.memref_slice %arg11[%dma_start3A, %dma_start3A_80] : memref<128x128xf32, #tpu.memory_space<vmem>> -> memref<128x128xf32, #tpu.memory_space<vmem>>
      %dma_start3A_82 = arith.constant 0 : i32
      %dma_start3A_83 = tpu.memref_slice %arg7[%arg0, %add3A_32, %dma_start3A_82] : memref<2x10112x128xf32, #tpu.memory_space<hbm>> -> memref<1x128x128xf32, #tpu.memory_space<hbm>>
      %dma_start3A_84 = tpu.memref_squeeze %dma_start3A_83 : memref<1x128x128xf32, #tpu.memory_space<hbm>> -> memref<128x128xf32, #tpu.memory_space<hbm>>
      %dma_start3A_85 = arith.constant 0 : i32
      %dma_start3A_86 = tpu.memref_slice %arg7[%arg0, %add3A_32, %dma_start3A_85] : memref<2x10112x128xf32, #tpu.memory_space<hbm>> -> memref<1x128x128xf32, #tpu.memory_space<hbm>>
      %dma_start3A_87 = tpu.memref_squeeze %dma_start3A_86 : memref<1x128x128xf32, #tpu.memory_space<hbm>> -> memref<128x128xf32, #tpu.memory_space<hbm>>
      %dma_start3A_88 = arith.constant 0 : i32
      %dma_start3A_89 = arith.constant 0 : i32
      %dma_start3A_90 = tpu.memref_slice %arg11[%dma_start3A_88, %dma_start3A_89] : memref<128x128xf32, #tpu.memory_space<vmem>> -> memref<128x128xf32, #tpu.memory_space<vmem>>
      tpu.enqueue_dma source(%dma_start3A_90 : memref<128x128xf32, #tpu.memory_space<vmem>>) target(%dma_start3A_87 : memref<128x128xf32, #tpu.memory_space<hbm>>) target_semaphore(%run_scoped3A : memref<!tpu.dma_semaphore, #tpu.memory_space<semaphore_mem>>)
      %dma_wait3A = arith.constant 0 : i32
      %dma_wait3A_91 = arith.constant 0 : i32
      %dma_wait3A_92 = tpu.memref_slice %arg11[%dma_wait3A, %dma_wait3A_91] : memref<128x128xf32, #tpu.memory_space<vmem>> -> memref<128x128xf32, #tpu.memory_space<vmem>>
      %dma_wait3A_93 = arith.constant 0 : i32
      %dma_wait3A_94 = tpu.memref_slice %arg7[%arg0, %add3A_32, %dma_wait3A_93] : memref<2x10112x128xf32, #tpu.memory_space<hbm>> -> memref<1x128x128xf32, #tpu.memory_space<hbm>>
      %dma_wait3A_95 = tpu.memref_squeeze %dma_wait3A_94 : memref<1x128x128xf32, #tpu.memory_space<hbm>> -> memref<128x128xf32, #tpu.memory_space<hbm>>
      %dma_wait3A_96 = arith.constant 0 : i32
      %dma_wait3A_97 = tpu.memref_slice %arg7[%arg0, %add3A_32, %dma_wait3A_96] : memref<2x10112x128xf32, #tpu.memory_space<hbm>> -> memref<1x128x128xf32, #tpu.memory_space<hbm>>
      %dma_wait3A_98 = tpu.memref_squeeze %dma_wait3A_97 : memref<1x128x128xf32, #tpu.memory_space<hbm>> -> memref<128x128xf32, #tpu.memory_space<hbm>>
      %dma_wait3A_99 = arith.constant 0 : i32
      %dma_wait3A_100 = arith.constant 0 : i32
      %dma_wait3A_101 = tpu.memref_slice %arg11[%dma_wait3A_99, %dma_wait3A_100] : memref<128x128xf32, #tpu.memory_space<vmem>> -> memref<128x128xf32, #tpu.memory_space<vmem>>
      tpu.wait_dma2 semaphore(%run_scoped3A : memref<!tpu.dma_semaphore, #tpu.memory_space<semaphore_mem>>) src(%dma_wait3A_101 : memref<128x128xf32, #tpu.memory_space<vmem>>) dst(%dma_wait3A_98 : memref<128x128xf32, #tpu.memory_space<hbm>>)
      tpu.yield
    }) : () -> ()
    %add3A_33 = arith.constant 384 : i32
    %add3A_34 = arith.addi %mul3A_2, %add3A_33 : i32
    "tpu.region"() ({
      %run_scoped3A = tpu.sem_alloc : memref<!tpu.dma_semaphore, #tpu.memory_space<semaphore_mem>>
      %dma_start3A = arith.constant 0 : i32
      %dma_start3A_80 = arith.constant 0 : i32
      %dma_start3A_81 = tpu.memref_slice %arg11[%dma_start3A, %dma_start3A_80] : memref<128x128xf32, #tpu.memory_space<vmem>> -> memref<128x128xf32, #tpu.memory_space<vmem>>
      %dma_start3A_82 = arith.constant 0 : i32
      %dma_start3A_83 = tpu.memref_slice %arg13[%add3A_34, %dma_start3A_82] : memref<10112x128xf32, #tpu.memory_space<vmem_shared>> -> memref<128x128xf32, #tpu.memory_space<vmem_shared>>
      %dma_start3A_84 = arith.constant 0 : i32
      %dma_start3A_85 = arith.constant 0 : i32
      %dma_start3A_86 = tpu.memref_slice %arg11[%dma_start3A_84, %dma_start3A_85] : memref<128x128xf32, #tpu.memory_space<vmem>> -> memref<128x128xf32, #tpu.memory_space<vmem>>
      %dma_start3A_87 = arith.constant 0 : i32
      %dma_start3A_88 = tpu.memref_slice %arg13[%add3A_34, %dma_start3A_87] : memref<10112x128xf32, #tpu.memory_space<vmem_shared>> -> memref<128x128xf32, #tpu.memory_space<vmem_shared>>
      tpu.enqueue_dma source(%dma_start3A_88 : memref<128x128xf32, #tpu.memory_space<vmem_shared>>) target(%dma_start3A_86 : memref<128x128xf32, #tpu.memory_space<vmem>>) target_semaphore(%run_scoped3A : memref<!tpu.dma_semaphore, #tpu.memory_space<semaphore_mem>>)
      %dma_wait3A = arith.constant 0 : i32
      %dma_wait3A_89 = arith.constant 0 : i32
      %dma_wait3A_90 = tpu.memref_slice %arg11[%dma_wait3A, %dma_wait3A_89] : memref<128x128xf32, #tpu.memory_space<vmem>> -> memref<128x128xf32, #tpu.memory_space<vmem>>
      %dma_wait3A_91 = arith.constant 0 : i32
      %dma_wait3A_92 = tpu.memref_slice %arg13[%add3A_34, %dma_wait3A_91] : memref<10112x128xf32, #tpu.memory_space<vmem_shared>> -> memref<128x128xf32, #tpu.memory_space<vmem_shared>>
      %dma_wait3A_93 = arith.constant 0 : i32
      %dma_wait3A_94 = arith.constant 0 : i32
      %dma_wait3A_95 = tpu.memref_slice %arg11[%dma_wait3A_93, %dma_wait3A_94] : memref<128x128xf32, #tpu.memory_space<vmem>> -> memref<128x128xf32, #tpu.memory_space<vmem>>
      %dma_wait3A_96 = arith.constant 0 : i32
      %dma_wait3A_97 = tpu.memref_slice %arg13[%add3A_34, %dma_wait3A_96] : memref<10112x128xf32, #tpu.memory_space<vmem_shared>> -> memref<128x128xf32, #tpu.memory_space<vmem_shared>>
      tpu.wait_dma2 semaphore(%run_scoped3A : memref<!tpu.dma_semaphore, #tpu.memory_space<semaphore_mem>>) src(%dma_wait3A_97 : memref<128x128xf32, #tpu.memory_space<vmem_shared>>) dst(%dma_wait3A_95 : memref<128x128xf32, #tpu.memory_space<vmem>>)
      tpu.yield
    }) : () -> ()
    %add3A_35 = arith.constant 384 : i32
    %add3A_36 = arith.addi %mul3A_2, %add3A_35 : i32
    "tpu.region"() ({
      %run_scoped3A = tpu.sem_alloc : memref<!tpu.dma_semaphore, #tpu.memory_space<semaphore_mem>>
      %dma_start3A = arith.constant 0 : i32
      %dma_start3A_80 = arith.constant 0 : i32
      %dma_start3A_81 = tpu.memref_slice %arg11[%dma_start3A, %dma_start3A_80] : memref<128x128xf32, #tpu.memory_space<vmem>> -> memref<128x128xf32, #tpu.memory_space<vmem>>
      %dma_start3A_82 = arith.constant 0 : i32
      %dma_start3A_83 = tpu.memref_slice %arg7[%arg0, %add3A_36, %dma_start3A_82] : memref<2x10112x128xf32, #tpu.memory_space<hbm>> -> memref<1x128x128xf32, #tpu.memory_space<hbm>>
      %dma_start3A_84 = tpu.memref_squeeze %dma_start3A_83 : memref<1x128x128xf32, #tpu.memory_space<hbm>> -> memref<128x128xf32, #tpu.memory_space<hbm>>
      %dma_start3A_85 = arith.constant 0 : i32
      %dma_start3A_86 = tpu.memref_slice %arg7[%arg0, %add3A_36, %dma_start3A_85] : memref<2x10112x128xf32, #tpu.memory_space<hbm>> -> memref<1x128x128xf32, #tpu.memory_space<hbm>>
      %dma_start3A_87 = tpu.memref_squeeze %dma_start3A_86 : memref<1x128x128xf32, #tpu.memory_space<hbm>> -> memref<128x128xf32, #tpu.memory_space<hbm>>
      %dma_start3A_88 = arith.constant 0 : i32
      %dma_start3A_89 = arith.constant 0 : i32
      %dma_start3A_90 = tpu.memref_slice %arg11[%dma_start3A_88, %dma_start3A_89] : memref<128x128xf32, #tpu.memory_space<vmem>> -> memref<128x128xf32, #tpu.memory_space<vmem>>
      tpu.enqueue_dma source(%dma_start3A_90 : memref<128x128xf32, #tpu.memory_space<vmem>>) target(%dma_start3A_87 : memref<128x128xf32, #tpu.memory_space<hbm>>) target_semaphore(%run_scoped3A : memref<!tpu.dma_semaphore, #tpu.memory_space<semaphore_mem>>)
      %dma_wait3A = arith.constant 0 : i32
      %dma_wait3A_91 = arith.constant 0 : i32
      %dma_wait3A_92 = tpu.memref_slice %arg11[%dma_wait3A, %dma_wait3A_91] : memref<128x128xf32, #tpu.memory_space<vmem>> -> memref<128x128xf32, #tpu.memory_space<vmem>>
      %dma_wait3A_93 = arith.constant 0 : i32
      %dma_wait3A_94 = tpu.memref_slice %arg7[%arg0, %add3A_36, %dma_wait3A_93] : memref<2x10112x128xf32, #tpu.memory_space<hbm>> -> memref<1x128x128xf32, #tpu.memory_space<hbm>>
      %dma_wait3A_95 = tpu.memref_squeeze %dma_wait3A_94 : memref<1x128x128xf32, #tpu.memory_space<hbm>> -> memref<128x128xf32, #tpu.memory_space<hbm>>
      %dma_wait3A_96 = arith.constant 0 : i32
      %dma_wait3A_97 = tpu.memref_slice %arg7[%arg0, %add3A_36, %dma_wait3A_96] : memref<2x10112x128xf32, #tpu.memory_space<hbm>> -> memref<1x128x128xf32, #tpu.memory_space<hbm>>
      %dma_wait3A_98 = tpu.memref_squeeze %dma_wait3A_97 : memref<1x128x128xf32, #tpu.memory_space<hbm>> -> memref<128x128xf32, #tpu.memory_space<hbm>>
      %dma_wait3A_99 = arith.constant 0 : i32
      %dma_wait3A_100 = arith.constant 0 : i32
      %dma_wait3A_101 = tpu.memref_slice %arg11[%dma_wait3A_99, %dma_wait3A_100] : memref<128x128xf32, #tpu.memory_space<vmem>> -> memref<128x128xf32, #tpu.memory_space<vmem>>
      tpu.wait_dma2 semaphore(%run_scoped3A : memref<!tpu.dma_semaphore, #tpu.memory_space<semaphore_mem>>) src(%dma_wait3A_101 : memref<128x128xf32, #tpu.memory_space<vmem>>) dst(%dma_wait3A_98 : memref<128x128xf32, #tpu.memory_space<hbm>>)
      tpu.yield
    }) : () -> ()
    %add3A_37 = arith.constant 512 : i32
    %add3A_38 = arith.addi %mul3A_2, %add3A_37 : i32
    "tpu.region"() ({
      %run_scoped3A = tpu.sem_alloc : memref<!tpu.dma_semaphore, #tpu.memory_space<semaphore_mem>>
      %dma_start3A = arith.constant 0 : i32
      %dma_start3A_80 = arith.constant 0 : i32
      %dma_start3A_81 = tpu.memref_slice %arg11[%dma_start3A, %dma_start3A_80] : memref<128x128xf32, #tpu.memory_space<vmem>> -> memref<120x128xf32, #tpu.memory_space<vmem>>
      %dma_start3A_82 = arith.constant 0 : i32
      %dma_start3A_83 = tpu.memref_slice %arg13[%add3A_38, %dma_start3A_82] : memref<10112x128xf32, #tpu.memory_space<vmem_shared>> -> memref<120x128xf32, #tpu.memory_space<vmem_shared>>
      %dma_start3A_84 = arith.constant 0 : i32
      %dma_start3A_85 = arith.constant 0 : i32
      %dma_start3A_86 = tpu.memref_slice %arg11[%dma_start3A_84, %dma_start3A_85] : memref<128x128xf32, #tpu.memory_space<vmem>> -> memref<120x128xf32, #tpu.memory_space<vmem>>
      %dma_start3A_87 = arith.constant 0 : i32
      %dma_start3A_88 = tpu.memref_slice %arg13[%add3A_38, %dma_start3A_87] : memref<10112x128xf32, #tpu.memory_space<vmem_shared>> -> memref<120x128xf32, #tpu.memory_space<vmem_shared>>
      tpu.enqueue_dma source(%dma_start3A_88 : memref<120x128xf32, #tpu.memory_space<vmem_shared>>) target(%dma_start3A_86 : memref<120x128xf32, #tpu.memory_space<vmem>>) target_semaphore(%run_scoped3A : memref<!tpu.dma_semaphore, #tpu.memory_space<semaphore_mem>>)
      %dma_wait3A = arith.constant 0 : i32
      %dma_wait3A_89 = arith.constant 0 : i32
      %dma_wait3A_90 = tpu.memref_slice %arg11[%dma_wait3A, %dma_wait3A_89] : memref<128x128xf32, #tpu.memory_space<vmem>> -> memref<120x128xf32, #tpu.memory_space<vmem>>
      %dma_wait3A_91 = arith.constant 0 : i32
      %dma_wait3A_92 = tpu.memref_slice %arg13[%add3A_38, %dma_wait3A_91] : memref<10112x128xf32, #tpu.memory_space<vmem_shared>> -> memref<120x128xf32, #tpu.memory_space<vmem_shared>>
      %dma_wait3A_93 = arith.constant 0 : i32
      %dma_wait3A_94 = arith.constant 0 : i32
      %dma_wait3A_95 = tpu.memref_slice %arg11[%dma_wait3A_93, %dma_wait3A_94] : memref<128x128xf32, #tpu.memory_space<vmem>> -> memref<120x128xf32, #tpu.memory_space<vmem>>
      %dma_wait3A_96 = arith.constant 0 : i32
      %dma_wait3A_97 = tpu.memref_slice %arg13[%add3A_38, %dma_wait3A_96] : memref<10112x128xf32, #tpu.memory_space<vmem_shared>> -> memref<120x128xf32, #tpu.memory_space<vmem_shared>>
      tpu.wait_dma2 semaphore(%run_scoped3A : memref<!tpu.dma_semaphore, #tpu.memory_space<semaphore_mem>>) src(%dma_wait3A_97 : memref<120x128xf32, #tpu.memory_space<vmem_shared>>) dst(%dma_wait3A_95 : memref<120x128xf32, #tpu.memory_space<vmem>>)
      tpu.yield
    }) : () -> ()
    %add3A_39 = arith.constant 512 : i32
    %add3A_40 = arith.addi %mul3A_2, %add3A_39 : i32
    "tpu.region"() ({
      %run_scoped3A = tpu.sem_alloc : memref<!tpu.dma_semaphore, #tpu.memory_space<semaphore_mem>>
      %dma_start3A = arith.constant 0 : i32
      %dma_start3A_80 = arith.constant 0 : i32
      %dma_start3A_81 = tpu.memref_slice %arg11[%dma_start3A, %dma_start3A_80] : memref<128x128xf32, #tpu.memory_space<vmem>> -> memref<120x128xf32, #tpu.memory_space<vmem>>
      %dma_start3A_82 = arith.constant 0 : i32
      %dma_start3A_83 = tpu.memref_slice %arg7[%arg0, %add3A_40, %dma_start3A_82] : memref<2x10112x128xf32, #tpu.memory_space<hbm>> -> memref<1x120x128xf32, #tpu.memory_space<hbm>>
      %dma_start3A_84 = tpu.memref_squeeze %dma_start3A_83 : memref<1x120x128xf32, #tpu.memory_space<hbm>> -> memref<120x128xf32, #tpu.memory_space<hbm>>
      %dma_start3A_85 = arith.constant 0 : i32
      %dma_start3A_86 = tpu.memref_slice %arg7[%arg0, %add3A_40, %dma_start3A_85] : memref<2x10112x128xf32, #tpu.memory_space<hbm>> -> memref<1x120x128xf32, #tpu.memory_space<hbm>>
      %dma_start3A_87 = tpu.memref_squeeze %dma_start3A_86 : memref<1x120x128xf32, #tpu.memory_space<hbm>> -> memref<120x128xf32, #tpu.memory_space<hbm>>
      %dma_start3A_88 = arith.constant 0 : i32
      %dma_start3A_89 = arith.constant 0 : i32
      %dma_start3A_90 = tpu.memref_slice %arg11[%dma_start3A_88, %dma_start3A_89] : memref<128x128xf32, #tpu.memory_space<vmem>> -> memref<120x128xf32, #tpu.memory_space<vmem>>
      tpu.enqueue_dma source(%dma_start3A_90 : memref<120x128xf32, #tpu.memory_space<vmem>>) target(%dma_start3A_87 : memref<120x128xf32, #tpu.memory_space<hbm>>) target_semaphore(%run_scoped3A : memref<!tpu.dma_semaphore, #tpu.memory_space<semaphore_mem>>)
      %dma_wait3A = arith.constant 0 : i32
      %dma_wait3A_91 = arith.constant 0 : i32
      %dma_wait3A_92 = tpu.memref_slice %arg11[%dma_wait3A, %dma_wait3A_91] : memref<128x128xf32, #tpu.memory_space<vmem>> -> memref<120x128xf32, #tpu.memory_space<vmem>>
      %dma_wait3A_93 = arith.constant 0 : i32
      %dma_wait3A_94 = tpu.memref_slice %arg7[%arg0, %add3A_40, %dma_wait3A_93] : memref<2x10112x128xf32, #tpu.memory_space<hbm>> -> memref<1x120x128xf32, #tpu.memory_space<hbm>>
      %dma_wait3A_95 = tpu.memref_squeeze %dma_wait3A_94 : memref<1x120x128xf32, #tpu.memory_space<hbm>> -> memref<120x128xf32, #tpu.memory_space<hbm>>
      %dma_wait3A_96 = arith.constant 0 : i32
      %dma_wait3A_97 = tpu.memref_slice %arg7[%arg0, %add3A_40, %dma_wait3A_96] : memref<2x10112x128xf32, #tpu.memory_space<hbm>> -> memref<1x120x128xf32, #tpu.memory_space<hbm>>
      %dma_wait3A_98 = tpu.memref_squeeze %dma_wait3A_97 : memref<1x120x128xf32, #tpu.memory_space<hbm>> -> memref<120x128xf32, #tpu.memory_space<hbm>>
      %dma_wait3A_99 = arith.constant 0 : i32
      %dma_wait3A_100 = arith.constant 0 : i32
      %dma_wait3A_101 = tpu.memref_slice %arg11[%dma_wait3A_99, %dma_wait3A_100] : memref<128x128xf32, #tpu.memory_space<vmem>> -> memref<120x128xf32, #tpu.memory_space<vmem>>
      tpu.wait_dma2 semaphore(%run_scoped3A : memref<!tpu.dma_semaphore, #tpu.memory_space<semaphore_mem>>) src(%dma_wait3A_101 : memref<120x128xf32, #tpu.memory_space<vmem>>) dst(%dma_wait3A_98 : memref<120x128xf32, #tpu.memory_space<hbm>>)
      tpu.yield
    }) : () -> ()
    %barrier3A_41 = arith.constant 0 : index
    tpu.barrier barrier_id(%barrier3A_41)
    "tpu.region"() ({
      %run_scoped3A = tpu.sem_alloc : memref<!tpu.dma_semaphore, #tpu.memory_space<semaphore_mem>>
      tpu.enqueue_dma source(%arg5 : memref<128x128xf32, #tpu.memory_space<hbm>>) target(%arg11 : memref<128x128xf32, #tpu.memory_space<vmem>>) target_semaphore(%run_scoped3A : memref<!tpu.dma_semaphore, #tpu.memory_space<semaphore_mem>>)
      tpu.wait_dma2 semaphore(%run_scoped3A : memref<!tpu.dma_semaphore, #tpu.memory_space<semaphore_mem>>) src(%arg5 : memref<128x128xf32, #tpu.memory_space<hbm>>) dst(%arg11 : memref<128x128xf32, #tpu.memory_space<vmem>>)
      tpu.yield
    }) : () -> ()
    %add3A_42 = arith.constant 0 : i32
    %add3A_43 = arith.addi %mul3A_2, %add3A_42 : i32
    "tpu.region"() ({
      %run_scoped3A = tpu.sem_alloc : memref<!tpu.dma_semaphore, #tpu.memory_space<semaphore_mem>>
      %dma_start3A = arith.constant 0 : i32
      %dma_start3A_80 = arith.constant 0 : i32
      %dma_start3A_81 = tpu.memref_slice %arg11[%dma_start3A, %dma_start3A_80] : memref<128x128xf32, #tpu.memory_space<vmem>> -> memref<128x128xf32, #tpu.memory_space<vmem>>
      %dma_start3A_82 = arith.constant 0 : i32
      %dma_start3A_83 = tpu.memref_slice %arg13[%add3A_43, %dma_start3A_82] : memref<10112x128xf32, #tpu.memory_space<vmem_shared>> -> memref<128x128xf32, #tpu.memory_space<vmem_shared>>
      %dma_start3A_84 = arith.constant 0 : i32
      %dma_start3A_85 = tpu.memref_slice %arg13[%add3A_43, %dma_start3A_84] : memref<10112x128xf32, #tpu.memory_space<vmem_shared>> -> memref<128x128xf32, #tpu.memory_space<vmem_shared>>
      %dma_start3A_86 = arith.constant 0 : i32
      %dma_start3A_87 = arith.constant 0 : i32
      %dma_start3A_88 = tpu.memref_slice %arg11[%dma_start3A_86, %dma_start3A_87] : memref<128x128xf32, #tpu.memory_space<vmem>> -> memref<128x128xf32, #tpu.memory_space<vmem>>
      tpu.enqueue_dma source(%dma_start3A_88 : memref<128x128xf32, #tpu.memory_space<vmem>>) target(%dma_start3A_85 : memref<128x128xf32, #tpu.memory_space<vmem_shared>>) target_semaphore(%run_scoped3A : memref<!tpu.dma_semaphore, #tpu.memory_space<semaphore_mem>>)
      %dma_wait3A = arith.constant 0 : i32
      %dma_wait3A_89 = arith.constant 0 : i32
      %dma_wait3A_90 = tpu.memref_slice %arg11[%dma_wait3A, %dma_wait3A_89] : memref<128x128xf32, #tpu.memory_space<vmem>> -> memref<128x128xf32, #tpu.memory_space<vmem>>
      %dma_wait3A_91 = arith.constant 0 : i32
      %dma_wait3A_92 = tpu.memref_slice %arg13[%add3A_43, %dma_wait3A_91] : memref<10112x128xf32, #tpu.memory_space<vmem_shared>> -> memref<128x128xf32, #tpu.memory_space<vmem_shared>>
      %dma_wait3A_93 = arith.constant 0 : i32
      %dma_wait3A_94 = tpu.memref_slice %arg13[%add3A_43, %dma_wait3A_93] : memref<10112x128xf32, #tpu.memory_space<vmem_shared>> -> memref<128x128xf32, #tpu.memory_space<vmem_shared>>
      %dma_wait3A_95 = arith.constant 0 : i32
      %dma_wait3A_96 = arith.constant 0 : i32
      %dma_wait3A_97 = tpu.memref_slice %arg11[%dma_wait3A_95, %dma_wait3A_96] : memref<128x128xf32, #tpu.memory_space<vmem>> -> memref<128x128xf32, #tpu.memory_space<vmem>>
      tpu.wait_dma2 semaphore(%run_scoped3A : memref<!tpu.dma_semaphore, #tpu.memory_space<semaphore_mem>>) src(%dma_wait3A_97 : memref<128x128xf32, #tpu.memory_space<vmem>>) dst(%dma_wait3A_94 : memref<128x128xf32, #tpu.memory_space<vmem_shared>>)
      tpu.yield
    }) : () -> ()
    %add3A_44 = arith.constant 128 : i32
    %add3A_45 = arith.addi %mul3A_2, %add3A_44 : i32
    "tpu.region"() ({
      %run_scoped3A = tpu.sem_alloc : memref<!tpu.dma_semaphore, #tpu.memory_space<semaphore_mem>>
      %dma_start3A = arith.constant 0 : i32
      %dma_start3A_80 = arith.constant 0 : i32
      %dma_start3A_81 = tpu.memref_slice %arg11[%dma_start3A, %dma_start3A_80] : memref<128x128xf32, #tpu.memory_space<vmem>> -> memref<128x128xf32, #tpu.memory_space<vmem>>
      %dma_start3A_82 = arith.constant 0 : i32
      %dma_start3A_83 = tpu.memref_slice %arg13[%add3A_45, %dma_start3A_82] : memref<10112x128xf32, #tpu.memory_space<vmem_shared>> -> memref<128x128xf32, #tpu.memory_space<vmem_shared>>
      %dma_start3A_84 = arith.constant 0 : i32
      %dma_start3A_85 = tpu.memref_slice %arg13[%add3A_45, %dma_start3A_84] : memref<10112x128xf32, #tpu.memory_space<vmem_shared>> -> memref<128x128xf32, #tpu.memory_space<vmem_shared>>
      %dma_start3A_86 = arith.constant 0 : i32
      %dma_start3A_87 = arith.constant 0 : i32
      %dma_start3A_88 = tpu.memref_slice %arg11[%dma_start3A_86, %dma_start3A_87] : memref<128x128xf32, #tpu.memory_space<vmem>> -> memref<128x128xf32, #tpu.memory_space<vmem>>
      tpu.enqueue_dma source(%dma_start3A_88 : memref<128x128xf32, #tpu.memory_space<vmem>>) target(%dma_start3A_85 : memref<128x128xf32, #tpu.memory_space<vmem_shared>>) target_semaphore(%run_scoped3A : memref<!tpu.dma_semaphore, #tpu.memory_space<semaphore_mem>>)
      %dma_wait3A = arith.constant 0 : i32
      %dma_wait3A_89 = arith.constant 0 : i32
      %dma_wait3A_90 = tpu.memref_slice %arg11[%dma_wait3A, %dma_wait3A_89] : memref<128x128xf32, #tpu.memory_space<vmem>> -> memref<128x128xf32, #tpu.memory_space<vmem>>
      %dma_wait3A_91 = arith.constant 0 : i32
      %dma_wait3A_92 = tpu.memref_slice %arg13[%add3A_45, %dma_wait3A_91] : memref<10112x128xf32, #tpu.memory_space<vmem_shared>> -> memref<128x128xf32, #tpu.memory_space<vmem_shared>>
      %dma_wait3A_93 = arith.constant 0 : i32
      %dma_wait3A_94 = tpu.memref_slice %arg13[%add3A_45, %dma_wait3A_93] : memref<10112x128xf32, #tpu.memory_space<vmem_shared>> -> memref<128x128xf32, #tpu.memory_space<vmem_shared>>
      %dma_wait3A_95 = arith.constant 0 : i32
      %dma_wait3A_96 = arith.constant 0 : i32
      %dma_wait3A_97 = tpu.memref_slice %arg11[%dma_wait3A_95, %dma_wait3A_96] : memref<128x128xf32, #tpu.memory_space<vmem>> -> memref<128x128xf32, #tpu.memory_space<vmem>>
      tpu.wait_dma2 semaphore(%run_scoped3A : memref<!tpu.dma_semaphore, #tpu.memory_space<semaphore_mem>>) src(%dma_wait3A_97 : memref<128x128xf32, #tpu.memory_space<vmem>>) dst(%dma_wait3A_94 : memref<128x128xf32, #tpu.memory_space<vmem_shared>>)
      tpu.yield
    }) : () -> ()
    %add3A_46 = arith.constant 256 : i32
    %add3A_47 = arith.addi %mul3A_2, %add3A_46 : i32
    "tpu.region"() ({
      %run_scoped3A = tpu.sem_alloc : memref<!tpu.dma_semaphore, #tpu.memory_space<semaphore_mem>>
      %dma_start3A = arith.constant 0 : i32
      %dma_start3A_80 = arith.constant 0 : i32
      %dma_start3A_81 = tpu.memref_slice %arg11[%dma_start3A, %dma_start3A_80] : memref<128x128xf32, #tpu.memory_space<vmem>> -> memref<128x128xf32, #tpu.memory_space<vmem>>
      %dma_start3A_82 = arith.constant 0 : i32
      %dma_start3A_83 = tpu.memref_slice %arg13[%add3A_47, %dma_start3A_82] : memref<10112x128xf32, #tpu.memory_space<vmem_shared>> -> memref<128x128xf32, #tpu.memory_space<vmem_shared>>
      %dma_start3A_84 = arith.constant 0 : i32
      %dma_start3A_85 = tpu.memref_slice %arg13[%add3A_47, %dma_start3A_84] : memref<10112x128xf32, #tpu.memory_space<vmem_shared>> -> memref<128x128xf32, #tpu.memory_space<vmem_shared>>
      %dma_start3A_86 = arith.constant 0 : i32
      %dma_start3A_87 = arith.constant 0 : i32
      %dma_start3A_88 = tpu.memref_slice %arg11[%dma_start3A_86, %dma_start3A_87] : memref<128x128xf32, #tpu.memory_space<vmem>> -> memref<128x128xf32, #tpu.memory_space<vmem>>
      tpu.enqueue_dma source(%dma_start3A_88 : memref<128x128xf32, #tpu.memory_space<vmem>>) target(%dma_start3A_85 : memref<128x128xf32, #tpu.memory_space<vmem_shared>>) target_semaphore(%run_scoped3A : memref<!tpu.dma_semaphore, #tpu.memory_space<semaphore_mem>>)
      %dma_wait3A = arith.constant 0 : i32
      %dma_wait3A_89 = arith.constant 0 : i32
      %dma_wait3A_90 = tpu.memref_slice %arg11[%dma_wait3A, %dma_wait3A_89] : memref<128x128xf32, #tpu.memory_space<vmem>> -> memref<128x128xf32, #tpu.memory_space<vmem>>
      %dma_wait3A_91 = arith.constant 0 : i32
      %dma_wait3A_92 = tpu.memref_slice %arg13[%add3A_47, %dma_wait3A_91] : memref<10112x128xf32, #tpu.memory_space<vmem_shared>> -> memref<128x128xf32, #tpu.memory_space<vmem_shared>>
      %dma_wait3A_93 = arith.constant 0 : i32
      %dma_wait3A_94 = tpu.memref_slice %arg13[%add3A_47, %dma_wait3A_93] : memref<10112x128xf32, #tpu.memory_space<vmem_shared>> -> memref<128x128xf32, #tpu.memory_space<vmem_shared>>
      %dma_wait3A_95 = arith.constant 0 : i32
      %dma_wait3A_96 = arith.constant 0 : i32
      %dma_wait3A_97 = tpu.memref_slice %arg11[%dma_wait3A_95, %dma_wait3A_96] : memref<128x128xf32, #tpu.memory_space<vmem>> -> memref<128x128xf32, #tpu.memory_space<vmem>>
      tpu.wait_dma2 semaphore(%run_scoped3A : memref<!tpu.dma_semaphore, #tpu.memory_space<semaphore_mem>>) src(%dma_wait3A_97 : memref<128x128xf32, #tpu.memory_space<vmem>>) dst(%dma_wait3A_94 : memref<128x128xf32, #tpu.memory_space<vmem_shared>>)
      tpu.yield
    }) : () -> ()
    %add3A_48 = arith.constant 384 : i32
    %add3A_49 = arith.addi %mul3A_2, %add3A_48 : i32
    "tpu.region"() ({
      %run_scoped3A = tpu.sem_alloc : memref<!tpu.dma_semaphore, #tpu.memory_space<semaphore_mem>>
      %dma_start3A = arith.constant 0 : i32
      %dma_start3A_80 = arith.constant 0 : i32
      %dma_start3A_81 = tpu.memref_slice %arg11[%dma_start3A, %dma_start3A_80] : memref<128x128xf32, #tpu.memory_space<vmem>> -> memref<128x128xf32, #tpu.memory_space<vmem>>
      %dma_start3A_82 = arith.constant 0 : i32
      %dma_start3A_83 = tpu.memref_slice %arg13[%add3A_49, %dma_start3A_82] : memref<10112x128xf32, #tpu.memory_space<vmem_shared>> -> memref<128x128xf32, #tpu.memory_space<vmem_shared>>
      %dma_start3A_84 = arith.constant 0 : i32
      %dma_start3A_85 = tpu.memref_slice %arg13[%add3A_49, %dma_start3A_84] : memref<10112x128xf32, #tpu.memory_space<vmem_shared>> -> memref<128x128xf32, #tpu.memory_space<vmem_shared>>
      %dma_start3A_86 = arith.constant 0 : i32
      %dma_start3A_87 = arith.constant 0 : i32
      %dma_start3A_88 = tpu.memref_slice %arg11[%dma_start3A_86, %dma_start3A_87] : memref<128x128xf32, #tpu.memory_space<vmem>> -> memref<128x128xf32, #tpu.memory_space<vmem>>
      tpu.enqueue_dma source(%dma_start3A_88 : memref<128x128xf32, #tpu.memory_space<vmem>>) target(%dma_start3A_85 : memref<128x128xf32, #tpu.memory_space<vmem_shared>>) target_semaphore(%run_scoped3A : memref<!tpu.dma_semaphore, #tpu.memory_space<semaphore_mem>>)
      %dma_wait3A = arith.constant 0 : i32
      %dma_wait3A_89 = arith.constant 0 : i32
      %dma_wait3A_90 = tpu.memref_slice %arg11[%dma_wait3A, %dma_wait3A_89] : memref<128x128xf32, #tpu.memory_space<vmem>> -> memref<128x128xf32, #tpu.memory_space<vmem>>
      %dma_wait3A_91 = arith.constant 0 : i32
      %dma_wait3A_92 = tpu.memref_slice %arg13[%add3A_49, %dma_wait3A_91] : memref<10112x128xf32, #tpu.memory_space<vmem_shared>> -> memref<128x128xf32, #tpu.memory_space<vmem_shared>>
      %dma_wait3A_93 = arith.constant 0 : i32
      %dma_wait3A_94 = tpu.memref_slice %arg13[%add3A_49, %dma_wait3A_93] : memref<10112x128xf32, #tpu.memory_space<vmem_shared>> -> memref<128x128xf32, #tpu.memory_space<vmem_shared>>
      %dma_wait3A_95 = arith.constant 0 : i32
      %dma_wait3A_96 = arith.constant 0 : i32
      %dma_wait3A_97 = tpu.memref_slice %arg11[%dma_wait3A_95, %dma_wait3A_96] : memref<128x128xf32, #tpu.memory_space<vmem>> -> memref<128x128xf32, #tpu.memory_space<vmem>>
      tpu.wait_dma2 semaphore(%run_scoped3A : memref<!tpu.dma_semaphore, #tpu.memory_space<semaphore_mem>>) src(%dma_wait3A_97 : memref<128x128xf32, #tpu.memory_space<vmem>>) dst(%dma_wait3A_94 : memref<128x128xf32, #tpu.memory_space<vmem_shared>>)
      tpu.yield
    }) : () -> ()
    %add3A_50 = arith.constant 512 : i32
    %add3A_51 = arith.addi %mul3A_2, %add3A_50 : i32
    "tpu.region"() ({
      %run_scoped3A = tpu.sem_alloc : memref<!tpu.dma_semaphore, #tpu.memory_space<semaphore_mem>>
      %dma_start3A = arith.constant 0 : i32
      %dma_start3A_80 = arith.constant 0 : i32
      %dma_start3A_81 = tpu.memref_slice %arg11[%dma_start3A, %dma_start3A_80] : memref<128x128xf32, #tpu.memory_space<vmem>> -> memref<120x128xf32, #tpu.memory_space<vmem>>
      %dma_start3A_82 = arith.constant 0 : i32
      %dma_start3A_83 = tpu.memref_slice %arg13[%add3A_51, %dma_start3A_82] : memref<10112x128xf32, #tpu.memory_space<vmem_shared>> -> memref<120x128xf32, #tpu.memory_space<vmem_shared>>
      %dma_start3A_84 = arith.constant 0 : i32
      %dma_start3A_85 = tpu.memref_slice %arg13[%add3A_51, %dma_start3A_84] : memref<10112x128xf32, #tpu.memory_space<vmem_shared>> -> memref<120x128xf32, #tpu.memory_space<vmem_shared>>
      %dma_start3A_86 = arith.constant 0 : i32
      %dma_start3A_87 = arith.constant 0 : i32
      %dma_start3A_88 = tpu.memref_slice %arg11[%dma_start3A_86, %dma_start3A_87] : memref<128x128xf32, #tpu.memory_space<vmem>> -> memref<120x128xf32, #tpu.memory_space<vmem>>
      tpu.enqueue_dma source(%dma_start3A_88 : memref<120x128xf32, #tpu.memory_space<vmem>>) target(%dma_start3A_85 : memref<120x128xf32, #tpu.memory_space<vmem_shared>>) target_semaphore(%run_scoped3A : memref<!tpu.dma_semaphore, #tpu.memory_space<semaphore_mem>>)
      %dma_wait3A = arith.constant 0 : i32
      %dma_wait3A_89 = arith.constant 0 : i32
      %dma_wait3A_90 = tpu.memref_slice %arg11[%dma_wait3A, %dma_wait3A_89] : memref<128x128xf32, #tpu.memory_space<vmem>> -> memref<120x128xf32, #tpu.memory_space<vmem>>
      %dma_wait3A_91 = arith.constant 0 : i32
      %dma_wait3A_92 = tpu.memref_slice %arg13[%add3A_51, %dma_wait3A_91] : memref<10112x128xf32, #tpu.memory_space<vmem_shared>> -> memref<120x128xf32, #tpu.memory_space<vmem_shared>>
      %dma_wait3A_93 = arith.constant 0 : i32
      %dma_wait3A_94 = tpu.memref_slice %arg13[%add3A_51, %dma_wait3A_93] : memref<10112x128xf32, #tpu.memory_space<vmem_shared>> -> memref<120x128xf32, #tpu.memory_space<vmem_shared>>
      %dma_wait3A_95 = arith.constant 0 : i32
      %dma_wait3A_96 = arith.constant 0 : i32
      %dma_wait3A_97 = tpu.memref_slice %arg11[%dma_wait3A_95, %dma_wait3A_96] : memref<128x128xf32, #tpu.memory_space<vmem>> -> memref<120x128xf32, #tpu.memory_space<vmem>>
      tpu.wait_dma2 semaphore(%run_scoped3A : memref<!tpu.dma_semaphore, #tpu.memory_space<semaphore_mem>>) src(%dma_wait3A_97 : memref<120x128xf32, #tpu.memory_space<vmem>>) dst(%dma_wait3A_94 : memref<120x128xf32, #tpu.memory_space<vmem_shared>>)
      tpu.yield
    }) : () -> ()
    "tpu.region"() ({
      %run_scoped3A = tpu.sem_alloc : memref<!tpu.dma_semaphore, #tpu.memory_space<semaphore_mem>>
      tpu.enqueue_dma source(%arg6 : memref<128x128xf32, #tpu.memory_space<hbm>>) target(%arg12 : memref<128x128xf32, #tpu.memory_space<vmem>>) target_semaphore(%run_scoped3A : memref<!tpu.dma_semaphore, #tpu.memory_space<semaphore_mem>>)
      tpu.wait_dma2 semaphore(%run_scoped3A : memref<!tpu.dma_semaphore, #tpu.memory_space<semaphore_mem>>) src(%arg6 : memref<128x128xf32, #tpu.memory_space<hbm>>) dst(%arg12 : memref<128x128xf32, #tpu.memory_space<vmem>>)
      tpu.yield
    }) : () -> ()
    %barrier3A_52 = arith.constant 0 : index
    tpu.barrier barrier_id(%barrier3A_52)
    %scan3A_53 = arith.constant 0 : i32
    %scan3A_54 = arith.constant 0 : i32
    %scan3A_55 = arith.constant 80 : i32
    %scan3A_56 = arith.addi %scan3A_54, %scan3A_55 : i32
    %scan3A_57 = arith.constant 1 : i32
    scf.for %scan3A_80 = %scan3A_54 to %scan3A_56 step %scan3A_57  : i32 {
      %mul3A_81 = arith.constant 128 : i32
      %mul3A_82 = arith.muli %scan3A_80, %mul3A_81 : i32
      %add3A_83 = arith.addi %mul3A_4, %mul3A_82 : i32
      "tpu.region"() ({
        %run_scoped3A = tpu.sem_alloc : memref<!tpu.dma_semaphore, #tpu.memory_space<semaphore_mem>>
        %dma_start3A = tpu.memref_slice %arg4[%add3A_83] : memref<327680xi32, #tpu.memory_space<hbm>> -> memref<128xi32, #tpu.memory_space<hbm>>
        %dma_start3A_84 = tpu.memref_slice %arg4[%add3A_83] : memref<327680xi32, #tpu.memory_space<hbm>> -> memref<128xi32, #tpu.memory_space<hbm>>
        tpu.enqueue_dma source(%dma_start3A_84 : memref<128xi32, #tpu.memory_space<hbm>>) target(%arg10 : memref<128xi32, #tpu.memory_space<vmem>>) target_semaphore(%run_scoped3A : memref<!tpu.dma_semaphore, #tpu.memory_space<semaphore_mem>>)
        %dma_wait3A = tpu.memref_slice %arg4[%add3A_83] : memref<327680xi32, #tpu.memory_space<hbm>> -> memref<128xi32, #tpu.memory_space<hbm>>
        %dma_wait3A_85 = tpu.memref_slice %arg4[%add3A_83] : memref<327680xi32, #tpu.memory_space<hbm>> -> memref<128xi32, #tpu.memory_space<hbm>>
        tpu.wait_dma2 semaphore(%run_scoped3A : memref<!tpu.dma_semaphore, #tpu.memory_space<semaphore_mem>>) src(%dma_wait3A_85 : memref<128xi32, #tpu.memory_space<hbm>>) dst(%arg10 : memref<128xi32, #tpu.memory_space<vmem>>)
        tpu.yield
      }) : () -> ()
      "tpu.region"() ({
        %run_scoped3A = tpu.sem_alloc : memref<!tpu.dma_semaphore, #tpu.memory_space<semaphore_mem>>
        %dma_start3A = arith.constant 0 : i32
        %dma_start3A_84 = arith.constant 0 : i32
        %dma_start3A_85 = tpu.memref_slice %arg13[%dma_start3A, %dma_start3A_84] : memref<10112x128xf32, #tpu.memory_space<vmem_shared>> -> memref<10112x128xf32, #tpu.memory_space<vmem_shared>>
        tpu.enqueue_indirect_dma source(%arg12 : memref<128x128xf32, #tpu.memory_space<vmem>>) target(%dma_start3A_85 : memref<10112x128xf32, #tpu.memory_space<vmem_shared>>) offsets(%arg10 : memref<128xi32, #tpu.memory_space<vmem>>) semaphore(%run_scoped3A : memref<!tpu.dma_semaphore, #tpu.memory_space<semaphore_mem>>) {add = true}
        %dma_wait3A = arith.constant 0 : i32
        %dma_wait3A_86 = arith.constant 0 : i32
        %dma_wait3A_87 = tpu.memref_slice %arg13[%dma_wait3A, %dma_wait3A_86] : memref<10112x128xf32, #tpu.memory_space<vmem_shared>> -> memref<10112x128xf32, #tpu.memory_space<vmem_shared>>
        tpu.wait_indirect_dma semaphore(%run_scoped3A : memref<!tpu.dma_semaphore, #tpu.memory_space<semaphore_mem>>) src(%arg12 : memref<128x128xf32, #tpu.memory_space<vmem>>) dst(%dma_wait3A_87 : memref<10112x128xf32, #tpu.memory_space<vmem_shared>>)
        tpu.yield
      }) : () -> ()
    }
    %scan3A_58 = arith.constant 80 : i32
    %barrier3A_59 = arith.constant 0 : index
    tpu.barrier barrier_id(%barrier3A_59)
    %add3A_60 = arith.constant 0 : i32
    %add3A_61 = arith.addi %mul3A_2, %add3A_60 : i32
    "tpu.region"() ({
      %run_scoped3A = tpu.sem_alloc : memref<!tpu.dma_semaphore, #tpu.memory_space<semaphore_mem>>
      %dma_start3A = arith.constant 0 : i32
      %dma_start3A_80 = arith.constant 0 : i32
      %dma_start3A_81 = tpu.memref_slice %arg11[%dma_start3A, %dma_start3A_80] : memref<128x128xf32, #tpu.memory_space<vmem>> -> memref<128x128xf32, #tpu.memory_space<vmem>>
      %dma_start3A_82 = arith.constant 0 : i32
      %dma_start3A_83 = tpu.memref_slice %arg13[%add3A_61, %dma_start3A_82] : memref<10112x128xf32, #tpu.memory_space<vmem_shared>> -> memref<128x128xf32, #tpu.memory_space<vmem_shared>>
      %dma_start3A_84 = arith.constant 0 : i32
      %dma_start3A_85 = arith.constant 0 : i32
      %dma_start3A_86 = tpu.memref_slice %arg11[%dma_start3A_84, %dma_start3A_85] : memref<128x128xf32, #tpu.memory_space<vmem>> -> memref<128x128xf32, #tpu.memory_space<vmem>>
      %dma_start3A_87 = arith.constant 0 : i32
      %dma_start3A_88 = tpu.memref_slice %arg13[%add3A_61, %dma_start3A_87] : memref<10112x128xf32, #tpu.memory_space<vmem_shared>> -> memref<128x128xf32, #tpu.memory_space<vmem_shared>>
      tpu.enqueue_dma source(%dma_start3A_88 : memref<128x128xf32, #tpu.memory_space<vmem_shared>>) target(%dma_start3A_86 : memref<128x128xf32, #tpu.memory_space<vmem>>) target_semaphore(%run_scoped3A : memref<!tpu.dma_semaphore, #tpu.memory_space<semaphore_mem>>)
      %dma_wait3A = arith.constant 0 : i32
      %dma_wait3A_89 = arith.constant 0 : i32
      %dma_wait3A_90 = tpu.memref_slice %arg11[%dma_wait3A, %dma_wait3A_89] : memref<128x128xf32, #tpu.memory_space<vmem>> -> memref<128x128xf32, #tpu.memory_space<vmem>>
      %dma_wait3A_91 = arith.constant 0 : i32
      %dma_wait3A_92 = tpu.memref_slice %arg13[%add3A_61, %dma_wait3A_91] : memref<10112x128xf32, #tpu.memory_space<vmem_shared>> -> memref<128x128xf32, #tpu.memory_space<vmem_shared>>
      %dma_wait3A_93 = arith.constant 0 : i32
      %dma_wait3A_94 = arith.constant 0 : i32
      %dma_wait3A_95 = tpu.memref_slice %arg11[%dma_wait3A_93, %dma_wait3A_94] : memref<128x128xf32, #tpu.memory_space<vmem>> -> memref<128x128xf32, #tpu.memory_space<vmem>>
      %dma_wait3A_96 = arith.constant 0 : i32
      %dma_wait3A_97 = tpu.memref_slice %arg13[%add3A_61, %dma_wait3A_96] : memref<10112x128xf32, #tpu.memory_space<vmem_shared>> -> memref<128x128xf32, #tpu.memory_space<vmem_shared>>
      tpu.wait_dma2 semaphore(%run_scoped3A : memref<!tpu.dma_semaphore, #tpu.memory_space<semaphore_mem>>) src(%dma_wait3A_97 : memref<128x128xf32, #tpu.memory_space<vmem_shared>>) dst(%dma_wait3A_95 : memref<128x128xf32, #tpu.memory_space<vmem>>)
      tpu.yield
    }) : () -> ()
    %add3A_62 = arith.constant 0 : i32
    %add3A_63 = arith.addi %mul3A_2, %add3A_62 : i32
    "tpu.region"() ({
      %run_scoped3A = tpu.sem_alloc : memref<!tpu.dma_semaphore, #tpu.memory_space<semaphore_mem>>
      %dma_start3A = arith.constant 0 : i32
      %dma_start3A_80 = arith.constant 0 : i32
      %dma_start3A_81 = tpu.memref_slice %arg11[%dma_start3A, %dma_start3A_80] : memref<128x128xf32, #tpu.memory_space<vmem>> -> memref<128x128xf32, #tpu.memory_space<vmem>>
      %dma_start3A_82 = arith.constant 0 : i32
      %dma_start3A_83 = tpu.memref_slice %arg8[%arg0, %add3A_63, %dma_start3A_82] : memref<2x10112x128xf32, #tpu.memory_space<hbm>> -> memref<1x128x128xf32, #tpu.memory_space<hbm>>
      %dma_start3A_84 = tpu.memref_squeeze %dma_start3A_83 : memref<1x128x128xf32, #tpu.memory_space<hbm>> -> memref<128x128xf32, #tpu.memory_space<hbm>>
      %dma_start3A_85 = arith.constant 0 : i32
      %dma_start3A_86 = tpu.memref_slice %arg8[%arg0, %add3A_63, %dma_start3A_85] : memref<2x10112x128xf32, #tpu.memory_space<hbm>> -> memref<1x128x128xf32, #tpu.memory_space<hbm>>
      %dma_start3A_87 = tpu.memref_squeeze %dma_start3A_86 : memref<1x128x128xf32, #tpu.memory_space<hbm>> -> memref<128x128xf32, #tpu.memory_space<hbm>>
      %dma_start3A_88 = arith.constant 0 : i32
      %dma_start3A_89 = arith.constant 0 : i32
      %dma_start3A_90 = tpu.memref_slice %arg11[%dma_start3A_88, %dma_start3A_89] : memref<128x128xf32, #tpu.memory_space<vmem>> -> memref<128x128xf32, #tpu.memory_space<vmem>>
      tpu.enqueue_dma source(%dma_start3A_90 : memref<128x128xf32, #tpu.memory_space<vmem>>) target(%dma_start3A_87 : memref<128x128xf32, #tpu.memory_space<hbm>>) target_semaphore(%run_scoped3A : memref<!tpu.dma_semaphore, #tpu.memory_space<semaphore_mem>>)
      %dma_wait3A = arith.constant 0 : i32
      %dma_wait3A_91 = arith.constant 0 : i32
      %dma_wait3A_92 = tpu.memref_slice %arg11[%dma_wait3A, %dma_wait3A_91] : memref<128x128xf32, #tpu.memory_space<vmem>> -> memref<128x128xf32, #tpu.memory_space<vmem>>
      %dma_wait3A_93 = arith.constant 0 : i32
      %dma_wait3A_94 = tpu.memref_slice %arg8[%arg0, %add3A_63, %dma_wait3A_93] : memref<2x10112x128xf32, #tpu.memory_space<hbm>> -> memref<1x128x128xf32, #tpu.memory_space<hbm>>
      %dma_wait3A_95 = tpu.memref_squeeze %dma_wait3A_94 : memref<1x128x128xf32, #tpu.memory_space<hbm>> -> memref<128x128xf32, #tpu.memory_space<hbm>>
      %dma_wait3A_96 = arith.constant 0 : i32
      %dma_wait3A_97 = tpu.memref_slice %arg8[%arg0, %add3A_63, %dma_wait3A_96] : memref<2x10112x128xf32, #tpu.memory_space<hbm>> -> memref<1x128x128xf32, #tpu.memory_space<hbm>>
      %dma_wait3A_98 = tpu.memref_squeeze %dma_wait3A_97 : memref<1x128x128xf32, #tpu.memory_space<hbm>> -> memref<128x128xf32, #tpu.memory_space<hbm>>
      %dma_wait3A_99 = arith.constant 0 : i32
      %dma_wait3A_100 = arith.constant 0 : i32
      %dma_wait3A_101 = tpu.memref_slice %arg11[%dma_wait3A_99, %dma_wait3A_100] : memref<128x128xf32, #tpu.memory_space<vmem>> -> memref<128x128xf32, #tpu.memory_space<vmem>>
      tpu.wait_dma2 semaphore(%run_scoped3A : memref<!tpu.dma_semaphore, #tpu.memory_space<semaphore_mem>>) src(%dma_wait3A_101 : memref<128x128xf32, #tpu.memory_space<vmem>>) dst(%dma_wait3A_98 : memref<128x128xf32, #tpu.memory_space<hbm>>)
      tpu.yield
    }) : () -> ()
    %add3A_64 = arith.constant 128 : i32
    %add3A_65 = arith.addi %mul3A_2, %add3A_64 : i32
    "tpu.region"() ({
      %run_scoped3A = tpu.sem_alloc : memref<!tpu.dma_semaphore, #tpu.memory_space<semaphore_mem>>
      %dma_start3A = arith.constant 0 : i32
      %dma_start3A_80 = arith.constant 0 : i32
      %dma_start3A_81 = tpu.memref_slice %arg11[%dma_start3A, %dma_start3A_80] : memref<128x128xf32, #tpu.memory_space<vmem>> -> memref<128x128xf32, #tpu.memory_space<vmem>>
      %dma_start3A_82 = arith.constant 0 : i32
      %dma_start3A_83 = tpu.memref_slice %arg13[%add3A_65, %dma_start3A_82] : memref<10112x128xf32, #tpu.memory_space<vmem_shared>> -> memref<128x128xf32, #tpu.memory_space<vmem_shared>>
      %dma_start3A_84 = arith.constant 0 : i32
      %dma_start3A_85 = arith.constant 0 : i32
      %dma_start3A_86 = tpu.memref_slice %arg11[%dma_start3A_84, %dma_start3A_85] : memref<128x128xf32, #tpu.memory_space<vmem>> -> memref<128x128xf32, #tpu.memory_space<vmem>>
      %dma_start3A_87 = arith.constant 0 : i32
      %dma_start3A_88 = tpu.memref_slice %arg13[%add3A_65, %dma_start3A_87] : memref<10112x128xf32, #tpu.memory_space<vmem_shared>> -> memref<128x128xf32, #tpu.memory_space<vmem_shared>>
      tpu.enqueue_dma source(%dma_start3A_88 : memref<128x128xf32, #tpu.memory_space<vmem_shared>>) target(%dma_start3A_86 : memref<128x128xf32, #tpu.memory_space<vmem>>) target_semaphore(%run_scoped3A : memref<!tpu.dma_semaphore, #tpu.memory_space<semaphore_mem>>)
      %dma_wait3A = arith.constant 0 : i32
      %dma_wait3A_89 = arith.constant 0 : i32
      %dma_wait3A_90 = tpu.memref_slice %arg11[%dma_wait3A, %dma_wait3A_89] : memref<128x128xf32, #tpu.memory_space<vmem>> -> memref<128x128xf32, #tpu.memory_space<vmem>>
      %dma_wait3A_91 = arith.constant 0 : i32
      %dma_wait3A_92 = tpu.memref_slice %arg13[%add3A_65, %dma_wait3A_91] : memref<10112x128xf32, #tpu.memory_space<vmem_shared>> -> memref<128x128xf32, #tpu.memory_space<vmem_shared>>
      %dma_wait3A_93 = arith.constant 0 : i32
      %dma_wait3A_94 = arith.constant 0 : i32
      %dma_wait3A_95 = tpu.memref_slice %arg11[%dma_wait3A_93, %dma_wait3A_94] : memref<128x128xf32, #tpu.memory_space<vmem>> -> memref<128x128xf32, #tpu.memory_space<vmem>>
      %dma_wait3A_96 = arith.constant 0 : i32
      %dma_wait3A_97 = tpu.memref_slice %arg13[%add3A_65, %dma_wait3A_96] : memref<10112x128xf32, #tpu.memory_space<vmem_shared>> -> memref<128x128xf32, #tpu.memory_space<vmem_shared>>
      tpu.wait_dma2 semaphore(%run_scoped3A : memref<!tpu.dma_semaphore, #tpu.memory_space<semaphore_mem>>) src(%dma_wait3A_97 : memref<128x128xf32, #tpu.memory_space<vmem_shared>>) dst(%dma_wait3A_95 : memref<128x128xf32, #tpu.memory_space<vmem>>)
      tpu.yield
    }) : () -> ()
    %add3A_66 = arith.constant 128 : i32
    %add3A_67 = arith.addi %mul3A_2, %add3A_66 : i32
    "tpu.region"() ({
      %run_scoped3A = tpu.sem_alloc : memref<!tpu.dma_semaphore, #tpu.memory_space<semaphore_mem>>
      %dma_start3A = arith.constant 0 : i32
      %dma_start3A_80 = arith.constant 0 : i32
      %dma_start3A_81 = tpu.memref_slice %arg11[%dma_start3A, %dma_start3A_80] : memref<128x128xf32, #tpu.memory_space<vmem>> -> memref<128x128xf32, #tpu.memory_space<vmem>>
      %dma_start3A_82 = arith.constant 0 : i32
      %dma_start3A_83 = tpu.memref_slice %arg8[%arg0, %add3A_67, %dma_start3A_82] : memref<2x10112x128xf32, #tpu.memory_space<hbm>> -> memref<1x128x128xf32, #tpu.memory_space<hbm>>
      %dma_start3A_84 = tpu.memref_squeeze %dma_start3A_83 : memref<1x128x128xf32, #tpu.memory_space<hbm>> -> memref<128x128xf32, #tpu.memory_space<hbm>>
      %dma_start3A_85 = arith.constant 0 : i32
      %dma_start3A_86 = tpu.memref_slice %arg8[%arg0, %add3A_67, %dma_start3A_85] : memref<2x10112x128xf32, #tpu.memory_space<hbm>> -> memref<1x128x128xf32, #tpu.memory_space<hbm>>
      %dma_start3A_87 = tpu.memref_squeeze %dma_start3A_86 : memref<1x128x128xf32, #tpu.memory_space<hbm>> -> memref<128x128xf32, #tpu.memory_space<hbm>>
      %dma_start3A_88 = arith.constant 0 : i32
      %dma_start3A_89 = arith.constant 0 : i32
      %dma_start3A_90 = tpu.memref_slice %arg11[%dma_start3A_88, %dma_start3A_89] : memref<128x128xf32, #tpu.memory_space<vmem>> -> memref<128x128xf32, #tpu.memory_space<vmem>>
      tpu.enqueue_dma source(%dma_start3A_90 : memref<128x128xf32, #tpu.memory_space<vmem>>) target(%dma_start3A_87 : memref<128x128xf32, #tpu.memory_space<hbm>>) target_semaphore(%run_scoped3A : memref<!tpu.dma_semaphore, #tpu.memory_space<semaphore_mem>>)
      %dma_wait3A = arith.constant 0 : i32
      %dma_wait3A_91 = arith.constant 0 : i32
      %dma_wait3A_92 = tpu.memref_slice %arg11[%dma_wait3A, %dma_wait3A_91] : memref<128x128xf32, #tpu.memory_space<vmem>> -> memref<128x128xf32, #tpu.memory_space<vmem>>
      %dma_wait3A_93 = arith.constant 0 : i32
      %dma_wait3A_94 = tpu.memref_slice %arg8[%arg0, %add3A_67, %dma_wait3A_93] : memref<2x10112x128xf32, #tpu.memory_space<hbm>> -> memref<1x128x128xf32, #tpu.memory_space<hbm>>
      %dma_wait3A_95 = tpu.memref_squeeze %dma_wait3A_94 : memref<1x128x128xf32, #tpu.memory_space<hbm>> -> memref<128x128xf32, #tpu.memory_space<hbm>>
      %dma_wait3A_96 = arith.constant 0 : i32
      %dma_wait3A_97 = tpu.memref_slice %arg8[%arg0, %add3A_67, %dma_wait3A_96] : memref<2x10112x128xf32, #tpu.memory_space<hbm>> -> memref<1x128x128xf32, #tpu.memory_space<hbm>>
      %dma_wait3A_98 = tpu.memref_squeeze %dma_wait3A_97 : memref<1x128x128xf32, #tpu.memory_space<hbm>> -> memref<128x128xf32, #tpu.memory_space<hbm>>
      %dma_wait3A_99 = arith.constant 0 : i32
      %dma_wait3A_100 = arith.constant 0 : i32
      %dma_wait3A_101 = tpu.memref_slice %arg11[%dma_wait3A_99, %dma_wait3A_100] : memref<128x128xf32, #tpu.memory_space<vmem>> -> memref<128x128xf32, #tpu.memory_space<vmem>>
      tpu.wait_dma2 semaphore(%run_scoped3A : memref<!tpu.dma_semaphore, #tpu.memory_space<semaphore_mem>>) src(%dma_wait3A_101 : memref<128x128xf32, #tpu.memory_space<vmem>>) dst(%dma_wait3A_98 : memref<128x128xf32, #tpu.memory_space<hbm>>)
      tpu.yield
    }) : () -> ()
    %add3A_68 = arith.constant 256 : i32
    %add3A_69 = arith.addi %mul3A_2, %add3A_68 : i32
    "tpu.region"() ({
      %run_scoped3A = tpu.sem_alloc : memref<!tpu.dma_semaphore, #tpu.memory_space<semaphore_mem>>
      %dma_start3A = arith.constant 0 : i32
      %dma_start3A_80 = arith.constant 0 : i32
      %dma_start3A_81 = tpu.memref_slice %arg11[%dma_start3A, %dma_start3A_80] : memref<128x128xf32, #tpu.memory_space<vmem>> -> memref<128x128xf32, #tpu.memory_space<vmem>>
      %dma_start3A_82 = arith.constant 0 : i32
      %dma_start3A_83 = tpu.memref_slice %arg13[%add3A_69, %dma_start3A_82] : memref<10112x128xf32, #tpu.memory_space<vmem_shared>> -> memref<128x128xf32, #tpu.memory_space<vmem_shared>>
      %dma_start3A_84 = arith.constant 0 : i32
      %dma_start3A_85 = arith.constant 0 : i32
      %dma_start3A_86 = tpu.memref_slice %arg11[%dma_start3A_84, %dma_start3A_85] : memref<128x128xf32, #tpu.memory_space<vmem>> -> memref<128x128xf32, #tpu.memory_space<vmem>>
      %dma_start3A_87 = arith.constant 0 : i32
      %dma_start3A_88 = tpu.memref_slice %arg13[%add3A_69, %dma_start3A_87] : memref<10112x128xf32, #tpu.memory_space<vmem_shared>> -> memref<128x128xf32, #tpu.memory_space<vmem_shared>>
      tpu.enqueue_dma source(%dma_start3A_88 : memref<128x128xf32, #tpu.memory_space<vmem_shared>>) target(%dma_start3A_86 : memref<128x128xf32, #tpu.memory_space<vmem>>) target_semaphore(%run_scoped3A : memref<!tpu.dma_semaphore, #tpu.memory_space<semaphore_mem>>)
      %dma_wait3A = arith.constant 0 : i32
      %dma_wait3A_89 = arith.constant 0 : i32
      %dma_wait3A_90 = tpu.memref_slice %arg11[%dma_wait3A, %dma_wait3A_89] : memref<128x128xf32, #tpu.memory_space<vmem>> -> memref<128x128xf32, #tpu.memory_space<vmem>>
      %dma_wait3A_91 = arith.constant 0 : i32
      %dma_wait3A_92 = tpu.memref_slice %arg13[%add3A_69, %dma_wait3A_91] : memref<10112x128xf32, #tpu.memory_space<vmem_shared>> -> memref<128x128xf32, #tpu.memory_space<vmem_shared>>
      %dma_wait3A_93 = arith.constant 0 : i32
      %dma_wait3A_94 = arith.constant 0 : i32
      %dma_wait3A_95 = tpu.memref_slice %arg11[%dma_wait3A_93, %dma_wait3A_94] : memref<128x128xf32, #tpu.memory_space<vmem>> -> memref<128x128xf32, #tpu.memory_space<vmem>>
      %dma_wait3A_96 = arith.constant 0 : i32
      %dma_wait3A_97 = tpu.memref_slice %arg13[%add3A_69, %dma_wait3A_96] : memref<10112x128xf32, #tpu.memory_space<vmem_shared>> -> memref<128x128xf32, #tpu.memory_space<vmem_shared>>
      tpu.wait_dma2 semaphore(%run_scoped3A : memref<!tpu.dma_semaphore, #tpu.memory_space<semaphore_mem>>) src(%dma_wait3A_97 : memref<128x128xf32, #tpu.memory_space<vmem_shared>>) dst(%dma_wait3A_95 : memref<128x128xf32, #tpu.memory_space<vmem>>)
      tpu.yield
    }) : () -> ()
    %add3A_70 = arith.constant 256 : i32
    %add3A_71 = arith.addi %mul3A_2, %add3A_70 : i32
    "tpu.region"() ({
      %run_scoped3A = tpu.sem_alloc : memref<!tpu.dma_semaphore, #tpu.memory_space<semaphore_mem>>
      %dma_start3A = arith.constant 0 : i32
      %dma_start3A_80 = arith.constant 0 : i32
      %dma_start3A_81 = tpu.memref_slice %arg11[%dma_start3A, %dma_start3A_80] : memref<128x128xf32, #tpu.memory_space<vmem>> -> memref<128x128xf32, #tpu.memory_space<vmem>>
      %dma_start3A_82 = arith.constant 0 : i32
      %dma_start3A_83 = tpu.memref_slice %arg8[%arg0, %add3A_71, %dma_start3A_82] : memref<2x10112x128xf32, #tpu.memory_space<hbm>> -> memref<1x128x128xf32, #tpu.memory_space<hbm>>
      %dma_start3A_84 = tpu.memref_squeeze %dma_start3A_83 : memref<1x128x128xf32, #tpu.memory_space<hbm>> -> memref<128x128xf32, #tpu.memory_space<hbm>>
      %dma_start3A_85 = arith.constant 0 : i32
      %dma_start3A_86 = tpu.memref_slice %arg8[%arg0, %add3A_71, %dma_start3A_85] : memref<2x10112x128xf32, #tpu.memory_space<hbm>> -> memref<1x128x128xf32, #tpu.memory_space<hbm>>
      %dma_start3A_87 = tpu.memref_squeeze %dma_start3A_86 : memref<1x128x128xf32, #tpu.memory_space<hbm>> -> memref<128x128xf32, #tpu.memory_space<hbm>>
      %dma_start3A_88 = arith.constant 0 : i32
      %dma_start3A_89 = arith.constant 0 : i32
      %dma_start3A_90 = tpu.memref_slice %arg11[%dma_start3A_88, %dma_start3A_89] : memref<128x128xf32, #tpu.memory_space<vmem>> -> memref<128x128xf32, #tpu.memory_space<vmem>>
      tpu.enqueue_dma source(%dma_start3A_90 : memref<128x128xf32, #tpu.memory_space<vmem>>) target(%dma_start3A_87 : memref<128x128xf32, #tpu.memory_space<hbm>>) target_semaphore(%run_scoped3A : memref<!tpu.dma_semaphore, #tpu.memory_space<semaphore_mem>>)
      %dma_wait3A = arith.constant 0 : i32
      %dma_wait3A_91 = arith.constant 0 : i32
      %dma_wait3A_92 = tpu.memref_slice %arg11[%dma_wait3A, %dma_wait3A_91] : memref<128x128xf32, #tpu.memory_space<vmem>> -> memref<128x128xf32, #tpu.memory_space<vmem>>
      %dma_wait3A_93 = arith.constant 0 : i32
      %dma_wait3A_94 = tpu.memref_slice %arg8[%arg0, %add3A_71, %dma_wait3A_93] : memref<2x10112x128xf32, #tpu.memory_space<hbm>> -> memref<1x128x128xf32, #tpu.memory_space<hbm>>
      %dma_wait3A_95 = tpu.memref_squeeze %dma_wait3A_94 : memref<1x128x128xf32, #tpu.memory_space<hbm>> -> memref<128x128xf32, #tpu.memory_space<hbm>>
      %dma_wait3A_96 = arith.constant 0 : i32
      %dma_wait3A_97 = tpu.memref_slice %arg8[%arg0, %add3A_71, %dma_wait3A_96] : memref<2x10112x128xf32, #tpu.memory_space<hbm>> -> memref<1x128x128xf32, #tpu.memory_space<hbm>>
      %dma_wait3A_98 = tpu.memref_squeeze %dma_wait3A_97 : memref<1x128x128xf32, #tpu.memory_space<hbm>> -> memref<128x128xf32, #tpu.memory_space<hbm>>
      %dma_wait3A_99 = arith.constant 0 : i32
      %dma_wait3A_100 = arith.constant 0 : i32
      %dma_wait3A_101 = tpu.memref_slice %arg11[%dma_wait3A_99, %dma_wait3A_100] : memref<128x128xf32, #tpu.memory_space<vmem>> -> memref<128x128xf32, #tpu.memory_space<vmem>>
      tpu.wait_dma2 semaphore(%run_scoped3A : memref<!tpu.dma_semaphore, #tpu.memory_space<semaphore_mem>>) src(%dma_wait3A_101 : memref<128x128xf32, #tpu.memory_space<vmem>>) dst(%dma_wait3A_98 : memref<128x128xf32, #tpu.memory_space<hbm>>)
      tpu.yield
    }) : () -> ()
    %add3A_72 = arith.constant 384 : i32
    %add3A_73 = arith.addi %mul3A_2, %add3A_72 : i32
    "tpu.region"() ({
      %run_scoped3A = tpu.sem_alloc : memref<!tpu.dma_semaphore, #tpu.memory_space<semaphore_mem>>
      %dma_start3A = arith.constant 0 : i32
      %dma_start3A_80 = arith.constant 0 : i32
      %dma_start3A_81 = tpu.memref_slice %arg11[%dma_start3A, %dma_start3A_80] : memref<128x128xf32, #tpu.memory_space<vmem>> -> memref<128x128xf32, #tpu.memory_space<vmem>>
      %dma_start3A_82 = arith.constant 0 : i32
      %dma_start3A_83 = tpu.memref_slice %arg13[%add3A_73, %dma_start3A_82] : memref<10112x128xf32, #tpu.memory_space<vmem_shared>> -> memref<128x128xf32, #tpu.memory_space<vmem_shared>>
      %dma_start3A_84 = arith.constant 0 : i32
      %dma_start3A_85 = arith.constant 0 : i32
      %dma_start3A_86 = tpu.memref_slice %arg11[%dma_start3A_84, %dma_start3A_85] : memref<128x128xf32, #tpu.memory_space<vmem>> -> memref<128x128xf32, #tpu.memory_space<vmem>>
      %dma_start3A_87 = arith.constant 0 : i32
      %dma_start3A_88 = tpu.memref_slice %arg13[%add3A_73, %dma_start3A_87] : memref<10112x128xf32, #tpu.memory_space<vmem_shared>> -> memref<128x128xf32, #tpu.memory_space<vmem_shared>>
      tpu.enqueue_dma source(%dma_start3A_88 : memref<128x128xf32, #tpu.memory_space<vmem_shared>>) target(%dma_start3A_86 : memref<128x128xf32, #tpu.memory_space<vmem>>) target_semaphore(%run_scoped3A : memref<!tpu.dma_semaphore, #tpu.memory_space<semaphore_mem>>)
      %dma_wait3A = arith.constant 0 : i32
      %dma_wait3A_89 = arith.constant 0 : i32
      %dma_wait3A_90 = tpu.memref_slice %arg11[%dma_wait3A, %dma_wait3A_89] : memref<128x128xf32, #tpu.memory_space<vmem>> -> memref<128x128xf32, #tpu.memory_space<vmem>>
      %dma_wait3A_91 = arith.constant 0 : i32
      %dma_wait3A_92 = tpu.memref_slice %arg13[%add3A_73, %dma_wait3A_91] : memref<10112x128xf32, #tpu.memory_space<vmem_shared>> -> memref<128x128xf32, #tpu.memory_space<vmem_shared>>
      %dma_wait3A_93 = arith.constant 0 : i32
      %dma_wait3A_94 = arith.constant 0 : i32
      %dma_wait3A_95 = tpu.memref_slice %arg11[%dma_wait3A_93, %dma_wait3A_94] : memref<128x128xf32, #tpu.memory_space<vmem>> -> memref<128x128xf32, #tpu.memory_space<vmem>>
      %dma_wait3A_96 = arith.constant 0 : i32
      %dma_wait3A_97 = tpu.memref_slice %arg13[%add3A_73, %dma_wait3A_96] : memref<10112x128xf32, #tpu.memory_space<vmem_shared>> -> memref<128x128xf32, #tpu.memory_space<vmem_shared>>
      tpu.wait_dma2 semaphore(%run_scoped3A : memref<!tpu.dma_semaphore, #tpu.memory_space<semaphore_mem>>) src(%dma_wait3A_97 : memref<128x128xf32, #tpu.memory_space<vmem_shared>>) dst(%dma_wait3A_95 : memref<128x128xf32, #tpu.memory_space<vmem>>)
      tpu.yield
    }) : () -> ()
    %add3A_74 = arith.constant 384 : i32
    %add3A_75 = arith.addi %mul3A_2, %add3A_74 : i32
    "tpu.region"() ({
      %run_scoped3A = tpu.sem_alloc : memref<!tpu.dma_semaphore, #tpu.memory_space<semaphore_mem>>
      %dma_start3A = arith.constant 0 : i32
      %dma_start3A_80 = arith.constant 0 : i32
      %dma_start3A_81 = tpu.memref_slice %arg11[%dma_start3A, %dma_start3A_80] : memref<128x128xf32, #tpu.memory_space<vmem>> -> memref<128x128xf32, #tpu.memory_space<vmem>>
      %dma_start3A_82 = arith.constant 0 : i32
      %dma_start3A_83 = tpu.memref_slice %arg8[%arg0, %add3A_75, %dma_start3A_82] : memref<2x10112x128xf32, #tpu.memory_space<hbm>> -> memref<1x128x128xf32, #tpu.memory_space<hbm>>
      %dma_start3A_84 = tpu.memref_squeeze %dma_start3A_83 : memref<1x128x128xf32, #tpu.memory_space<hbm>> -> memref<128x128xf32, #tpu.memory_space<hbm>>
      %dma_start3A_85 = arith.constant 0 : i32
      %dma_start3A_86 = tpu.memref_slice %arg8[%arg0, %add3A_75, %dma_start3A_85] : memref<2x10112x128xf32, #tpu.memory_space<hbm>> -> memref<1x128x128xf32, #tpu.memory_space<hbm>>
      %dma_start3A_87 = tpu.memref_squeeze %dma_start3A_86 : memref<1x128x128xf32, #tpu.memory_space<hbm>> -> memref<128x128xf32, #tpu.memory_space<hbm>>
      %dma_start3A_88 = arith.constant 0 : i32
      %dma_start3A_89 = arith.constant 0 : i32
      %dma_start3A_90 = tpu.memref_slice %arg11[%dma_start3A_88, %dma_start3A_89] : memref<128x128xf32, #tpu.memory_space<vmem>> -> memref<128x128xf32, #tpu.memory_space<vmem>>
      tpu.enqueue_dma source(%dma_start3A_90 : memref<128x128xf32, #tpu.memory_space<vmem>>) target(%dma_start3A_87 : memref<128x128xf32, #tpu.memory_space<hbm>>) target_semaphore(%run_scoped3A : memref<!tpu.dma_semaphore, #tpu.memory_space<semaphore_mem>>)
      %dma_wait3A = arith.constant 0 : i32
      %dma_wait3A_91 = arith.constant 0 : i32
      %dma_wait3A_92 = tpu.memref_slice %arg11[%dma_wait3A, %dma_wait3A_91] : memref<128x128xf32, #tpu.memory_space<vmem>> -> memref<128x128xf32, #tpu.memory_space<vmem>>
      %dma_wait3A_93 = arith.constant 0 : i32
      %dma_wait3A_94 = tpu.memref_slice %arg8[%arg0, %add3A_75, %dma_wait3A_93] : memref<2x10112x128xf32, #tpu.memory_space<hbm>> -> memref<1x128x128xf32, #tpu.memory_space<hbm>>
      %dma_wait3A_95 = tpu.memref_squeeze %dma_wait3A_94 : memref<1x128x128xf32, #tpu.memory_space<hbm>> -> memref<128x128xf32, #tpu.memory_space<hbm>>
      %dma_wait3A_96 = arith.constant 0 : i32
      %dma_wait3A_97 = tpu.memref_slice %arg8[%arg0, %add3A_75, %dma_wait3A_96] : memref<2x10112x128xf32, #tpu.memory_space<hbm>> -> memref<1x128x128xf32, #tpu.memory_space<hbm>>
      %dma_wait3A_98 = tpu.memref_squeeze %dma_wait3A_97 : memref<1x128x128xf32, #tpu.memory_space<hbm>> -> memref<128x128xf32, #tpu.memory_space<hbm>>
      %dma_wait3A_99 = arith.constant 0 : i32
      %dma_wait3A_100 = arith.constant 0 : i32
      %dma_wait3A_101 = tpu.memref_slice %arg11[%dma_wait3A_99, %dma_wait3A_100] : memref<128x128xf32, #tpu.memory_space<vmem>> -> memref<128x128xf32, #tpu.memory_space<vmem>>
      tpu.wait_dma2 semaphore(%run_scoped3A : memref<!tpu.dma_semaphore, #tpu.memory_space<semaphore_mem>>) src(%dma_wait3A_101 : memref<128x128xf32, #tpu.memory_space<vmem>>) dst(%dma_wait3A_98 : memref<128x128xf32, #tpu.memory_space<hbm>>)
      tpu.yield
    }) : () -> ()
    %add3A_76 = arith.constant 512 : i32
    %add3A_77 = arith.addi %mul3A_2, %add3A_76 : i32
    "tpu.region"() ({
      %run_scoped3A = tpu.sem_alloc : memref<!tpu.dma_semaphore, #tpu.memory_space<semaphore_mem>>
      %dma_start3A = arith.constant 0 : i32
      %dma_start3A_80 = arith.constant 0 : i32
      %dma_start3A_81 = tpu.memref_slice %arg11[%dma_start3A, %dma_start3A_80] : memref<128x128xf32, #tpu.memory_space<vmem>> -> memref<120x128xf32, #tpu.memory_space<vmem>>
      %dma_start3A_82 = arith.constant 0 : i32
      %dma_start3A_83 = tpu.memref_slice %arg13[%add3A_77, %dma_start3A_82] : memref<10112x128xf32, #tpu.memory_space<vmem_shared>> -> memref<120x128xf32, #tpu.memory_space<vmem_shared>>
      %dma_start3A_84 = arith.constant 0 : i32
      %dma_start3A_85 = arith.constant 0 : i32
      %dma_start3A_86 = tpu.memref_slice %arg11[%dma_start3A_84, %dma_start3A_85] : memref<128x128xf32, #tpu.memory_space<vmem>> -> memref<120x128xf32, #tpu.memory_space<vmem>>
      %dma_start3A_87 = arith.constant 0 : i32
      %dma_start3A_88 = tpu.memref_slice %arg13[%add3A_77, %dma_start3A_87] : memref<10112x128xf32, #tpu.memory_space<vmem_shared>> -> memref<120x128xf32, #tpu.memory_space<vmem_shared>>
      tpu.enqueue_dma source(%dma_start3A_88 : memref<120x128xf32, #tpu.memory_space<vmem_shared>>) target(%dma_start3A_86 : memref<120x128xf32, #tpu.memory_space<vmem>>) target_semaphore(%run_scoped3A : memref<!tpu.dma_semaphore, #tpu.memory_space<semaphore_mem>>)
      %dma_wait3A = arith.constant 0 : i32
      %dma_wait3A_89 = arith.constant 0 : i32
      %dma_wait3A_90 = tpu.memref_slice %arg11[%dma_wait3A, %dma_wait3A_89] : memref<128x128xf32, #tpu.memory_space<vmem>> -> memref<120x128xf32, #tpu.memory_space<vmem>>
      %dma_wait3A_91 = arith.constant 0 : i32
      %dma_wait3A_92 = tpu.memref_slice %arg13[%add3A_77, %dma_wait3A_91] : memref<10112x128xf32, #tpu.memory_space<vmem_shared>> -> memref<120x128xf32, #tpu.memory_space<vmem_shared>>
      %dma_wait3A_93 = arith.constant 0 : i32
      %dma_wait3A_94 = arith.constant 0 : i32
      %dma_wait3A_95 = tpu.memref_slice %arg11[%dma_wait3A_93, %dma_wait3A_94] : memref<128x128xf32, #tpu.memory_space<vmem>> -> memref<120x128xf32, #tpu.memory_space<vmem>>
      %dma_wait3A_96 = arith.constant 0 : i32
      %dma_wait3A_97 = tpu.memref_slice %arg13[%add3A_77, %dma_wait3A_96] : memref<10112x128xf32, #tpu.memory_space<vmem_shared>> -> memref<120x128xf32, #tpu.memory_space<vmem_shared>>
      tpu.wait_dma2 semaphore(%run_scoped3A : memref<!tpu.dma_semaphore, #tpu.memory_space<semaphore_mem>>) src(%dma_wait3A_97 : memref<120x128xf32, #tpu.memory_space<vmem_shared>>) dst(%dma_wait3A_95 : memref<120x128xf32, #tpu.memory_space<vmem>>)
      tpu.yield
    }) : () -> ()
    %add3A_78 = arith.constant 512 : i32
    %add3A_79 = arith.addi %mul3A_2, %add3A_78 : i32
    "tpu.region"() ({
      %run_scoped3A = tpu.sem_alloc : memref<!tpu.dma_semaphore, #tpu.memory_space<semaphore_mem>>
      %dma_start3A = arith.constant 0 : i32
      %dma_start3A_80 = arith.constant 0 : i32
      %dma_start3A_81 = tpu.memref_slice %arg11[%dma_start3A, %dma_start3A_80] : memref<128x128xf32, #tpu.memory_space<vmem>> -> memref<120x128xf32, #tpu.memory_space<vmem>>
      %dma_start3A_82 = arith.constant 0 : i32
      %dma_start3A_83 = tpu.memref_slice %arg8[%arg0, %add3A_79, %dma_start3A_82] : memref<2x10112x128xf32, #tpu.memory_space<hbm>> -> memref<1x120x128xf32, #tpu.memory_space<hbm>>
      %dma_start3A_84 = tpu.memref_squeeze %dma_start3A_83 : memref<1x120x128xf32, #tpu.memory_space<hbm>> -> memref<120x128xf32, #tpu.memory_space<hbm>>
      %dma_start3A_85 = arith.constant 0 : i32
      %dma_start3A_86 = tpu.memref_slice %arg8[%arg0, %add3A_79, %dma_start3A_85] : memref<2x10112x128xf32, #tpu.memory_space<hbm>> -> memref<1x120x128xf32, #tpu.memory_space<hbm>>
      %dma_start3A_87 = tpu.memref_squeeze %dma_start3A_86 : memref<1x120x128xf32, #tpu.memory_space<hbm>> -> memref<120x128xf32, #tpu.memory_space<hbm>>
      %dma_start3A_88 = arith.constant 0 : i32
      %dma_start3A_89 = arith.constant 0 : i32
      %dma_start3A_90 = tpu.memref_slice %arg11[%dma_start3A_88, %dma_start3A_89] : memref<128x128xf32, #tpu.memory_space<vmem>> -> memref<120x128xf32, #tpu.memory_space<vmem>>
      tpu.enqueue_dma source(%dma_start3A_90 : memref<120x128xf32, #tpu.memory_space<vmem>>) target(%dma_start3A_87 : memref<120x128xf32, #tpu.memory_space<hbm>>) target_semaphore(%run_scoped3A : memref<!tpu.dma_semaphore, #tpu.memory_space<semaphore_mem>>)
      %dma_wait3A = arith.constant 0 : i32
      %dma_wait3A_91 = arith.constant 0 : i32
      %dma_wait3A_92 = tpu.memref_slice %arg11[%dma_wait3A, %dma_wait3A_91] : memref<128x128xf32, #tpu.memory_space<vmem>> -> memref<120x128xf32, #tpu.memory_space<vmem>>
      %dma_wait3A_93 = arith.constant 0 : i32
      %dma_wait3A_94 = tpu.memref_slice %arg8[%arg0, %add3A_79, %dma_wait3A_93] : memref<2x10112x128xf32, #tpu.memory_space<hbm>> -> memref<1x120x128xf32, #tpu.memory_space<hbm>>
      %dma_wait3A_95 = tpu.memref_squeeze %dma_wait3A_94 : memref<1x120x128xf32, #tpu.memory_space<hbm>> -> memref<120x128xf32, #tpu.memory_space<hbm>>
      %dma_wait3A_96 = arith.constant 0 : i32
      %dma_wait3A_97 = tpu.memref_slice %arg8[%arg0, %add3A_79, %dma_wait3A_96] : memref<2x10112x128xf32, #tpu.memory_space<hbm>> -> memref<1x120x128xf32, #tpu.memory_space<hbm>>
      %dma_wait3A_98 = tpu.memref_squeeze %dma_wait3A_97 : memref<1x120x128xf32, #tpu.memory_space<hbm>> -> memref<120x128xf32, #tpu.memory_space<hbm>>
      %dma_wait3A_99 = arith.constant 0 : i32
      %dma_wait3A_100 = arith.constant 0 : i32
      %dma_wait3A_101 = tpu.memref_slice %arg11[%dma_wait3A_99, %dma_wait3A_100] : memref<128x128xf32, #tpu.memory_space<vmem>> -> memref<120x128xf32, #tpu.memory_space<vmem>>
      tpu.wait_dma2 semaphore(%run_scoped3A : memref<!tpu.dma_semaphore, #tpu.memory_space<semaphore_mem>>) src(%dma_wait3A_101 : memref<120x128xf32, #tpu.memory_space<vmem>>) dst(%dma_wait3A_98 : memref<120x128xf32, #tpu.memory_space<hbm>>)
      tpu.yield
    }) : () -> ()
    return
  }
}

module attributes {stable_mosaic.version = 14 : i64} {
  func.func @_tc_layer1(%arg0: memref<10000x128xf32, #tpu.memory_space<vmem>>, %arg1: memref<2x10112x128xf32, #tpu.memory_space<vmem>>, %arg2: memref<2x10112x128xf32, #tpu.memory_space<vmem>>, %arg3: memref<128x128xf32, #tpu.memory_space<vmem>>, %arg4: memref<1x128xf32, #tpu.memory_space<vmem>>, %arg5: memref<128x128xf32, #tpu.memory_space<vmem>>, %arg6: memref<1x128xf32, #tpu.memory_space<vmem>>, %arg7: memref<1x128xf32, #tpu.memory_space<vmem>>, %arg8: memref<10000x128xf32, #tpu.memory_space<vmem>>) attributes {dimension_semantics = [], scalar_prefetch = 0 : i64, scratch_operands = 0 : i64, tpu.core_type = #tpu.core_type<tc>} {
    %get3A = arith.constant 0 : index
    %get3A_0 = arith.constant 0 : index
    %get3A_1 = arith.constant 0 : index
    %get3A_2 = vector.load %arg1[%get3A, %get3A_0, %get3A_1] : memref<2x10112x128xf32, #tpu.memory_space<vmem>>, vector<1x10000x128xf32>
    %get3A_3 = vector.shape_cast %get3A_2 : vector<1x10000x128xf32> to vector<10000x128xf32>
    %get3A_4 = arith.constant 1 : index
    %get3A_5 = arith.constant 0 : index
    %get3A_6 = arith.constant 0 : index
    %get3A_7 = vector.load %arg1[%get3A_4, %get3A_5, %get3A_6] : memref<2x10112x128xf32, #tpu.memory_space<vmem>>, vector<1x10000x128xf32>
    %get3A_8 = vector.shape_cast %get3A_7 : vector<1x10000x128xf32> to vector<10000x128xf32>
    %add3A = arith.addf %get3A_3, %get3A_8 : vector<10000x128xf32>
    %get3A_9 = arith.constant 0 : index
    %get3A_10 = arith.constant 0 : index
    %get3A_11 = arith.constant 0 : index
    %get3A_12 = vector.load %arg2[%get3A_9, %get3A_10, %get3A_11] : memref<2x10112x128xf32, #tpu.memory_space<vmem>>, vector<1x10000x16xf32>
    %get3A_13 = vector.shape_cast %get3A_12 : vector<1x10000x16xf32> to vector<10000x16xf32>
    %get3A_14 = arith.constant 1 : index
    %get3A_15 = arith.constant 0 : index
    %get3A_16 = arith.constant 0 : index
    %get3A_17 = vector.load %arg2[%get3A_14, %get3A_15, %get3A_16] : memref<2x10112x128xf32, #tpu.memory_space<vmem>>, vector<1x10000x16xf32>
    %get3A_18 = vector.shape_cast %get3A_17 : vector<1x10000x16xf32> to vector<10000x16xf32>
    %add3A_19 = arith.addf %get3A_13, %get3A_18 : vector<10000x16xf32>
    %reduce_max3A = arith.constant dense<0xFF800000> : vector<10000xf32>
    %reduce_max3A_20 = vector.multi_reduction <maximumf>, %add3A_19, %reduce_max3A [1] : vector<10000x16xf32> to vector<10000xf32>
    %broadcast_in_dim3A = vector.shape_cast %reduce_max3A_20 : vector<10000xf32> to vector<10000x1xf32>
    %max3A = arith.constant 1.000000e+00 : f32
    %max3A_21 = vector.broadcast %max3A : f32 to vector<10000x1xf32>
    %max3A_22 = arith.maximumf %broadcast_in_dim3A, %max3A_21 : vector<10000x1xf32>
    %div3A = arith.constant 1.000000e+00 : f32
    %div3A_23 = vector.broadcast %div3A : f32 to vector<10000x1xf32>
    %div3A_24 = arith.divf %div3A_23, %max3A_22 : vector<10000x1xf32>
    %mul3A = vector.broadcast %div3A_24 : vector<10000x1xf32> to vector<10000x128xf32>
    %mul3A_25 = arith.mulf %add3A, %mul3A : vector<10000x128xf32>
    %get3A_26 = arith.constant 0 : index
    %get3A_27 = arith.constant 0 : index
    %get3A_28 = vector.load %arg3[%get3A_26, %get3A_27] : memref<128x128xf32, #tpu.memory_space<vmem>>, vector<128x128xf32>
    %dot_general3A = arith.constant dense<0.000000e+00> : vector<10000x128xf32>
    %dot_general3A_29 = tpu.matmul %mul3A_25, %get3A_28, %dot_general3A {dimension_numbers = #tpu.dot_dimension_numbers<[1], [1], [0], [0], [0, 0, 1, 0], [], []>, transpose_lhs_hint = false} : vector<10000x128xf32>, vector<128x128xf32>, vector<10000x128xf32> -> vector<10000x128xf32>
    %get3A_30 = arith.constant 0 : index
    %get3A_31 = arith.constant 0 : index
    %get3A_32 = vector.load %arg4[%get3A_30, %get3A_31] : memref<1x128xf32, #tpu.memory_space<vmem>>, vector<1x128xf32>
    %add3A_33 = vector.broadcast %get3A_32 : vector<1x128xf32> to vector<10000x128xf32>
    %add3A_34 = arith.addf %dot_general3A_29, %add3A_33 : vector<10000x128xf32>
    %get3A_35 = arith.constant 0 : index
    %get3A_36 = arith.constant 0 : index
    %get3A_37 = vector.load %arg0[%get3A_35, %get3A_36] : memref<10000x128xf32, #tpu.memory_space<vmem>>, vector<10000x128xf32>
    %get3A_38 = arith.constant 0 : index
    %get3A_39 = arith.constant 0 : index
    %get3A_40 = vector.load %arg5[%get3A_38, %get3A_39] : memref<128x128xf32, #tpu.memory_space<vmem>>, vector<128x128xf32>
    %dot_general3A_41 = arith.constant dense<0.000000e+00> : vector<10000x128xf32>
    %dot_general3A_42 = tpu.matmul %get3A_37, %get3A_40, %dot_general3A_41 {dimension_numbers = #tpu.dot_dimension_numbers<[1], [1], [0], [0], [0, 0, 1, 0], [], []>, transpose_lhs_hint = false} : vector<10000x128xf32>, vector<128x128xf32>, vector<10000x128xf32> -> vector<10000x128xf32>
    %add3A_43 = arith.addf %add3A_34, %dot_general3A_42 : vector<10000x128xf32>
    %reduce_sum3A = arith.constant dense<0.000000e+00> : vector<128xf32>
    %reduce_sum3A_44 = vector.multi_reduction <add>, %add3A_43, %reduce_sum3A [0] : vector<10000x128xf32> to vector<128xf32>
    %broadcast_in_dim3A_45 = vector.shape_cast %reduce_sum3A_44 : vector<128xf32> to vector<1x128xf32>
    %div3A_46 = arith.constant 1.000000e+04 : f32
    %div3A_47 = vector.broadcast %div3A_46 : f32 to vector<1x128xf32>
    %div3A_48 = arith.divf %broadcast_in_dim3A_45, %div3A_47 : vector<1x128xf32>
    %sub3A = vector.broadcast %div3A_48 : vector<1x128xf32> to vector<10000x128xf32>
    %sub3A_49 = arith.subf %add3A_43, %sub3A : vector<10000x128xf32>
    %integer_pow3A = arith.mulf %sub3A_49, %sub3A_49 : vector<10000x128xf32>
    %reduce_sum3A_50 = arith.constant dense<0.000000e+00> : vector<128xf32>
    %reduce_sum3A_51 = vector.multi_reduction <add>, %integer_pow3A, %reduce_sum3A_50 [0] : vector<10000x128xf32> to vector<128xf32>
    %broadcast_in_dim3A_52 = vector.shape_cast %reduce_sum3A_51 : vector<128xf32> to vector<1x128xf32>
    %div3A_53 = arith.constant 1.000000e+04 : f32
    %div3A_54 = vector.broadcast %div3A_53 : f32 to vector<1x128xf32>
    %div3A_55 = arith.divf %broadcast_in_dim3A_52, %div3A_54 : vector<1x128xf32>
    %sub3A_56 = vector.broadcast %div3A_48 : vector<1x128xf32> to vector<10000x128xf32>
    %sub3A_57 = arith.subf %add3A_43, %sub3A_56 : vector<10000x128xf32>
    %add3A_58 = arith.constant 9.99999974E-6 : f32
    %add3A_59 = vector.broadcast %add3A_58 : f32 to vector<1x128xf32>
    %add3A_60 = arith.addf %div3A_55, %add3A_59 : vector<1x128xf32>
    %rsqrt3A = math.rsqrt %add3A_60 : vector<1x128xf32>
    %mul3A_61 = vector.broadcast %rsqrt3A : vector<1x128xf32> to vector<10000x128xf32>
    %mul3A_62 = arith.mulf %sub3A_57, %mul3A_61 : vector<10000x128xf32>
    %get3A_63 = arith.constant 0 : index
    %get3A_64 = arith.constant 0 : index
    %get3A_65 = vector.load %arg6[%get3A_63, %get3A_64] : memref<1x128xf32, #tpu.memory_space<vmem>>, vector<1x128xf32>
    %mul3A_66 = vector.broadcast %get3A_65 : vector<1x128xf32> to vector<10000x128xf32>
    %mul3A_67 = arith.mulf %mul3A_66, %mul3A_62 : vector<10000x128xf32>
    %get3A_68 = arith.constant 0 : index
    %get3A_69 = arith.constant 0 : index
    %get3A_70 = vector.load %arg7[%get3A_68, %get3A_69] : memref<1x128xf32, #tpu.memory_space<vmem>>, vector<1x128xf32>
    %add3A_71 = vector.broadcast %get3A_70 : vector<1x128xf32> to vector<10000x128xf32>
    %add3A_72 = arith.addf %mul3A_67, %add3A_71 : vector<10000x128xf32>
    %max3A_73 = arith.constant 0.000000e+00 : f32
    %max3A_74 = vector.broadcast %max3A_73 : f32 to vector<10000x128xf32>
    %max3A_75 = arith.maximumf %add3A_72, %max3A_74 : vector<10000x128xf32>
    %swap3A = arith.constant 0 : index
    %swap3A_76 = arith.constant 0 : index
    %swap3A_77 = vector.load %arg8[%swap3A, %swap3A_76] : memref<10000x128xf32, #tpu.memory_space<vmem>>, vector<10000x128xf32>
    tpu.vector_store %arg8[%swap3A, %swap3A_76], %max3A_75 {strides = array<i32>} : memref<10000x128xf32, #tpu.memory_space<vmem>>, vector<10000x128xf32>,
    return
  }
}

module attributes {stable_mosaic.version = 14 : i64} {
  func.func @_tc_layer2(%arg0: memref<10000x128xf32, #tpu.memory_space<vmem>>, %arg1: memref<2x10112x128xf32, #tpu.memory_space<vmem>>, %arg2: memref<2x10112x128xf32, #tpu.memory_space<vmem>>, %arg3: memref<128x128xf32, #tpu.memory_space<vmem>>, %arg4: memref<1x128xf32, #tpu.memory_space<vmem>>, %arg5: memref<128x128xf32, #tpu.memory_space<vmem>>, %arg6: memref<10000x128xf32, #tpu.memory_space<vmem>>) attributes {dimension_semantics = [], scalar_prefetch = 0 : i64, scratch_operands = 0 : i64, tpu.core_type = #tpu.core_type<tc>} {
    %get3A = arith.constant 0 : index
    %get3A_0 = arith.constant 0 : index
    %get3A_1 = arith.constant 0 : index
    %get3A_2 = vector.load %arg1[%get3A, %get3A_0, %get3A_1] : memref<2x10112x128xf32, #tpu.memory_space<vmem>>, vector<1x10000x128xf32>
    %get3A_3 = vector.shape_cast %get3A_2 : vector<1x10000x128xf32> to vector<10000x128xf32>
    %get3A_4 = arith.constant 1 : index
    %get3A_5 = arith.constant 0 : index
    %get3A_6 = arith.constant 0 : index
    %get3A_7 = vector.load %arg1[%get3A_4, %get3A_5, %get3A_6] : memref<2x10112x128xf32, #tpu.memory_space<vmem>>, vector<1x10000x128xf32>
    %get3A_8 = vector.shape_cast %get3A_7 : vector<1x10000x128xf32> to vector<10000x128xf32>
    %add3A = arith.addf %get3A_3, %get3A_8 : vector<10000x128xf32>
    %get3A_9 = arith.constant 0 : index
    %get3A_10 = arith.constant 0 : index
    %get3A_11 = arith.constant 0 : index
    %get3A_12 = vector.load %arg2[%get3A_9, %get3A_10, %get3A_11] : memref<2x10112x128xf32, #tpu.memory_space<vmem>>, vector<1x10000x16xf32>
    %get3A_13 = vector.shape_cast %get3A_12 : vector<1x10000x16xf32> to vector<10000x16xf32>
    %get3A_14 = arith.constant 1 : index
    %get3A_15 = arith.constant 0 : index
    %get3A_16 = arith.constant 0 : index
    %get3A_17 = vector.load %arg2[%get3A_14, %get3A_15, %get3A_16] : memref<2x10112x128xf32, #tpu.memory_space<vmem>>, vector<1x10000x16xf32>
    %get3A_18 = vector.shape_cast %get3A_17 : vector<1x10000x16xf32> to vector<10000x16xf32>
    %add3A_19 = arith.addf %get3A_13, %get3A_18 : vector<10000x16xf32>
    %reduce_max3A = arith.constant dense<0xFF800000> : vector<10000xf32>
    %reduce_max3A_20 = vector.multi_reduction <maximumf>, %add3A_19, %reduce_max3A [1] : vector<10000x16xf32> to vector<10000xf32>
    %broadcast_in_dim3A = vector.shape_cast %reduce_max3A_20 : vector<10000xf32> to vector<10000x1xf32>
    %max3A = arith.constant 1.000000e+00 : f32
    %max3A_21 = vector.broadcast %max3A : f32 to vector<10000x1xf32>
    %max3A_22 = arith.maximumf %broadcast_in_dim3A, %max3A_21 : vector<10000x1xf32>
    %div3A = arith.constant 1.000000e+00 : f32
    %div3A_23 = vector.broadcast %div3A : f32 to vector<10000x1xf32>
    %div3A_24 = arith.divf %div3A_23, %max3A_22 : vector<10000x1xf32>
    %mul3A = vector.broadcast %div3A_24 : vector<10000x1xf32> to vector<10000x128xf32>
    %mul3A_25 = arith.mulf %add3A, %mul3A : vector<10000x128xf32>
    %get3A_26 = arith.constant 0 : index
    %get3A_27 = arith.constant 0 : index
    %get3A_28 = vector.load %arg3[%get3A_26, %get3A_27] : memref<128x128xf32, #tpu.memory_space<vmem>>, vector<128x128xf32>
    %dot_general3A = arith.constant dense<0.000000e+00> : vector<10000x128xf32>
    %dot_general3A_29 = tpu.matmul %mul3A_25, %get3A_28, %dot_general3A {dimension_numbers = #tpu.dot_dimension_numbers<[1], [1], [0], [0], [0, 0, 1, 0], [], []>, transpose_lhs_hint = false} : vector<10000x128xf32>, vector<128x128xf32>, vector<10000x128xf32> -> vector<10000x128xf32>
    %get3A_30 = arith.constant 0 : index
    %get3A_31 = arith.constant 0 : index
    %get3A_32 = vector.load %arg4[%get3A_30, %get3A_31] : memref<1x128xf32, #tpu.memory_space<vmem>>, vector<1x128xf32>
    %add3A_33 = vector.broadcast %get3A_32 : vector<1x128xf32> to vector<10000x128xf32>
    %add3A_34 = arith.addf %dot_general3A_29, %add3A_33 : vector<10000x128xf32>
    %get3A_35 = arith.constant 0 : index
    %get3A_36 = arith.constant 0 : index
    %get3A_37 = vector.load %arg0[%get3A_35, %get3A_36] : memref<10000x128xf32, #tpu.memory_space<vmem>>, vector<10000x128xf32>
    %get3A_38 = arith.constant 0 : index
    %get3A_39 = arith.constant 0 : index
    %get3A_40 = vector.load %arg5[%get3A_38, %get3A_39] : memref<128x128xf32, #tpu.memory_space<vmem>>, vector<128x128xf32>
    %dot_general3A_41 = arith.constant dense<0.000000e+00> : vector<10000x128xf32>
    %dot_general3A_42 = tpu.matmul %get3A_37, %get3A_40, %dot_general3A_41 {dimension_numbers = #tpu.dot_dimension_numbers<[1], [1], [0], [0], [0, 0, 1, 0], [], []>, transpose_lhs_hint = false} : vector<10000x128xf32>, vector<128x128xf32>, vector<10000x128xf32> -> vector<10000x128xf32>
    %add3A_43 = arith.addf %add3A_34, %dot_general3A_42 : vector<10000x128xf32>
    %swap3A = arith.constant 0 : index
    %swap3A_44 = arith.constant 0 : index
    %swap3A_45 = vector.load %arg6[%swap3A, %swap3A_44] : memref<10000x128xf32, #tpu.memory_space<vmem>>, vector<10000x128xf32>
    tpu.vector_store %arg6[%swap3A, %swap3A_44], %add3A_43 {strides = array<i32>} : memref<10000x128xf32, #tpu.memory_space<vmem>>, vector<10000x128xf32>,
    return
  }
}

</mosaic_0001>

<sc_bundles>
// kernel: kernel.6.cloned.1.call-start
scs
__scs_entry_jumppad:
0x0: {  	(pc) =	sbr.rel $0x88, $3  }
0x1: {  	(tag) =	ssettag $0x0;
	lr =	simm.s32 $0x1  }
0x2: {  	[smem:$0x3F97] =	sst lr;
	_ =	strace $0xD0000000  }
0x3: {  	_ = 	snop  }
0x4: {  	_ = 	snop  }
0x5: {  	_ = 	snop  }
0x6: {  	_ = 	snop  }
0x7: {  	_ = 	snop  }
__scs_overlays_trampoline_lowered:
0x8: {  	[smem:$0x3FA6] =	sst s0  }
0x9: {  	[smem:$0x3FA7] =	sst s1  }
0xa: {  	[smem:$0x3FA8] =	sst s2  }
0xb: {  	[smem:$0x3FA9] =	sst s3  }
0xc: {  	[smem:$0x3FAA] =	sst s4  }
0xd: {  	[smem:$0x3FAB] =	sst s5  }
0xe: {  	[smem:$0x3FAC] =	sst s6  }
0xf: {  	[smem:$0x3FAD] =	sst s7  }
0x10: {  	[smem:$0x3FAE] =	sst s8  }
0x11: {  	[smem:$0x3FAF] =	sst s9;
	s0 =	simm.s32 @!p0 $0x0  }
0x12: {  	s1 =	sld [smem:$0x3F95];
	s0 =	simm.s32 @p0 $0x1  }
0x13: {  	[smem:$0x3FB0] =	sst s0;
	s0 =	simm.s32 @!p1 $0x0  }
0x14: {  	s2 =	sld [smem:$0x3F94];
	s0 =	simm.s32 @p1 $0x1  }
0x15: {  	[smem:$0x3FB1] =	sst s0;
	s0 =	simm.s32 @!p2 $0x0  }
0x16: {  	s3 =	sld [smem:$0x3FDB];
	s0 =	simm.s32 @p2 $0x1  }
0x17: {  	s4 =	simm.s32 $0x1BF5;
	[smem:$0x3FB3] =	sst s0  }
0x18: {  	s0 =	sld [smem:$0x3F96];
	_ =	swait.ge [sflag:s4], $0x0  }
0x19: {  	s7 =	sld [smem:$0x3F97]  }
0x1a: {  	s8 =	sadd.s32 $0xFFFFE003, lr  }
0x1b: {  	s9 =	sadd.s32 $0xFFFFFEF7, lr;
	s5 =	simm.s32 $0xFFFFFFFF;
	p2 =	slt.u32 s8, $0xFFFFF086  }
0x1c: {  	p1 =	slt.u32 s9, $0xF7A;
	s5 =	simm.s32 @!p2 $0x0  }
0x1d: {  	s5 =	simm.s32 @p1 $0x1;
	p0 =	seq.s32 s7, s2  }
0x1e: {  	s7 =	smul.u32 @!p0 $0xF7A, s2;
	p2 =	seq.s32 @!p0 s5, $0x0  }
0x1f: {  	s9 =	smul.u32 $0xF7A, s1;
	s8 =	simm.s32 @!p0 $0x1BF5;
	p2 =	por !p2, p0  }
0x20: {  	[sflag:s8] =	ssyncset.s32 @!p0 $0xFFFFF086;
	s6 =	sadd.s32 @!p0 s3, s7;
	s7 =	simm.s32 @!p0 $0x108  }
0x21: {  	s3 =	sadd.s32 s3, s9;
	s6 =	sadd.s32 @!p0 $0x88, s6;
	s7 =	simm.s32 @p2 $0x1082  }
0x22: {  	[simem:s7], [sflag:s8] =	dma.local @!p0 [hbm:s6], $0xF7A  }
0x23: {  	s9 =	sor.u32 $0xD0000000, s2;
	s6 =	simm.s32 $0x108;
	_ =	swait.ge @!p0 [sflag:s8], $0x0  }
0x24: {  	s3 =	sadd.s32 $0x88, s3;
	s6 =	simm.s32 @!p1 $0x1082;
	[sflag:s4] =	ssyncset.s32 $0xFFFFF086  }
0x25: {  	[simem:s6], [sflag:s4] =	dma.local [hbm:s3], $0xF7A  }
0x26: {  	[smem:$0x3F97] =	sst s1;
	(tag) =	ssettag s2;
	_ =	strace s9  }
0x27: {  	s1 =	sld [smem:$0x3FA7]  }
0x28: {  	s2 =	sld [smem:$0x3FA8]  }
0x29: {  	s4 =	sld [smem:$0x3FAA]  }
0x2a: {  	p0 =	seq.s32 s5, $0x0;
	s5 =	sld [smem:$0x3FAB]  }
0x2b: {  	s6 =	sld [smem:$0x3FAC]  }
0x2c: {  	s7 =	sld [smem:$0x3FAD]  }
0x2d: {  	s3 =	simm.s32 $0x108;
	s8 =	sld [smem:$0x3FAE]  }
0x2e: {  	s3 =	simm.s32 @!p0 $0x1082;
	s9 =	sld [smem:$0x3FAF]  }
0x2f: {  	lr =	sadd.s32 s0, s3;
	s0 =	sld [smem:$0x3FA6]  }
0x30: {  	s3 =	sld [smem:$0x3FA9]  }
0x31: {  	[smem:$0x3FB2] =	sst s10  }
0x32: {  	s10 =	sld [smem:$0x3FB0];
	_ =	sdelay $0x3  }
0x33: {  	p0 =	seq.s32 s10, $0x1;
	s10 =	sld [smem:$0x3FB2];
	_ =	sdelay $0x3  }
0x34: {  	[smem:$0x3FB2] =	sst s10  }
0x35: {  	s10 =	sld [smem:$0x3FB1];
	_ =	sdelay $0x3  }
0x36: {  	p1 =	seq.s32 s10, $0x1;
	s10 =	sld [smem:$0x3FB2];
	_ =	sdelay $0x3  }
0x37: {  	[smem:$0x3FB2] =	sst s10  }
0x38: {  	s10 =	sld [smem:$0x3FB3]  }
0x39: {  	_ = 	snop;
	(pc) =	sbr.ind lr, $3  }
0x3a: {  	_ = 	snop  }
0x3b: {  	_ = 	snop  }
0x3c: {  	p2 =	seq.s32 s10, $0x1;
	s10 =	sld [smem:$0x3FB2]  }
0x3d: {  	_ =	shalt  }
0x3e: {  	_ =	shalt  }
0x3f: {  	_ =	shalt  }
0x40: {  	_ =	shalt  }
0x41: {  	_ =	shalt  }
0x42: {  	_ =	shalt  }
0x43: {  	_ =	shalt  }
0x44: {  	_ =	shalt  }
0x45: {  	_ =	shalt  }
0x46: {  	_ =	shalt  }
0x47: {  	_ =	shalt  }
0x48: {  	_ =	shalt  }
0x49: {  	_ =	shalt  }
0x4a: {  	_ =	shalt  }
0x4b: {  	_ =	shalt  }
0x4c: {  	_ =	shalt  }
0x4d: {  	_ =	shalt  }
0x4e: {  	_ =	shalt  }
0x4f: {  	_ =	shalt  }
0x50: {  	_ =	shalt  }
0x51: {  	_ =	shalt  }
0x52: {  	_ =	shalt  }
0x53: {  	_ =	shalt  }
0x54: {  	_ =	shalt  }
0x55: {  	_ =	shalt  }
0x56: {  	_ =	shalt  }
0x57: {  	_ =	shalt  }
0x58: {  	_ =	shalt  }
0x59: {  	_ =	shalt  }
0x5a: {  	_ =	shalt  }
0x5b: {  	_ =	shalt  }
0x5c: {  	_ =	shalt  }
0x5d: {  	_ =	shalt  }
0x5e: {  	_ =	shalt  }
0x5f: {  	_ =	shalt  }
0x60: {  	_ =	shalt  }
0x61: {  	_ =	shalt  }
0x62: {  	_ =	shalt  }
0x63: {  	_ =	shalt  }
0x64: {  	_ =	shalt  }
0x65: {  	_ =	shalt  }
0x66: {  	_ =	shalt  }
0x67: {  	_ =	shalt  }
0x68: {  	_ =	shalt  }
0x69: {  	_ =	shalt  }
0x6a: {  	_ =	shalt  }
0x6b: {  	_ =	shalt  }
0x6c: {  	_ =	shalt  }
0x6d: {  	_ =	shalt  }
0x6e: {  	_ =	shalt  }
0x6f: {  	_ =	shalt  }
0x70: {  	_ =	shalt  }
0x71: {  	_ =	shalt  }
0x72: {  	_ =	shalt  }
0x73: {  	_ =	shalt  }
0x74: {  	_ =	shalt  }
0x75: {  	_ =	shalt  }
0x76: {  	_ =	shalt  }
0x77: {  	_ =	shalt  }
0x78: {  	_ =	shalt  }
0x79: {  	_ =	shalt  }
0x7a: {  	_ =	shalt  }
0x7b: {  	_ =	shalt  }
0x7c: {  	_ =	shalt  }
0x7d: {  	_ =	shalt  }
0x7e: {  	_ =	shalt  }
0x7f: {  	_ =	shalt  }
0x80: {  	_ =	shalt  }
0x81: {  	_ =	shalt  }
0x82: {  	_ =	shalt  }
0x83: {  	_ =	shalt  }
0x84: {  	_ =	shalt  }
0x85: {  	_ =	shalt  }
0x86: {  	_ =	shalt  }
0x87: {  	_ =	shalt  }
.Lfunc_end0:
.L_simem_size_0:
called_computation_lowered:
.L_overlay_start_0:
0x88: {  	s2 =	sld [smem:$0x3FD9]  }
0x89: {  	s3 =	sld [smem:$0x3FFE];
	_ =	sdelay $0x1  }
0x8a: {  	s1 =	srdreg.scid  }
0x8b: {  	s0 =	sand.u32 $0x1, s1  }
0x8c: {  	s17 =	sshll.u32 s0, $0xA;
	s2 =	sadd.s32 s3, s2  }
0x8d: {  	s2 =	sadd.s32 s2, s17  }
0x8e: {  	[smem:$0x3FBE] =	sst s2  }
0x8f: {  	_ = 	snop  }
0x90: {  	s2 =	sld [smem:$0x3FC9];
	(tm) =	ssettm $0x1  }
0x91: {  	s18 =	sld [smem:$0x3FFB];
	_ =	sdelay $0x3  }
0x92: {  	_ =	strace s18  }
0x93: {  	s3 =	sld [smem:$0x3FFC];
	_ =	sdelay $0x3  }
0x94: {  	_ =	strace s3  }
0x95: {  	s3 =	sld [smem:$0x3FFD];
	_ =	sdelay $0x3  }
0x96: {  	_ =	strace s3  }
0x97: {  	_ =	strace $0x8FFFFFFF  }
0x98: {  	s19 =	sld [smem:$0x3FDB];
	_ =	sdelay $0x1  }
0x99: {  	s4 =	simm.s32 $_scs_section_size  }
0x9a: {  	s5 =	simm.s32 $_size__tile_overlayer_lowered;
	s6 =	simm.s32 $_tile_overlayer_lowered  }
0x9b: {  	s22 =	simm.s32 $0x1BFF;
	s21 =	sshll.u32 s6, $0x1;
	s3 =	sadd.s32 s4, s19  }
0x9c: {  	s7 =	simm.s32 $0x0;
	s20 =	sshll.u32 s5, $0x1;
	s5 =	sadd.s32 s21, s3  }
0x9d: {  	[timem:s7], [sflag:s22] =	dma.local [hbm:s5], s20  }
0x9e: {  	_ =	swait.ge [sflag:s22], s20  }
0x9f: {  	s4 =	ssub.s32 $0x0, s20;
	[sflag:s22] =	ssyncset.done $0x0  }
0xa0: {  	[sflag:s22] =	ssyncadd.s32 s4;
	_ =	sdelay $0x1  }
0xa1: {  	s23 =	simm.s32 $0x1B8B  }
0xa2: {  	_ =	swait.ge [sflag:s23], $0x1  }
0xa3: {  	[sflag:s23] =	ssyncset.done $0x0  }
0xa4: {  	s25 =	simm.s32 $0x1B8E;
	s24 =	sld [smem:$0x3FFE];
	[sflag:s23] =	ssyncadd.s32 $0xFFFFFFFF  }
0xa5: {  	s26 =	simm.s32 $execute0_lowered;
	[smem:$0x3FD2] =	sst s25  }
0xa6: {  	s5 =	sshll.u32 s26, $0x1;
	_ =	strace $0x80000046;
	[dreg:$0x1] =	wrdreg $0xFFFFFFFF  }
0xa7: {  	s28 =	simm.s32 $_size_execute0_lowered;
	s3 =	sadd.s32 s3, s5;
	[dreg:$0x0] =	wrdreg $0x0  }
0xa8: {  	s5 =	sshll.u32 s28, $0x1;
	[dreg:$0x2] =	wrdreg s3  }
0xa9: {  	[dreg:$0x3] =	wrdreg s5  }
0xaa: {  	[dreg:$0x4] =	wrdreg $0xC0  }
0xab: {  	_ =	task [dreg:s7], $0x5FFFF  }
0xac: {  	[dreg:$0x1] =	wrdreg $0xFFFFFFFF  }
0xad: {  	[dreg:$0x0] =	wrdreg $0x60  }
0xae: {  	[dreg:$0x2] =	wrdreg s2  }
0xaf: {  	[dreg:$0x3] =	wrdreg s24  }
0xb0: {  	[dreg:$0x4] =	wrdreg $0x81000  }
0xb1: {  	[dreg:$0x5] =	wrdreg $0x9  }
0xb2: {  	_ =	task.clear_ibuf [dreg:s7], $0x6FFFF;
	_ =	strace $0x90000046  }
0xb3: {  	s29 =	simm.s32 $0x9;
	_ =	strace $0x80000048  }
0xb4: {  	_ =	swait.ge [sflag:s29], $0x1  }
0xb5: {  	[sflag:s29] =	ssyncadd.s32 $0xFFFFFFFF  }
0xb6: {  	_ =	strace $0x90000048  }
0xb7: {  	_ =	sfence  }
0xb8: {  	s30 =	sld [smem:$0x0];
	_ =	sdelay $0x2  }
0xb9: {  	s31 =	sshll.u32 s1, $0xD;
	s1 =	sshrl.u32 s1, $0x2  }
0xba: {  	s3 =	sand.u32 $0x4000, s31;
	s1 =	sadd.s32 s1, s30  }
0xbb: {  	s0 =	sor.u32 s3, s0;
	s1 =	sshll.u32 s1, $0x11  }
0xbc: {  	s0 =	sor.u32 s1, s0  }
0xbd: {  	s0 =	sadd.s32 $0x8F2B, s0  }
0xbe: {  	[sflag:s0] =	ssyncadd.remote.s32 $0x1  }
0xbf: {  	_ =	sfence.sel $0xFFFF  }
0xc0: {  	[dreg:$0x0] =	wrdreg $0xFFFFFFFF;
	(pc) =	sbr.abs _section_cstart, $3  }
0xc1: {  	[dreg:$0x1] =	wrdreg $0xFFFFFFFF  }
0xc2: {  	_ =	task.clear_ibuf [dreg:s7], $0x2FFFF;
	_ =	strace $0x9FFFFFFF  }
0xc3: {  	(tm) =	ssettm $0x7FFFFFFF  }
tec
execute0_lowered:
.L_overlay_start_1:
0x0: {  	(tag) =	ssettag $0x1  }
0x1: {  	s2 =	rddreg [dreg:$0x0]  }
0x2: {  	s0 =	srdreg.scid;
	s7 =	rddreg [dreg:$0x1]  }
0x3: {  	s6 =	stileid.u32;
	s3 =	rddreg [dreg:$0x2];
	s4 =	simm.s32 $0x0  }
0x4: {  	s28 =	simm.s32 $0x80;
	s29 =	simm.s32 $0x1;
	s30 =	simm.s32 $0x4100  }
0x5: {  	s31 =	simm.s32 $0x0;
	s0 =	sand.u32 $0x1, s0;
	s1 =	smul.u32 $0x5000, s6  }
0x6: {  	[smem:$0x7FF] =	sst s4;
	s8 =	sadd.s32 $0x16400, s7;
	s9 =	smul.u32 $0x4F000, s6  }
0x7: {  	s16 =	sadd.s32 $0x17400, s7;
	s11 =	smul.u32 $0x13C00, s6;
	s21 =	sadd.s32 $0x66400, s7  }
0x8: {  	s5 =	smul.u32 $0x2800, s0;
	_ =	strace $0x80000047;
	s22 =	ssub.s32 $0x2, s0  }
0x9: {  	[dreg:$0x4] =	wrdreg s8;
	s0 =	smul.u32 $0x13C000, s0;
	s10 =	sshrl.u32 s22, $0x1  }
0xa: {  	s23 =	sshrl.u32 s9, $0x2;
	s12 =	sadd.s32 $0x4000, s11;
	s14 =	sadd.s32 $0x8000, s11  }
0xb: {  	s15 =	sadd.s32 $0xC000, s11;
	s17 =	sadd.s32 $0x10000, s11;
	s1 =	sadd.s32 s5, s1  }
0xc: {  	s5 =	sadd.s32 $0x16C00, s7;
	s22 =	ssub.s32 s22, s10;
	s8 =	sadd.s32 s12, s3  }
0xd: {  	s9 =	sadd.s32 s14, s3;
	s10 =	sadd.s32 s15, s3;
	s13 =	sadd.s32 s11, s0  }
0xe: {  	s24 =	sadd.s32 s0, s12;
	s11 =	sadd.s32 s17, s3;
	s14 =	sadd.s32 s0, s14  }
0xf: {  	s15 =	sadd.s32 s0, s15;
	s0 =	sadd.s32 s0, s17;
	s1 =	sshrl.u32 s1, $0x3  }
0x10: {  	s18 =	sshrl.u32 s13, $0x3;
	s19 =	sshrl.u32 s24, $0x3;
	s20 =	sshrl.u32 s14, $0x3  }
0x11: {  	s0 =	sshrl.u32 s0, $0x3;
	s22 =	smax.u32 s22, $0x1;
	s1 =	sadd.s32 s1, s7  }
0x12: {  	s7 =	sadd.s32 s23, s3;
	s25 =	sadd.s32 s16, s18;
	s26 =	sadd.s32 s16, s19  }
0x13: {  	s23 =	sshrl.u32 s15, $0x3;
	s14 =	sadd.s32 s16, s20;
	s17 =	sadd.s32 s21, s18  }
0x14: {  	s18 =	sadd.s32 s21, s19;
	s19 =	sadd.s32 s21, s20;
	[dreg:$0x5] =	wrdreg s25  }
0x15: {  	[dreg:$0x6] =	wrdreg s26;
	s15 =	sadd.s32 s16, s23;
	s16 =	sadd.s32 s16, s0  }
0x16: {  	s20 =	sadd.s32 s21, s23;
	s21 =	sadd.s32 s21, s0;
	s23 =	sadd.s32 $0x2400, s1  }
0x17: {  	s24 =	sadd.s32 $0xC400, s1;
	s25 =	simm.s32 $0x100;
	s26 =	simm.s32 $0x2  }
.LBB2_1:
0x18: {  	[tilespmem:s25], [sflag:$0x2] =	stream.linear.gather [hbm4b:s5+s4], $0x4000, $0x38;
	[tilespmem:$0x1BD00] =	vst v63  }
0x19: {  	_ =	swait.ge [sflag:s26], $0x4000  }
0x1a: {  	[sflag:s26] =	ssyncset.done $0x0  }
0x1b: {  	[sflag:s26] =	ssyncadd.s32 $0xFFFFC000  }
0x1c: {  	[spmem:s7] =	stream.linear.scatter [tilespmem:s25], [sflag:$0x2], $0x4000, $0x38;
	[tilespmem:$0x1BD00] =	vst v63  }
0x1d: {  	_ =	swait.ge [sflag:s26], $0x4000  }
0x1e: {  	[sflag:s26] =	ssyncset.done $0x0  }
0x1f: {  	[sflag:s26] =	ssyncadd.s32 $0xFFFFC000  }
0x20: {  	[spmem:s8] =	stream.linear.scatter [tilespmem:s25], [sflag:$0x2], $0x4000, $0x38;
	[tilespmem:$0x1BD00] =	vst v63  }
0x21: {  	_ =	swait.ge [sflag:s26], $0x4000  }
0x22: {  	[sflag:s26] =	ssyncset.done $0x0  }
0x23: {  	[sflag:s26] =	ssyncadd.s32 $0xFFFFC000  }
0x24: {  	[spmem:s9] =	stream.linear.scatter [tilespmem:s25], [sflag:$0x2], $0x4000, $0x38;
	[tilespmem:$0x1BD00] =	vst v63  }
0x25: {  	_ =	swait.ge [sflag:s26], $0x4000  }
0x26: {  	[sflag:s26] =	ssyncset.done $0x0  }
0x27: {  	[sflag:s26] =	ssyncadd.s32 $0xFFFFC000  }
0x28: {  	[spmem:s10] =	stream.linear.scatter [tilespmem:s25], [sflag:$0x2], $0x4000, $0x38;
	[tilespmem:$0x1BD00] =	vst v63  }
0x29: {  	_ =	swait.ge [sflag:s26], $0x4000  }
0x2a: {  	[sflag:s26] =	ssyncset.done $0x0  }
0x2b: {  	[sflag:s26] =	ssyncadd.s32 $0xFFFFC000  }
0x2c: {  	[spmem:s11] =	stream.linear.scatter [tilespmem:s25], [sflag:$0x2], $0x3C00, $0x38;
	[tilespmem:$0x1BD00] =	vst v63  }
0x2d: {  	_ =	swait.ge [sflag:s26], $0x3C00  }
0x2e: {  	[sflag:s26] =	ssyncset.done $0x0  }
0x2f: {  	[sflag:s26] =	ssyncadd.s32 $0xFFFFC400  }
0x30: {  	s0 =	sadd.s32 $0x0, s24;
	[bflag:$0x0] =	sbarrier.arrive $0xFFFF  }
0x31: {  	[tilespmem:s4], [sflag:$0x2] =	stream.linear.gather [hbm4b:s0+s4], $0x80, $0x38;
	[tilespmem:$0x1BD00] =	vst v63  }
0x32: {  	_ =	swait.ge [sflag:s26], $0x80  }
0x33: {  	[sflag:s26] =	ssyncset.done $0x0  }
0x34: {  	s13 =	sadd.s32 $0x0, s23;
	[sflag:s26] =	ssyncadd.s32 $0xFFFFFF80  }
0x35: {  	[tilespmem:s28], [sflag:$0x2] =	stream.linear.gather [hbm4b:s13+s4], $0x80, $0x38;
	[tilespmem:$0x1BD00] =	vst v63  }
0x36: {  	_ =	swait.ge [sflag:s26], $0x80  }
0x37: {  	[sflag:s26] =	ssyncset.done $0x0  }
0x38: {  	[sflag:s26] =	ssyncadd.s32 $0xFFFFFF80  }
0x39: {  	[tilespmem:s25], [sflag:$0x1] =	stream.indirect.gather [hbm4b:s2+s28], $0x80, s4, s28, $0xb8;
	[tilespmem:$0x1BD00] =	vst v63  }
0x3a: {  	_ =	swait.ge [sflag:s29], $0x4000  }
0x3b: {  	[sflag:s29] =	ssyncset.done $0x0  }
0x3c: {  	[sflag:s29] =	ssyncadd.s32 $0xFFFFC000  }
0x3d: {  	[spmem:s3] =	stream.indirect.scatter.add.f32 [tilespmem:s25], [sflag:$0x2], $0x80, s28, s28, $0xb8;
	[tilespmem:$0x1BD00] =	vst v63  }
0x3e: {  	_ =	swait.ge [sflag:s26], $0x4000  }
0x3f: {  	s1 =	simm.s32 $0x10;
	s0 =	simm.s32 $0x20;
	[sflag:s26] =	ssyncset.done $0x0  }
.LBB2_2:
0x40: {  	s6 =	sadd.s32 s1, s24  }
0x41: {  	[sflag:s26] =	ssyncadd.s32 $0xFFFFC000;
	s12 =	smov.u32 s0;
	s13 =	sadd.s32 $0x10, s0  }
0x42: {  	[tilespmem:s4], [sflag:$0x2] =	stream.linear.gather [hbm4b:s6+s4], $0x80, $0x38;
	[tilespmem:$0x1BD00] =	vst v63  }
0x43: {  	p0 =	sne.s32 s0, $0x4F0;
	_ =	swait.ge [sflag:s26], $0x80  }
0x44: {  	[sflag:s26] =	ssyncset.done $0x0  }
0x45: {  	s0 =	sadd.s32 s1, s23;
	s1 =	smov.u32 s12;
	[sflag:s26] =	ssyncadd.s32 $0xFFFFFF80  }
0x46: {  	[tilespmem:s28], [sflag:$0x2] =	stream.linear.gather [hbm4b:s0+s4], $0x80, $0x38;
	[tilespmem:$0x1BD00] =	vst v63  }
0x47: {  	_ =	swait.ge [sflag:s26], $0x80  }
0x48: {  	[sflag:s26] =	ssyncset.done $0x0  }
0x49: {  	[sflag:s26] =	ssyncadd.s32 $0xFFFFFF80  }
0x4a: {  	[tilespmem:s25], [sflag:$0x1] =	stream.indirect.gather [hbm4b:s2+s28], $0x80, s4, s28, $0xb8;
	[tilespmem:$0x1BD00] =	vst v63  }
0x4b: {  	_ =	swait.ge [sflag:s29], $0x4000  }
.Ltmp0:
0x4c: {  	[sflag:s29] =	ssyncset.done $0x0;
	(pc) =	sbr.rel @p0 .LBB2_2-.Ltmp0, $4  }
0x4d: {  	[sflag:s29] =	ssyncadd.s32 $0xFFFFC000  }
0x4e: {  	[spmem:s3] =	stream.indirect.scatter.add.f32 [tilespmem:s25], [sflag:$0x2], $0x80, s28, s28, $0xb8;
	[tilespmem:$0x1BD00] =	vst v63  }
0x4f: {  	_ =	swait.ge [sflag:s26], $0x4000  }
0x50: {  	s0 =	smov.u32 s13;
	[sflag:s26] =	ssyncset.done $0x0  }
0x51: {  	s0 =	sadd.s32 s1, s24;
	[sflag:s26] =	ssyncadd.s32 $0xFFFFC000  }
0x52: {  	[tilespmem:s4], [sflag:$0x2] =	stream.linear.gather [hbm4b:s0+s4], $0x80, $0x38;
	[tilespmem:$0x1BD00] =	vst v63  }
0x53: {  	_ =	swait.ge [sflag:s26], $0x80  }
0x54: {  	[sflag:s26] =	ssyncset.done $0x0  }
0x55: {  	s12 =	sadd.s32 s1, s23;
	[sflag:s26] =	ssyncadd.s32 $0xFFFFFF80  }
0x56: {  	[tilespmem:s28], [sflag:$0x2] =	stream.linear.gather [hbm4b:s12+s4], $0x80, $0x38;
	[tilespmem:$0x1BD00] =	vst v63  }
0x57: {  	_ =	swait.ge [sflag:s26], $0x80  }
0x58: {  	[sflag:s26] =	ssyncset.done $0x0  }
0x59: {  	[sflag:s26] =	ssyncadd.s32 $0xFFFFFF80  }
0x5a: {  	[tilespmem:s25], [sflag:$0x1] =	stream.indirect.gather [hbm4b:s2+s28], $0x80, s4, s28, $0xb8;
	[tilespmem:$0x1BD00] =	vst v63  }
0x5b: {  	_ =	swait.ge [sflag:s29], $0x4000  }
0x5c: {  	[sflag:s29] =	ssyncset.done $0x0  }
0x5d: {  	[sflag:s29] =	ssyncadd.s32 $0xFFFFC000  }
0x5e: {  	[spmem:s3] =	stream.indirect.scatter.add.f32 [tilespmem:s25], [sflag:$0x2], $0x80, s28, s28, $0xb8;
	[tilespmem:$0x1BD00] =	vst v63  }
0x5f: {  	_ =	swait.ge [sflag:s26], $0x4000  }
0x60: {  	[sflag:s26] =	ssyncset.done $0x0  }
0x61: {  	[sflag:s26] =	ssyncadd.s32 $0xFFFFC000  }
0x62: {  	[bflag:$0x0] =	sbarrier.arrive $0xFFFF  }
0x63: {  	[tilespmem:s25], [sflag:$0x2] =	stream.linear.gather [spmem:s7], $0x4000, $0x38;
	[tilespmem:$0x1BD00] =	vst v63  }
0x64: {  	_ =	swait.ge [sflag:s26], $0x4000  }
0x65: {  	[sflag:s26] =	ssyncset.done $0x0  }
0x66: {  	s0 =	simm.s32 $0x0;
	s13 =	rddreg [dreg:$0x5];
	[sflag:s26] =	ssyncadd.s32 $0xFFFFC000  }
0x67: {  	[hbm4b:s13+s0] =	stream.linear.scatter [tilespmem:s25], [sflag:$0x2], $0x4000, $0x38;
	[tilespmem:$0x1BD00] =	vst v63  }
0x68: {  	_ =	swait.ge [sflag:s26], $0x4000  }
0x69: {  	[sflag:s26] =	ssyncset.done $0x0  }
0x6a: {  	[sflag:s26] =	ssyncadd.s32 $0xFFFFC000  }
0x6b: {  	[tilespmem:s25], [sflag:$0x2] =	stream.linear.gather [spmem:s8], $0x4000, $0x38;
	[tilespmem:$0x1BD00] =	vst v63  }
0x6c: {  	_ =	swait.ge [sflag:s26], $0x4000  }
0x6d: {  	[sflag:s26] =	ssyncset.done $0x0  }
0x6e: {  	s6 =	rddreg [dreg:$0x6];
	[sflag:s26] =	ssyncadd.s32 $0xFFFFC000  }
0x6f: {  	[hbm4b:s6+s0] =	stream.linear.scatter [tilespmem:s25], [sflag:$0x2], $0x4000, $0x38;
	[tilespmem:$0x1BD00] =	vst v63  }
0x70: {  	_ =	swait.ge [sflag:s26], $0x4000  }
0x71: {  	[sflag:s26] =	ssyncset.done $0x0  }
0x72: {  	[sflag:s26] =	ssyncadd.s32 $0xFFFFC000  }
0x73: {  	[tilespmem:s25], [sflag:$0x2] =	stream.linear.gather [spmem:s9], $0x4000, $0x38;
	[tilespmem:$0x1BD00] =	vst v63  }
0x74: {  	_ =	swait.ge [sflag:s26], $0x4000  }
0x75: {  	[sflag:s26] =	ssyncset.done $0x0  }
0x76: {  	[sflag:s26] =	ssyncadd.s32 $0xFFFFC000  }
0x77: {  	[hbm4b:s14+s0] =	stream.linear.scatter [tilespmem:s25], [sflag:$0x2], $0x4000, $0x38;
	[tilespmem:$0x1BD00] =	vst v63  }
0x78: {  	_ =	swait.ge [sflag:s26], $0x4000  }
0x79: {  	[sflag:s26] =	ssyncset.done $0x0  }
0x7a: {  	[sflag:s26] =	ssyncadd.s32 $0xFFFFC000  }
0x7b: {  	[tilespmem:s25], [sflag:$0x2] =	stream.linear.gather [spmem:s10], $0x4000, $0x38;
	[tilespmem:$0x1BD00] =	vst v63  }
0x7c: {  	_ =	swait.ge [sflag:s26], $0x4000  }
0x7d: {  	[sflag:s26] =	ssyncset.done $0x0  }
0x7e: {  	[sflag:s26] =	ssyncadd.s32 $0xFFFFC000  }
0x7f: {  	[hbm4b:s15+s0] =	stream.linear.scatter [tilespmem:s25], [sflag:$0x2], $0x4000, $0x38;
	[tilespmem:$0x1BD00] =	vst v63  }
0x80: {  	_ =	swait.ge [sflag:s26], $0x4000  }
0x81: {  	[sflag:s26] =	ssyncset.done $0x0  }
0x82: {  	[sflag:s26] =	ssyncadd.s32 $0xFFFFC000  }
0x83: {  	[tilespmem:s25], [sflag:$0x2] =	stream.linear.gather [spmem:s11], $0x3C00, $0x38;
	[tilespmem:$0x1BD00] =	vst v63  }
0x84: {  	_ =	swait.ge [sflag:s26], $0x3C00  }
0x85: {  	[sflag:s26] =	ssyncset.done $0x0  }
0x86: {  	[sflag:s26] =	ssyncadd.s32 $0xFFFFC400  }
0x87: {  	[hbm4b:s16+s0] =	stream.linear.scatter [tilespmem:s25], [sflag:$0x2], $0x3C00, $0x38;
	[tilespmem:$0x1BD00] =	vst v63  }
0x88: {  	_ =	swait.ge [sflag:s26], $0x3C00  }
0x89: {  	[sflag:s26] =	ssyncset.done $0x0  }
0x8a: {  	[sflag:s26] =	ssyncadd.s32 $0xFFFFC400  }
0x8b: {  	[bflag:$0x0] =	sbarrier.arrive $0xFFFF  }
0x8c: {  	[tilespmem:s25], [sflag:$0x2] =	stream.linear.gather [hbm4b:s5+s0], $0x4000, $0x38;
	[tilespmem:$0x1BD00] =	vst v63  }
0x8d: {  	_ =	swait.ge [sflag:s26], $0x4000  }
0x8e: {  	[sflag:s26] =	ssyncset.done $0x0  }
0x8f: {  	[sflag:s26] =	ssyncadd.s32 $0xFFFFC000  }
0x90: {  	[spmem:s7] =	stream.linear.scatter [tilespmem:s25], [sflag:$0x2], $0x4000, $0x38;
	[tilespmem:$0x1BD00] =	vst v63  }
0x91: {  	_ =	swait.ge [sflag:s26], $0x4000  }
0x92: {  	[sflag:s26] =	ssyncset.done $0x0  }
0x93: {  	[sflag:s26] =	ssyncadd.s32 $0xFFFFC000  }
0x94: {  	[spmem:s8] =	stream.linear.scatter [tilespmem:s25], [sflag:$0x2], $0x4000, $0x38;
	[tilespmem:$0x1BD00] =	vst v63  }
0x95: {  	_ =	swait.ge [sflag:s26], $0x4000  }
0x96: {  	[sflag:s26] =	ssyncset.done $0x0  }
0x97: {  	[sflag:s26] =	ssyncadd.s32 $0xFFFFC000  }
0x98: {  	[spmem:s9] =	stream.linear.scatter [tilespmem:s25], [sflag:$0x2], $0x4000, $0x38;
	[tilespmem:$0x1BD00] =	vst v63  }
0x99: {  	_ =	swait.ge [sflag:s26], $0x4000  }
0x9a: {  	[sflag:s26] =	ssyncset.done $0x0  }
0x9b: {  	[sflag:s26] =	ssyncadd.s32 $0xFFFFC000  }
0x9c: {  	[spmem:s10] =	stream.linear.scatter [tilespmem:s25], [sflag:$0x2], $0x4000, $0x38;
	[tilespmem:$0x1BD00] =	vst v63  }
0x9d: {  	_ =	swait.ge [sflag:s26], $0x4000  }
0x9e: {  	[sflag:s26] =	ssyncset.done $0x0  }
0x9f: {  	[sflag:s26] =	ssyncadd.s32 $0xFFFFC000  }
0xa0: {  	[spmem:s11] =	stream.linear.scatter [tilespmem:s25], [sflag:$0x2], $0x3C00, $0x38;
	[tilespmem:$0x1BD00] =	vst v63  }
0xa1: {  	_ =	swait.ge [sflag:s26], $0x3C00  }
0xa2: {  	[sflag:s26] =	ssyncset.done $0x0  }
0xa3: {  	s12 =	rddreg [dreg:$0x4];
	[sflag:s26] =	ssyncadd.s32 $0xFFFFC400  }
0xa4: {  	[tilespmem:s30], [sflag:$0x2] =	stream.linear.gather [hbm4b:s12+s0], $0x4000, $0x38;
	[tilespmem:$0x1BD00] =	vst v63  }
0xa5: {  	_ =	swait.ge [sflag:s26], $0x4000  }
0xa6: {  	[sflag:s26] =	ssyncset.done $0x0  }
0xa7: {  	[sflag:s26] =	ssyncadd.s32 $0xFFFFC000  }
0xa8: {  	s13 =	sadd.s32 $0x0, s23;
	[bflag:$0x0] =	sbarrier.arrive $0xFFFF  }
0xa9: {  	[tilespmem:s28], [sflag:$0x2] =	stream.linear.gather [hbm4b:s13+s4], $0x80, $0x38;
	[tilespmem:$0x1BD00] =	vst v63  }
0xaa: {  	_ =	swait.ge [sflag:s26], $0x80  }
0xab: {  	[sflag:s26] =	ssyncset.done $0x0  }
0xac: {  	[sflag:s26] =	ssyncadd.s32 $0xFFFFFF80  }
0xad: {  	[spmem:s3] =	stream.indirect.scatter.add.f32 [tilespmem:s30], [sflag:$0x2], $0x80, s28, s28, $0xb8;
	[tilespmem:$0x1BD00] =	vst v63  }
0xae: {  	_ =	swait.ge [sflag:s26], $0x4000  }
0xaf: {  	s1 =	simm.s32 $0x10;
	s0 =	simm.s32 $0x20;
	[sflag:s26] =	ssyncset.done $0x0  }
.LBB2_4:
0xb0: {  	s6 =	sadd.s32 s1, s23  }
0xb1: {  	[sflag:s26] =	ssyncadd.s32 $0xFFFFC000;
	s1 =	smov.u32 s0;
	s12 =	sadd.s32 $0x10, s0  }
0xb2: {  	[tilespmem:s28], [sflag:$0x2] =	stream.linear.gather [hbm4b:s6+s4], $0x80, $0x38;
	[tilespmem:$0x1BD00] =	vst v63  }
0xb3: {  	p0 =	sne.s32 s0, $0x4F0;
	_ =	swait.ge [sflag:s26], $0x80  }
.Ltmp1:
0xb4: {  	[sflag:s26] =	ssyncset.done $0x0;
	(pc) =	sbr.rel @p0 .LBB2_4-.Ltmp1, $4  }
0xb5: {  	[sflag:s26] =	ssyncadd.s32 $0xFFFFFF80  }
0xb6: {  	[spmem:s3] =	stream.indirect.scatter.add.f32 [tilespmem:s30], [sflag:$0x2], $0x80, s28, s28, $0xb8;
	[tilespmem:$0x1BD00] =	vst v63  }
0xb7: {  	_ =	swait.ge [sflag:s26], $0x4000  }
0xb8: {  	s0 =	smov.u32 s12;
	[sflag:s26] =	ssyncset.done $0x0  }
0xb9: {  	s0 =	sadd.s32 s1, s23;
	[sflag:s26] =	ssyncadd.s32 $0xFFFFC000  }
0xba: {  	[tilespmem:s28], [sflag:$0x2] =	stream.linear.gather [hbm4b:s0+s4], $0x80, $0x38;
	[tilespmem:$0x1BD00] =	vst v63  }
0xbb: {  	_ =	swait.ge [sflag:s26], $0x80  }
0xbc: {  	[sflag:s26] =	ssyncset.done $0x0  }
0xbd: {  	[sflag:s26] =	ssyncadd.s32 $0xFFFFFF80  }
0xbe: {  	[spmem:s3] =	stream.indirect.scatter.add.f32 [tilespmem:s30], [sflag:$0x2], $0x80, s28, s28, $0xb8;
	[tilespmem:$0x1BD00] =	vst v63  }
0xbf: {  	_ =	swait.ge [sflag:s26], $0x4000  }
0xc0: {  	[sflag:s26] =	ssyncset.done $0x0  }
0xc1: {  	[sflag:s26] =	ssyncadd.s32 $0xFFFFC000  }
0xc2: {  	[bflag:$0x0] =	sbarrier.arrive $0xFFFF  }
0xc3: {  	[tilespmem:s25], [sflag:$0x2] =	stream.linear.gather [spmem:s7], $0x4000, $0x38;
	[tilespmem:$0x1BD00] =	vst v63  }
0xc4: {  	_ =	swait.ge [sflag:s26], $0x4000  }
0xc5: {  	[sflag:s26] =	ssyncset.done $0x0  }
0xc6: {  	[sflag:s26] =	ssyncadd.s32 $0xFFFFC000  }
0xc7: {  	[hbm4b:s17+s4] =	stream.linear.scatter [tilespmem:s25], [sflag:$0x2], $0x4000, $0x38;
	[tilespmem:$0x1BD00] =	vst v63  }
0xc8: {  	_ =	swait.ge [sflag:s26], $0x4000  }
0xc9: {  	[sflag:s26] =	ssyncset.done $0x0  }
0xca: {  	[sflag:s26] =	ssyncadd.s32 $0xFFFFC000  }
0xcb: {  	[tilespmem:s25], [sflag:$0x2] =	stream.linear.gather [spmem:s8], $0x4000, $0x38;
	[tilespmem:$0x1BD00] =	vst v63  }
0xcc: {  	_ =	swait.ge [sflag:s26], $0x4000  }
0xcd: {  	[sflag:s26] =	ssyncset.done $0x0  }
0xce: {  	[sflag:s26] =	ssyncadd.s32 $0xFFFFC000  }
0xcf: {  	[hbm4b:s18+s4] =	stream.linear.scatter [tilespmem:s25], [sflag:$0x2], $0x4000, $0x38;
	[tilespmem:$0x1BD00] =	vst v63  }
0xd0: {  	_ =	swait.ge [sflag:s26], $0x4000  }
0xd1: {  	[sflag:s26] =	ssyncset.done $0x0  }
0xd2: {  	[sflag:s26] =	ssyncadd.s32 $0xFFFFC000  }
0xd3: {  	[tilespmem:s25], [sflag:$0x2] =	stream.linear.gather [spmem:s9], $0x4000, $0x38;
	[tilespmem:$0x1BD00] =	vst v63  }
0xd4: {  	_ =	swait.ge [sflag:s26], $0x4000  }
0xd5: {  	[sflag:s26] =	ssyncset.done $0x0  }
0xd6: {  	[sflag:s26] =	ssyncadd.s32 $0xFFFFC000  }
0xd7: {  	[hbm4b:s19+s4] =	stream.linear.scatter [tilespmem:s25], [sflag:$0x2], $0x4000, $0x38;
	[tilespmem:$0x1BD00] =	vst v63  }
0xd8: {  	_ =	swait.ge [sflag:s26], $0x4000  }
0xd9: {  	[sflag:s26] =	ssyncset.done $0x0  }
0xda: {  	[sflag:s26] =	ssyncadd.s32 $0xFFFFC000  }
0xdb: {  	[tilespmem:s25], [sflag:$0x2] =	stream.linear.gather [spmem:s10], $0x4000, $0x38;
	[tilespmem:$0x1BD00] =	vst v63  }
0xdc: {  	_ =	swait.ge [sflag:s26], $0x4000  }
0xdd: {  	[sflag:s26] =	ssyncset.done $0x0  }
0xde: {  	[sflag:s26] =	ssyncadd.s32 $0xFFFFC000  }
0xdf: {  	[hbm4b:s20+s4] =	stream.linear.scatter [tilespmem:s25], [sflag:$0x2], $0x4000, $0x38;
	[tilespmem:$0x1BD00] =	vst v63  }
0xe0: {  	_ =	swait.ge [sflag:s26], $0x4000  }
0xe1: {  	[sflag:s26] =	ssyncset.done $0x0  }
0xe2: {  	[sflag:s26] =	ssyncadd.s32 $0xFFFFC000  }
0xe3: {  	[tilespmem:s25], [sflag:$0x2] =	stream.linear.gather [spmem:s11], $0x3C00, $0x38;
	[tilespmem:$0x1BD00] =	vst v63  }
0xe4: {  	s31 =	sadd.s32 $0x1, s31;
	_ =	swait.ge [sflag:s26], $0x3C00  }
0xe5: {  	p0 =	sne.s32 s31, s22;
	[sflag:s26] =	ssyncset.done $0x0  }
.Ltmp2:
0xe6: {  	[sflag:s26] =	ssyncadd.s32 $0xFFFFC400;
	(pc) =	sbr.rel @p0 .LBB2_1-.Ltmp2, $4  }
0xe7: {  	[hbm4b:s21+s4] =	stream.linear.scatter [tilespmem:s25], [sflag:$0x2], $0x3C00, $0x38;
	[tilespmem:$0x1BD00] =	vst v63  }
0xe8: {  	_ =	swait.ge [sflag:s26], $0x3C00  }
0xe9: {  	[sflag:s26] =	ssyncset.done $0x0  }
0xea: {  	[sflag:s26] =	ssyncadd.s32 $0xFFFFC400  }
0xeb: {  	_ =	sfence.sel $0x180000  }
0xec: {  	[bflag:$0x0] =	sbarrier.arrive $0xFFFF  }
0xed: {  	_ =	strace $0x90000047  }
0xee: {  	s0 =	stileid.u32;
	[bflag:$0x2] =	sbarrier.arrive $0xFFFF  }
0xef: {  	p0 =	sne.s32 s0, $0x0;
	s0 =	rddreg [dreg:$0x3]  }
0xf0: {  	s0 =	sadd.s32 @!p0 $0x100000, s0  }
0xf1: {  	[sflag:s0] =	ssyncadd.tile.s32 @!p0 $0x1;
	_ =	shalt  }
.Lfunc_end2:
_tile_overlayer_lowered:
.L_overlay_start_2:
0xf2: {  	(tag) =	ssettag $0x2  }
0xf3: {  	s0 =	rddreg [dreg:$0x0];
	s2 =	stileid.u32  }
0xf4: {  	s1 =	rddreg [dreg:$0x1];
	p0 =	sne.s32 s2, $0x0  }
0xf5: {  	s3 =	rddreg [dreg:$0x2];
	[bflag:$0x3] =	sbarrier.arrive $0xFFFF;
	s2 =	simm.s32 @!p0 $0x1C02  }
0xf6: {  	[timem:s3], [sflag:s2] =	dma.local @!p0 [hbm:s0], s1  }
0xf7: {  	s0 =	simm.s32 @!p0 $0x2  }
0xf8: {  	_ =	swait.ge @!p0 [sflag:s0], s1  }
0xf9: {  	s1 =	ssub.s32 @!p0 $0x0, s1;
	[sflag:s0] =	ssyncset.done @!p0 $0x0  }
0xfa: {  	[sflag:s0] =	ssyncadd.s32 @!p0 s1  }
0xfb: {  	[bflag:$0x3] =	sbarrier.arrive $0xFFFF  }
0xfc: {  	_ =	shalt  }

// kernel: kernel.9.cloned.1.call-start
scs
__scs_entry_jumppad:
0x0: {  	(pc) =	sbr.rel $0x88, $3  }
0x1: {  	(tag) =	ssettag $0x0;
	lr =	simm.s32 $0x1  }
0x2: {  	[smem:$0x3F97] =	sst lr;
	_ =	strace $0xD0000000  }
0x3: {  	_ = 	snop  }
0x4: {  	_ = 	snop  }
0x5: {  	_ = 	snop  }
0x6: {  	_ = 	snop  }
0x7: {  	_ = 	snop  }
__scs_overlays_trampoline_lowered:
0x8: {  	[smem:$0x3FA6] =	sst s0  }
0x9: {  	[smem:$0x3FA7] =	sst s1  }
0xa: {  	[smem:$0x3FA8] =	sst s2  }
0xb: {  	[smem:$0x3FA9] =	sst s3  }
0xc: {  	[smem:$0x3FAA] =	sst s4  }
0xd: {  	[smem:$0x3FAB] =	sst s5  }
0xe: {  	[smem:$0x3FAC] =	sst s6  }
0xf: {  	[smem:$0x3FAD] =	sst s7  }
0x10: {  	[smem:$0x3FAE] =	sst s8  }
0x11: {  	[smem:$0x3FAF] =	sst s9;
	s0 =	simm.s32 @!p0 $0x0  }
0x12: {  	s1 =	sld [smem:$0x3F95];
	s0 =	simm.s32 @p0 $0x1  }
0x13: {  	[smem:$0x3FB0] =	sst s0;
	s0 =	simm.s32 @!p1 $0x0  }
0x14: {  	s2 =	sld [smem:$0x3F94];
	s0 =	simm.s32 @p1 $0x1  }
0x15: {  	[smem:$0x3FB1] =	sst s0;
	s0 =	simm.s32 @!p2 $0x0  }
0x16: {  	s3 =	sld [smem:$0x3FDB];
	s0 =	simm.s32 @p2 $0x1  }
0x17: {  	s4 =	simm.s32 $0x1BF5;
	[smem:$0x3FB3] =	sst s0  }
0x18: {  	s0 =	sld [smem:$0x3F96];
	_ =	swait.ge [sflag:s4], $0x0  }
0x19: {  	s7 =	sld [smem:$0x3F97]  }
0x1a: {  	s8 =	sadd.s32 $0xFFFFE003, lr  }
0x1b: {  	s9 =	sadd.s32 $0xFFFFFEF7, lr;
	s5 =	simm.s32 $0xFFFFFFFF;
	p2 =	slt.u32 s8, $0xFFFFF086  }
0x1c: {  	p1 =	slt.u32 s9, $0xF7A;
	s5 =	simm.s32 @!p2 $0x0  }
0x1d: {  	s5 =	simm.s32 @p1 $0x1;
	p0 =	seq.s32 s7, s2  }
0x1e: {  	s7 =	smul.u32 @!p0 $0xF7A, s2;
	p2 =	seq.s32 @!p0 s5, $0x0  }
0x1f: {  	s9 =	smul.u32 $0xF7A, s1;
	s8 =	simm.s32 @!p0 $0x1BF5;
	p2 =	por !p2, p0  }
0x20: {  	[sflag:s8] =	ssyncset.s32 @!p0 $0xFFFFF086;
	s6 =	sadd.s32 @!p0 s3, s7;
	s7 =	simm.s32 @!p0 $0x108  }
0x21: {  	s3 =	sadd.s32 s3, s9;
	s6 =	sadd.s32 @!p0 $0x88, s6;
	s7 =	simm.s32 @p2 $0x1082  }
0x22: {  	[simem:s7], [sflag:s8] =	dma.local @!p0 [hbm:s6], $0xF7A  }
0x23: {  	s9 =	sor.u32 $0xD0000000, s2;
	s6 =	simm.s32 $0x108;
	_ =	swait.ge @!p0 [sflag:s8], $0x0  }
0x24: {  	s3 =	sadd.s32 $0x88, s3;
	s6 =	simm.s32 @!p1 $0x1082;
	[sflag:s4] =	ssyncset.s32 $0xFFFFF086  }
0x25: {  	[simem:s6], [sflag:s4] =	dma.local [hbm:s3], $0xF7A  }
0x26: {  	[smem:$0x3F97] =	sst s1;
	(tag) =	ssettag s2;
	_ =	strace s9  }
0x27: {  	s1 =	sld [smem:$0x3FA7]  }
0x28: {  	s2 =	sld [smem:$0x3FA8]  }
0x29: {  	s4 =	sld [smem:$0x3FAA]  }
0x2a: {  	p0 =	seq.s32 s5, $0x0;
	s5 =	sld [smem:$0x3FAB]  }
0x2b: {  	s6 =	sld [smem:$0x3FAC]  }
0x2c: {  	s7 =	sld [smem:$0x3FAD]  }
0x2d: {  	s3 =	simm.s32 $0x108;
	s8 =	sld [smem:$0x3FAE]  }
0x2e: {  	s3 =	simm.s32 @!p0 $0x1082;
	s9 =	sld [smem:$0x3FAF]  }
0x2f: {  	lr =	sadd.s32 s0, s3;
	s0 =	sld [smem:$0x3FA6]  }
0x30: {  	s3 =	sld [smem:$0x3FA9]  }
0x31: {  	[smem:$0x3FB2] =	sst s10  }
0x32: {  	s10 =	sld [smem:$0x3FB0];
	_ =	sdelay $0x3  }
0x33: {  	p0 =	seq.s32 s10, $0x1;
	s10 =	sld [smem:$0x3FB2];
	_ =	sdelay $0x3  }
0x34: {  	[smem:$0x3FB2] =	sst s10  }
0x35: {  	s10 =	sld [smem:$0x3FB1];
	_ =	sdelay $0x3  }
0x36: {  	p1 =	seq.s32 s10, $0x1;
	s10 =	sld [smem:$0x3FB2];
	_ =	sdelay $0x3  }
0x37: {  	[smem:$0x3FB2] =	sst s10  }
0x38: {  	s10 =	sld [smem:$0x3FB3]  }
0x39: {  	_ = 	snop;
	(pc) =	sbr.ind lr, $3  }
0x3a: {  	_ = 	snop  }
0x3b: {  	_ = 	snop  }
0x3c: {  	p2 =	seq.s32 s10, $0x1;
	s10 =	sld [smem:$0x3FB2]  }
0x3d: {  	_ =	shalt  }
0x3e: {  	_ =	shalt  }
0x3f: {  	_ =	shalt  }
0x40: {  	_ =	shalt  }
0x41: {  	_ =	shalt  }
0x42: {  	_ =	shalt  }
0x43: {  	_ =	shalt  }
0x44: {  	_ =	shalt  }
0x45: {  	_ =	shalt  }
0x46: {  	_ =	shalt  }
0x47: {  	_ =	shalt  }
0x48: {  	_ =	shalt  }
0x49: {  	_ =	shalt  }
0x4a: {  	_ =	shalt  }
0x4b: {  	_ =	shalt  }
0x4c: {  	_ =	shalt  }
0x4d: {  	_ =	shalt  }
0x4e: {  	_ =	shalt  }
0x4f: {  	_ =	shalt  }
0x50: {  	_ =	shalt  }
0x51: {  	_ =	shalt  }
0x52: {  	_ =	shalt  }
0x53: {  	_ =	shalt  }
0x54: {  	_ =	shalt  }
0x55: {  	_ =	shalt  }
0x56: {  	_ =	shalt  }
0x57: {  	_ =	shalt  }
0x58: {  	_ =	shalt  }
0x59: {  	_ =	shalt  }
0x5a: {  	_ =	shalt  }
0x5b: {  	_ =	shalt  }
0x5c: {  	_ =	shalt  }
0x5d: {  	_ =	shalt  }
0x5e: {  	_ =	shalt  }
0x5f: {  	_ =	shalt  }
0x60: {  	_ =	shalt  }
0x61: {  	_ =	shalt  }
0x62: {  	_ =	shalt  }
0x63: {  	_ =	shalt  }
0x64: {  	_ =	shalt  }
0x65: {  	_ =	shalt  }
0x66: {  	_ =	shalt  }
0x67: {  	_ =	shalt  }
0x68: {  	_ =	shalt  }
0x69: {  	_ =	shalt  }
0x6a: {  	_ =	shalt  }
0x6b: {  	_ =	shalt  }
0x6c: {  	_ =	shalt  }
0x6d: {  	_ =	shalt  }
0x6e: {  	_ =	shalt  }
0x6f: {  	_ =	shalt  }
0x70: {  	_ =	shalt  }
0x71: {  	_ =	shalt  }
0x72: {  	_ =	shalt  }
0x73: {  	_ =	shalt  }
0x74: {  	_ =	shalt  }
0x75: {  	_ =	shalt  }
0x76: {  	_ =	shalt  }
0x77: {  	_ =	shalt  }
0x78: {  	_ =	shalt  }
0x79: {  	_ =	shalt  }
0x7a: {  	_ =	shalt  }
0x7b: {  	_ =	shalt  }
0x7c: {  	_ =	shalt  }
0x7d: {  	_ =	shalt  }
0x7e: {  	_ =	shalt  }
0x7f: {  	_ =	shalt  }
0x80: {  	_ =	shalt  }
0x81: {  	_ =	shalt  }
0x82: {  	_ =	shalt  }
0x83: {  	_ =	shalt  }
0x84: {  	_ =	shalt  }
0x85: {  	_ =	shalt  }
0x86: {  	_ =	shalt  }
0x87: {  	_ =	shalt  }
.Lfunc_end0:
.L_simem_size_0:
called_computation.1_lowered:
.L_overlay_start_0:
0x88: {  	s2 =	sld [smem:$0x3FD9]  }
0x89: {  	s3 =	sld [smem:$0x3FFE];
	_ =	sdelay $0x1  }
0x8a: {  	s1 =	srdreg.scid  }
0x8b: {  	s0 =	sand.u32 $0x1, s1  }
0x8c: {  	s17 =	sshll.u32 s0, $0xA;
	s2 =	sadd.s32 s3, s2  }
0x8d: {  	s2 =	sadd.s32 s2, s17  }
0x8e: {  	[smem:$0x3FBE] =	sst s2  }
0x8f: {  	_ = 	snop  }
0x90: {  	s2 =	sld [smem:$0x3FD0];
	(tm) =	ssettm $0x1  }
0x91: {  	s18 =	sld [smem:$0x3FFB];
	_ =	sdelay $0x3  }
0x92: {  	_ =	strace s18  }
0x93: {  	s3 =	sld [smem:$0x3FFC];
	_ =	sdelay $0x3  }
0x94: {  	_ =	strace s3  }
0x95: {  	s3 =	sld [smem:$0x3FFD];
	_ =	sdelay $0x3  }
0x96: {  	_ =	strace s3  }
0x97: {  	_ =	strace $0x8FFFFFFF  }
0x98: {  	s19 =	sld [smem:$0x3FDB];
	_ =	sdelay $0x1  }
0x99: {  	s4 =	simm.s32 $_scs_section_size  }
0x9a: {  	s5 =	simm.s32 $_size__tile_overlayer_lowered;
	s6 =	simm.s32 $_tile_overlayer_lowered  }
0x9b: {  	s22 =	simm.s32 $0x1BFF;
	s21 =	sshll.u32 s6, $0x1;
	s3 =	sadd.s32 s4, s19  }
0x9c: {  	s7 =	simm.s32 $0x0;
	s20 =	sshll.u32 s5, $0x1;
	s5 =	sadd.s32 s21, s3  }
0x9d: {  	[timem:s7], [sflag:s22] =	dma.local [hbm:s5], s20  }
0x9e: {  	_ =	swait.ge [sflag:s22], s20  }
0x9f: {  	s4 =	ssub.s32 $0x0, s20;
	[sflag:s22] =	ssyncset.done $0x0  }
0xa0: {  	[sflag:s22] =	ssyncadd.s32 s4;
	_ =	sdelay $0x1  }
0xa1: {  	s23 =	simm.s32 $0x1B8B  }
0xa2: {  	_ =	swait.ge [sflag:s23], $0x1  }
0xa3: {  	[sflag:s23] =	ssyncset.done $0x0  }
0xa4: {  	s25 =	simm.s32 $0x1B8E;
	s24 =	sld [smem:$0x3FFE];
	[sflag:s23] =	ssyncadd.s32 $0xFFFFFFFF  }
0xa5: {  	s26 =	simm.s32 $execute0_lowered;
	[smem:$0x3FD2] =	sst s25  }
0xa6: {  	s5 =	sshll.u32 s26, $0x1;
	_ =	strace $0x80000049;
	[dreg:$0x1] =	wrdreg $0xFFFFFFFF  }
0xa7: {  	s28 =	simm.s32 $_size_execute0_lowered;
	s3 =	sadd.s32 s3, s5;
	[dreg:$0x0] =	wrdreg $0x0  }
0xa8: {  	s5 =	sshll.u32 s28, $0x1;
	[dreg:$0x2] =	wrdreg s3  }
0xa9: {  	[dreg:$0x3] =	wrdreg s5  }
0xaa: {  	[dreg:$0x4] =	wrdreg $0xC0  }
0xab: {  	_ =	task [dreg:s7], $0x5FFFF  }
0xac: {  	[dreg:$0x1] =	wrdreg $0xFFFFFFFF  }
0xad: {  	[dreg:$0x0] =	wrdreg $0x60  }
0xae: {  	[dreg:$0x2] =	wrdreg s2  }
0xaf: {  	[dreg:$0x3] =	wrdreg s24  }
0xb0: {  	[dreg:$0x4] =	wrdreg $0x41000  }
0xb1: {  	[dreg:$0x5] =	wrdreg $0x9  }
0xb2: {  	_ =	task.clear_ibuf [dreg:s7], $0x6FFFF;
	_ =	strace $0x90000049  }
0xb3: {  	s29 =	simm.s32 $0x9;
	_ =	strace $0x8000004B  }
0xb4: {  	_ =	swait.ge [sflag:s29], $0x1  }
0xb5: {  	[sflag:s29] =	ssyncadd.s32 $0xFFFFFFFF  }
0xb6: {  	_ =	strace $0x9000004B  }
0xb7: {  	_ =	sfence  }
0xb8: {  	s30 =	sld [smem:$0x0];
	_ =	sdelay $0x2  }
0xb9: {  	s31 =	sshll.u32 s1, $0xD;
	s1 =	sshrl.u32 s1, $0x2  }
0xba: {  	s3 =	sand.u32 $0x4000, s31;
	s1 =	sadd.s32 s1, s30  }
0xbb: {  	s0 =	sor.u32 s3, s0;
	s1 =	sshll.u32 s1, $0x11  }
0xbc: {  	s0 =	sor.u32 s1, s0  }
0xbd: {  	s0 =	sadd.s32 $0x8F2B, s0  }
0xbe: {  	[sflag:s0] =	ssyncadd.remote.s32 $0x1  }
0xbf: {  	_ =	sfence.sel $0xFFFF  }
0xc0: {  	[dreg:$0x0] =	wrdreg $0xFFFFFFFF;
	(pc) =	sbr.abs _section_cstart, $3  }
0xc1: {  	[dreg:$0x1] =	wrdreg $0xFFFFFFFF  }
0xc2: {  	_ =	task.clear_ibuf [dreg:s7], $0x2FFFF;
	_ =	strace $0x9FFFFFFF  }
0xc3: {  	(tm) =	ssettm $0x7FFFFFFF  }
tec
execute0_lowered:
.L_overlay_start_1:
0x0: {  	(tag) =	ssettag $0x1  }
0x1: {  	s1 =	rddreg [dreg:$0x0]  }
0x2: {  	s6 =	rddreg [dreg:$0x1]  }
0x3: {  	s3 =	rddreg [dreg:$0x2];
	s2 =	stileid.u32  }
0x4: {  	s0 =	rddreg [dreg:$0x3];
	s4 =	simm.s32 $0x0;
	s5 =	smul.u32 $0xA00, s2  }
0x5: {  	s7 =	srdreg.scid;
	s22 =	simm.s32 $0x1;
	s25 =	smul.u32 $0x4F000, s2  }
0x6: {  	s23 =	simm.s32 $0x0;
	s13 =	sand.u32 $0x1, s7;
	s10 =	smul.u32 $0x13C00, s2  }
0x7: {  	[smem:$0x7FF] =	sst s4;
	s16 =	sadd.s32 $0x17400, s6;
	s19 =	smul.u32 $0x13C000, s13  }
0x8: {  	_ =	strace $0x8000004A;
	s8 =	ssub.s32 $0x2, s13;
	s28 =	smul.u32 $0x500, s13  }
0x9: {  	s15 =	sadd.s32 s5, s6;
	s5 =	sadd.s32 $0x16C00, s6;
	s26 =	sshrl.u32 s8, $0x1  }
0xa: {  	s7 =	sshrl.u32 s25, $0x2;
	s11 =	sadd.s32 $0x4000, s10;
	s14 =	sadd.s32 $0x8000, s10  }
0xb: {  	s18 =	sadd.s32 $0xC000, s10;
	s20 =	sadd.s32 $0x10000, s10;
	s17 =	ssub.s32 s8, s26  }
0xc: {  	s6 =	sadd.s32 s7, s3;
	s7 =	sadd.s32 s11, s3;
	s8 =	sadd.s32 s14, s3  }
0xd: {  	s9 =	sadd.s32 s18, s3;
	s12 =	sadd.s32 s10, s19;
	s11 =	sadd.s32 s19, s11  }
0xe: {  	s10 =	sadd.s32 s20, s3;
	s14 =	sadd.s32 s19, s14;
	s18 =	sadd.s32 s19, s18  }
0xf: {  	s30 =	sadd.s32 s19, s20;
	s31 =	sadd.s32 s28, s15;
	s19 =	simm.s32 $0x100  }
0x10: {  	s20 =	simm.s32 $0x2;
	s12 =	sshrl.u32 s12, $0x3;
	s21 =	sshrl.u32 s11, $0x3  }
0x11: {  	s14 =	sshrl.u32 s14, $0x3;
	s29 =	sshrl.u32 s18, $0x3;
	s18 =	sshrl.u32 s30, $0x3  }
0x12: {  	s11 =	sadd.s32 s16, s12;
	s12 =	sadd.s32 s16, s21;
	s13 =	sadd.s32 s16, s14  }
0x13: {  	s14 =	sadd.s32 s16, s29;
	s15 =	sadd.s32 s16, s18;
	s16 =	smax.u32 s17, $0x1  }
0x14: {  	s17 =	sadd.s32 $0x2400, s31;
	s18 =	sadd.s32 $0xC400, s31;
	s21 =	simm.s32 $0x80  }
.LBB2_1:
0x15: {  	[tilespmem:s19], [sflag:$0x2] =	stream.linear.gather [hbm4b:s5+s4], $0x4000, $0x38;
	[tilespmem:$0x17D00] =	vst v63  }
0x16: {  	_ =	swait.ge [sflag:s20], $0x4000  }
0x17: {  	[sflag:s20] =	ssyncset.done $0x0  }
0x18: {  	[sflag:s20] =	ssyncadd.s32 $0xFFFFC000  }
0x19: {  	[spmem:s6] =	stream.linear.scatter [tilespmem:s19], [sflag:$0x2], $0x4000, $0x38;
	[tilespmem:$0x17D00] =	vst v63  }
0x1a: {  	_ =	swait.ge [sflag:s20], $0x4000  }
0x1b: {  	[sflag:s20] =	ssyncset.done $0x0  }
0x1c: {  	[sflag:s20] =	ssyncadd.s32 $0xFFFFC000  }
0x1d: {  	[spmem:s7] =	stream.linear.scatter [tilespmem:s19], [sflag:$0x2], $0x4000, $0x38;
	[tilespmem:$0x17D00] =	vst v63  }
0x1e: {  	_ =	swait.ge [sflag:s20], $0x4000  }
0x1f: {  	[sflag:s20] =	ssyncset.done $0x0  }
0x20: {  	[sflag:s20] =	ssyncadd.s32 $0xFFFFC000  }
0x21: {  	[spmem:s8] =	stream.linear.scatter [tilespmem:s19], [sflag:$0x2], $0x4000, $0x38;
	[tilespmem:$0x17D00] =	vst v63  }
0x22: {  	_ =	swait.ge [sflag:s20], $0x4000  }
0x23: {  	[sflag:s20] =	ssyncset.done $0x0  }
0x24: {  	[sflag:s20] =	ssyncadd.s32 $0xFFFFC000  }
0x25: {  	[spmem:s9] =	stream.linear.scatter [tilespmem:s19], [sflag:$0x2], $0x4000, $0x38;
	[tilespmem:$0x17D00] =	vst v63  }
0x26: {  	_ =	swait.ge [sflag:s20], $0x4000  }
0x27: {  	[sflag:s20] =	ssyncset.done $0x0  }
0x28: {  	[sflag:s20] =	ssyncadd.s32 $0xFFFFC000  }
0x29: {  	[spmem:s10] =	stream.linear.scatter [tilespmem:s19], [sflag:$0x2], $0x3C00, $0x38;
	[tilespmem:$0x17D00] =	vst v63  }
0x2a: {  	_ =	swait.ge [sflag:s20], $0x3C00  }
0x2b: {  	[sflag:s20] =	ssyncset.done $0x0  }
0x2c: {  	[sflag:s20] =	ssyncadd.s32 $0xFFFFC400  }
0x2d: {  	s24 =	sadd.s32 $0x0, s18;
	[bflag:$0x0] =	sbarrier.arrive $0xFFFF  }
0x2e: {  	[tilespmem:s4], [sflag:$0x2] =	stream.linear.gather [hbm4b:s24+s4], $0x80, $0x38;
	[tilespmem:$0x17D00] =	vst v63  }
0x2f: {  	_ =	swait.ge [sflag:s20], $0x80  }
0x30: {  	[sflag:s20] =	ssyncset.done $0x0  }
0x31: {  	s31 =	sadd.s32 $0x0, s17;
	[sflag:s20] =	ssyncadd.s32 $0xFFFFFF80  }
0x32: {  	[tilespmem:s21], [sflag:$0x2] =	stream.linear.gather [hbm4b:s31+s4], $0x80, $0x38;
	[tilespmem:$0x17D00] =	vst v63  }
0x33: {  	_ =	swait.ge [sflag:s20], $0x80  }
0x34: {  	[sflag:s20] =	ssyncset.done $0x0  }
0x35: {  	[sflag:s20] =	ssyncadd.s32 $0xFFFFFF80  }
0x36: {  	[tilespmem:s19], [sflag:$0x1] =	stream.indirect.gather [hbm4b:s1+s21], $0x80, s4, s21, $0xb8;
	[tilespmem:$0x17D00] =	vst v63  }
0x37: {  	_ =	swait.ge [sflag:s22], $0x4000  }
0x38: {  	[sflag:s22] =	ssyncset.done $0x0  }
0x39: {  	[sflag:s22] =	ssyncadd.s32 $0xFFFFC000  }
0x3a: {  	[spmem:s3] =	stream.indirect.scatter.add.f32 [tilespmem:s19], [sflag:$0x2], $0x80, s21, s21, $0xb8;
	[tilespmem:$0x17D00] =	vst v63  }
0x3b: {  	_ =	swait.ge [sflag:s20], $0x4000  }
0x3c: {  	s25 =	simm.s32 $0x20;
	s24 =	simm.s32 $0x10;
	[sflag:s20] =	ssyncset.done $0x0  }
.LBB2_2:
0x3d: {  	s26 =	sadd.s32 s24, s18  }
0x3e: {  	[sflag:s20] =	ssyncadd.s32 $0xFFFFC000;
	s28 =	smov.u32 s25;
	s29 =	sadd.s32 $0x10, s25  }
0x3f: {  	[tilespmem:s4], [sflag:$0x2] =	stream.linear.gather [hbm4b:s26+s4], $0x80, $0x38;
	[tilespmem:$0x17D00] =	vst v63  }
0x40: {  	p0 =	sne.s32 s25, $0x4F0;
	_ =	swait.ge [sflag:s20], $0x80  }
0x41: {  	[sflag:s20] =	ssyncset.done $0x0  }
0x42: {  	s25 =	sadd.s32 s24, s17;
	s24 =	smov.u32 s28;
	[sflag:s20] =	ssyncadd.s32 $0xFFFFFF80  }
0x43: {  	[tilespmem:s21], [sflag:$0x2] =	stream.linear.gather [hbm4b:s25+s4], $0x80, $0x38;
	[tilespmem:$0x17D00] =	vst v63  }
0x44: {  	_ =	swait.ge [sflag:s20], $0x80  }
0x45: {  	[sflag:s20] =	ssyncset.done $0x0  }
0x46: {  	[sflag:s20] =	ssyncadd.s32 $0xFFFFFF80  }
0x47: {  	[tilespmem:s19], [sflag:$0x1] =	stream.indirect.gather [hbm4b:s1+s21], $0x80, s4, s21, $0xb8;
	[tilespmem:$0x17D00] =	vst v63  }
0x48: {  	_ =	swait.ge [sflag:s22], $0x4000  }
.Ltmp0:
0x49: {  	[sflag:s22] =	ssyncset.done $0x0;
	(pc) =	sbr.rel @p0 .LBB2_2-.Ltmp0, $4  }
0x4a: {  	[sflag:s22] =	ssyncadd.s32 $0xFFFFC000  }
0x4b: {  	[spmem:s3] =	stream.indirect.scatter.add.f32 [tilespmem:s19], [sflag:$0x2], $0x80, s21, s21, $0xb8;
	[tilespmem:$0x17D00] =	vst v63  }
0x4c: {  	_ =	swait.ge [sflag:s20], $0x4000  }
0x4d: {  	s25 =	smov.u32 s29;
	[sflag:s20] =	ssyncset.done $0x0  }
0x4e: {  	s25 =	sadd.s32 s24, s18;
	[sflag:s20] =	ssyncadd.s32 $0xFFFFC000  }
0x4f: {  	[tilespmem:s4], [sflag:$0x2] =	stream.linear.gather [hbm4b:s25+s4], $0x80, $0x38;
	[tilespmem:$0x17D00] =	vst v63  }
0x50: {  	_ =	swait.ge [sflag:s20], $0x80  }
0x51: {  	[sflag:s20] =	ssyncset.done $0x0  }
0x52: {  	s31 =	sadd.s32 s24, s17;
	[sflag:s20] =	ssyncadd.s32 $0xFFFFFF80  }
0x53: {  	[tilespmem:s21], [sflag:$0x2] =	stream.linear.gather [hbm4b:s31+s4], $0x80, $0x38;
	[tilespmem:$0x17D00] =	vst v63  }
0x54: {  	_ =	swait.ge [sflag:s20], $0x80  }
0x55: {  	[sflag:s20] =	ssyncset.done $0x0  }
0x56: {  	[sflag:s20] =	ssyncadd.s32 $0xFFFFFF80  }
0x57: {  	[tilespmem:s19], [sflag:$0x1] =	stream.indirect.gather [hbm4b:s1+s21], $0x80, s4, s21, $0xb8;
	[tilespmem:$0x17D00] =	vst v63  }
0x58: {  	_ =	swait.ge [sflag:s22], $0x4000  }
0x59: {  	[sflag:s22] =	ssyncset.done $0x0  }
0x5a: {  	[sflag:s22] =	ssyncadd.s32 $0xFFFFC000  }
0x5b: {  	[spmem:s3] =	stream.indirect.scatter.add.f32 [tilespmem:s19], [sflag:$0x2], $0x80, s21, s21, $0xb8;
	[tilespmem:$0x17D00] =	vst v63  }
0x5c: {  	_ =	swait.ge [sflag:s20], $0x4000  }
0x5d: {  	[sflag:s20] =	ssyncset.done $0x0  }
0x5e: {  	[sflag:s20] =	ssyncadd.s32 $0xFFFFC000  }
0x5f: {  	[bflag:$0x0] =	sbarrier.arrive $0xFFFF  }
0x60: {  	[tilespmem:s19], [sflag:$0x2] =	stream.linear.gather [spmem:s6], $0x4000, $0x38;
	[tilespmem:$0x17D00] =	vst v63  }
0x61: {  	_ =	swait.ge [sflag:s20], $0x4000  }
0x62: {  	[sflag:s20] =	ssyncset.done $0x0  }
0x63: {  	[sflag:s20] =	ssyncadd.s32 $0xFFFFC000  }
0x64: {  	[hbm4b:s11+s4] =	stream.linear.scatter [tilespmem:s19], [sflag:$0x2], $0x4000, $0x38;
	[tilespmem:$0x17D00] =	vst v63  }
0x65: {  	_ =	swait.ge [sflag:s20], $0x4000  }
0x66: {  	[sflag:s20] =	ssyncset.done $0x0  }
0x67: {  	[sflag:s20] =	ssyncadd.s32 $0xFFFFC000  }
0x68: {  	[tilespmem:s19], [sflag:$0x2] =	stream.linear.gather [spmem:s7], $0x4000, $0x38;
	[tilespmem:$0x17D00] =	vst v63  }
0x69: {  	_ =	swait.ge [sflag:s20], $0x4000  }
0x6a: {  	[sflag:s20] =	ssyncset.done $0x0  }
0x6b: {  	[sflag:s20] =	ssyncadd.s32 $0xFFFFC000  }
0x6c: {  	[hbm4b:s12+s4] =	stream.linear.scatter [tilespmem:s19], [sflag:$0x2], $0x4000, $0x38;
	[tilespmem:$0x17D00] =	vst v63  }
0x6d: {  	_ =	swait.ge [sflag:s20], $0x4000  }
0x6e: {  	[sflag:s20] =	ssyncset.done $0x0  }
0x6f: {  	[sflag:s20] =	ssyncadd.s32 $0xFFFFC000  }
0x70: {  	[tilespmem:s19], [sflag:$0x2] =	stream.linear.gather [spmem:s8], $0x4000, $0x38;
	[tilespmem:$0x17D00] =	vst v63  }
0x71: {  	_ =	swait.ge [sflag:s20], $0x4000  }
0x72: {  	[sflag:s20] =	ssyncset.done $0x0  }
0x73: {  	[sflag:s20] =	ssyncadd.s32 $0xFFFFC000  }
0x74: {  	[hbm4b:s13+s4] =	stream.linear.scatter [tilespmem:s19], [sflag:$0x2], $0x4000, $0x38;
	[tilespmem:$0x17D00] =	vst v63  }
0x75: {  	_ =	swait.ge [sflag:s20], $0x4000  }
0x76: {  	[sflag:s20] =	ssyncset.done $0x0  }
0x77: {  	[sflag:s20] =	ssyncadd.s32 $0xFFFFC000  }
0x78: {  	[tilespmem:s19], [sflag:$0x2] =	stream.linear.gather [spmem:s9], $0x4000, $0x38;
	[tilespmem:$0x17D00] =	vst v63  }
0x79: {  	_ =	swait.ge [sflag:s20], $0x4000  }
0x7a: {  	[sflag:s20] =	ssyncset.done $0x0  }
0x7b: {  	[sflag:s20] =	ssyncadd.s32 $0xFFFFC000  }
0x7c: {  	[hbm4b:s14+s4] =	stream.linear.scatter [tilespmem:s19], [sflag:$0x2], $0x4000, $0x38;
	[tilespmem:$0x17D00] =	vst v63  }
0x7d: {  	_ =	swait.ge [sflag:s20], $0x4000  }
0x7e: {  	[sflag:s20] =	ssyncset.done $0x0  }
0x7f: {  	[sflag:s20] =	ssyncadd.s32 $0xFFFFC000  }
0x80: {  	[tilespmem:s19], [sflag:$0x2] =	stream.linear.gather [spmem:s10], $0x3C00, $0x38;
	[tilespmem:$0x17D00] =	vst v63  }
0x81: {  	s23 =	sadd.s32 $0x1, s23;
	_ =	swait.ge [sflag:s20], $0x3C00  }
0x82: {  	p0 =	sne.s32 s23, s16;
	[sflag:s20] =	ssyncset.done $0x0  }
.Ltmp1:
0x83: {  	[sflag:s20] =	ssyncadd.s32 $0xFFFFC400;
	(pc) =	sbr.rel @p0 .LBB2_1-.Ltmp1, $4  }
0x84: {  	[hbm4b:s15+s4] =	stream.linear.scatter [tilespmem:s19], [sflag:$0x2], $0x3C00, $0x38;
	[tilespmem:$0x17D00] =	vst v63  }
0x85: {  	_ =	swait.ge [sflag:s20], $0x3C00  }
0x86: {  	[sflag:s20] =	ssyncset.done $0x0  }
0x87: {  	[sflag:s20] =	ssyncadd.s32 $0xFFFFC400  }
0x88: {  	_ =	sfence.sel $0x180000  }
0x89: {  	[bflag:$0x0] =	sbarrier.arrive $0xFFFF  }
0x8a: {  	p0 =	sne.s32 s2, $0x0;
	_ =	strace $0x9000004A  }
0x8b: {  	s0 =	sadd.s32 @!p0 $0x100000, s0;
	[bflag:$0x2] =	sbarrier.arrive $0xFFFF  }
0x8c: {  	[sflag:s0] =	ssyncadd.tile.s32 @!p0 $0x1;
	_ =	shalt  }
.Lfunc_end2:
_tile_overlayer_lowered:
.L_overlay_start_2:
0x8d: {  	(tag) =	ssettag $0x2  }
0x8e: {  	s0 =	rddreg [dreg:$0x0];
	s2 =	stileid.u32  }
0x8f: {  	s1 =	rddreg [dreg:$0x1];
	p0 =	sne.s32 s2, $0x0  }
0x90: {  	s3 =	rddreg [dreg:$0x2];
	[bflag:$0x3] =	sbarrier.arrive $0xFFFF;
	s2 =	simm.s32 @!p0 $0x1C02  }
0x91: {  	[timem:s3], [sflag:s2] =	dma.local @!p0 [hbm:s0], s1  }
0x92: {  	s0 =	simm.s32 @!p0 $0x2  }
0x93: {  	_ =	swait.ge @!p0 [sflag:s0], s1  }
0x94: {  	s1 =	ssub.s32 @!p0 $0x0, s1;
	[sflag:s0] =	ssyncset.done @!p0 $0x0  }
0x95: {  	[sflag:s0] =	ssyncadd.s32 @!p0 s1  }
0x96: {  	[bflag:$0x3] =	sbarrier.arrive $0xFFFF  }
0x97: {  	_ =	shalt  }

</sc_bundles>
